<compile_context>
chip_gen: v7x
topology: tpu7x:2x2x1
jax: 0.10.2.dev20260603
libtpu: 0.0.44.dev20260713+nightly
codegen_flags: <defaults>
</compile_context>

<pallas_src>
import functools

import jax
import jax.numpy as jnp
from jax import lax
from jax.experimental import pallas as pl
from jax.experimental.pallas import tpu as pltpu
from jax.experimental.pallas import tpu_sc as plsc

D_MODEL = 128
SEQ = 200
BATCH = 4096
NUM_ROWS = BATCH * SEQ
NUM_CORES = 2
NUM_SUBCORES = 16
NUM_WORKERS = NUM_CORES * NUM_SUBCORES
ROWS_PER_WORKER = NUM_ROWS // NUM_WORKERS
CHUNK = 128
NUM_CHUNKS = ROWS_PER_WORKER // CHUNK
LANES = 16
NBUF = 4
POS_ROWS = SEQ

assert NUM_CHUNKS % NBUF == 0 and NBUF >= 2 and CHUNK % 8 == 0 and CHUNK <= 128


@jax.jit
def _emb_lookup(x_flat, token_table, pos_table):
    mesh = plsc.VectorSubcoreMesh(
        core_axis_name="c", subcore_axis_name="s",
        num_cores=NUM_CORES, num_subcores=NUM_SUBCORES,
    )

    @functools.partial(
        pl.kernel,
        mesh=mesh,
        out_type=jax.ShapeDtypeStruct((NUM_ROWS, D_MODEL), jnp.float32),
        scratch_types=[
            pltpu.VMEM((ROWS_PER_WORKER,), jnp.int32),
            pltpu.VMEM((POS_ROWS, D_MODEL), jnp.float32),
            [pltpu.VMEM((CHUNK, D_MODEL), jnp.float32)] * NBUF,
            [pltpu.SemaphoreType.DMA] * NBUF,
            [pltpu.SemaphoreType.DMA] * NBUF,
        ],
    )
    def k(x_hbm, tok_hbm, pos_hbm, out_hbm, idx_v, pos_v, rows, gsem, osem):
        wid = lax.axis_index("s") * NUM_CORES + lax.axis_index("c")
        base = pl.multiple_of(wid * ROWS_PER_WORKER, CHUNK)

        pltpu.sync_copy(x_hbm.at[pl.ds(base, ROWS_PER_WORKER)], idx_v)
        pltpu.sync_copy(pos_hbm.at[pl.ds(0, SEQ)], pos_v)

        def gather_start(k_, buf):
            start = pl.multiple_of(k_ * CHUNK, CHUNK)
            pltpu.async_copy(
                tok_hbm.at[idx_v.at[pl.ds(start, CHUNK)]], rows[buf], gsem[buf]
            )

        def gather_wait(k_, buf):
            start = pl.multiple_of(k_ * CHUNK, CHUNK)
            pltpu.make_async_copy(
                tok_hbm.at[idx_v.at[pl.ds(start, CHUNK)]], rows[buf], gsem[buf]
            ).wait()

        def out_start(k_, buf):
            start = pl.multiple_of(k_ * CHUNK, CHUNK)
            pltpu.async_copy(
                rows[buf], out_hbm.at[pl.ds(base + start, CHUNK)], osem[buf]
            )

        def out_wait(k_, buf):
            start = pl.multiple_of(k_ * CHUNK, CHUNK)
            pltpu.make_async_copy(
                rows[buf], out_hbm.at[pl.ds(base + start, CHUNK)], osem[buf]
            ).wait()

        def add_pos(k_, buf):
            t0 = lax.rem(k_ * CHUNK, SEQ)
            rbuf = rows[buf]

            @plsc.parallel_loop(0, CHUNK, unroll=4)
            def _(i):
                t = lax.rem(t0 + i, SEQ)
                for j in range(D_MODEL // LANES):
                    pv = pos_v[t, pl.ds(j * LANES, LANES)]
                    plsc.addupdate(rbuf.at[i, pl.ds(j * LANES, LANES)], pv)

        def consume(kc, b):
            gather_wait(kc, b)
            add_pos(kc, b)
            out_start(kc, b)

        gather_start(0, 0)
        for kc in range(NBUF - 1):
            gather_start(kc + 1, (kc + 1) % NBUF)
            consume(kc, kc % NBUF)

        def loop_body(it, carry):
            c = NBUF - 1 + it * NBUF
            for db in range(NBUF):
                kc = c + db
                b = (NBUF - 1 + db) % NBUF
                bn = db % NBUF
                out_wait(kc + 1 - NBUF, bn)
                gather_start(kc + 1, bn)
                consume(kc, b)
            return carry

        lax.fori_loop(0, (NUM_CHUNKS - NBUF) // NBUF, loop_body, 0)

        consume(NUM_CHUNKS - 1, (NUM_CHUNKS - 1) % NBUF)
        for kc in range(NUM_CHUNKS - NBUF, NUM_CHUNKS):
            out_wait(kc, kc % NBUF)

    return k(x_flat, token_table, pos_table)


def kernel(x, token_table, pos_table):
    x_flat = x.reshape(-1).astype(jnp.int32)
    out = _emb_lookup(x_flat, token_table, pos_table)
    return out.reshape(BATCH, SEQ, D_MODEL)

# --- scband reference (transcript-rebuilt; emitter-appended) ---
"""Pipeline reference for scband-positional-embedding-48619029791135 (READ-ONLY COPY).

The authoritative reference and input builder live on the scoring server;
editing this copy changes nothing except your own understanding.
"""

import jax, jax.numpy as jnp
import numpy as np

VOCAB_SIZE = 100000
D_MODEL = 128
MAX_LEN = 256
BATCH = 4096
SEQ = 200

def setup_inputs(seed: int = 0) -> dict:
    key = jax.random.key(seed)
    k1, k2, k3 = jax.random.split(key, 3)
    x = jax.random.randint(k1, (BATCH, SEQ), 0, VOCAB_SIZE, dtype=jnp.int64 if jax.config.jax_enable_x64 else jnp.int32)
    # Keras Embedding default init is uniform(-0.05, 0.05)
    token_table = jax.random.uniform(k2, (VOCAB_SIZE, D_MODEL), dtype=jnp.float32, minval=-0.05, maxval=0.05)
    pos_table = jax.random.uniform(k3, (MAX_LEN, D_MODEL), dtype=jnp.float32, minval=-0.05, maxval=0.05)
    return {"x": x, "token_table": token_table, "pos_table": pos_table}

def reference(x, token_table, pos_table):
    T = x.shape[1]
    positions = jnp.arange(T)
    pos = jnp.take(pos_table, positions, axis=0)          # [T, d_model]
    tok = jnp.take(token_table, x, axis=0)                # [B, T, d_model]
    return tok + pos[jnp.newaxis, :, :]

if __name__ == "__main__":
    import jax
    _d = setup_inputs()
    print(jax.jit(kernel)(*tuple(_d.values())))

</pallas_src>

<mosaic_0001>
#map = affine_map<(d0, d1) -> (0)>
#map1 = affine_map<(d0, d1) -> (0, 0)>
module attributes {stable_mosaic.version = 14 : i64} {
  func.func @k(%arg0: i32, %arg1: i32, %arg2: memref<819200xi32, #tpu.memory_space<hbm>>, %arg3: memref<100000x128xf32, #tpu.memory_space<hbm>>, %arg4: memref<256x128xf32, #tpu.memory_space<hbm>>, %arg5: memref<819200x128xf32, #tpu.memory_space<hbm>>, %arg6: memref<25600xi32, #tpu.memory_space<vmem>>, %arg7: memref<200x128xf32, #tpu.memory_space<vmem>>, %arg8: memref<128x128xf32, #tpu.memory_space<vmem>>, %arg9: memref<128x128xf32, #tpu.memory_space<vmem>>, %arg10: memref<128x128xf32, #tpu.memory_space<vmem>>, %arg11: memref<128x128xf32, #tpu.memory_space<vmem>>, %arg12: memref<!tpu.dma_semaphore, #tpu.memory_space<semaphore_mem>>, %arg13: memref<!tpu.dma_semaphore, #tpu.memory_space<semaphore_mem>>, %arg14: memref<!tpu.dma_semaphore, #tpu.memory_space<semaphore_mem>>, %arg15: memref<!tpu.dma_semaphore, #tpu.memory_space<semaphore_mem>>, %arg16: memref<!tpu.dma_semaphore, #tpu.memory_space<semaphore_mem>>, %arg17: memref<!tpu.dma_semaphore, #tpu.memory_space<semaphore_mem>>, %arg18: memref<!tpu.dma_semaphore, #tpu.memory_space<semaphore_mem>>, %arg19: memref<!tpu.dma_semaphore, #tpu.memory_space<semaphore_mem>>) attributes {dimension_semantics = [#tpu.dimension_semantics<core_parallel>, #tpu.dimension_semantics<subcore_parallel>], iteration_bounds = array<i64: 2, 16>, scalar_prefetch = 0 : i64, scratch_operands = 14 : i64, tpu.core_type = #tpu.core_type<sc_vector_subcore>, window_params = [{transform_indices = #map}, {transform_indices = #map1}, {transform_indices = #map1}, {transform_indices = #map1}]} {
    %mul3A = arith.constant 2 : i32
    %mul3A_0 = arith.muli %arg1, %mul3A : i32
    %add3A = arith.addi %mul3A_0, %arg0 : i32
    %mul3A_1 = arith.constant 25600 : i32
    %mul3A_2 = arith.muli %add3A, %mul3A_1 : i32
    %multiple_of3A = tpu.assume_multiple %mul3A_2, 128 : i32
    "tpu.region"() ({
      %run_scoped3A = tpu.sem_alloc : memref<!tpu.dma_semaphore, #tpu.memory_space<semaphore_mem>>
      %dma_start3A_132 = tpu.memref_slice %arg2[%multiple_of3A] : memref<819200xi32, #tpu.memory_space<hbm>> -> memref<25600xi32, #tpu.memory_space<hbm>>
      %dma_start3A_133 = tpu.memref_slice %arg2[%multiple_of3A] : memref<819200xi32, #tpu.memory_space<hbm>> -> memref<25600xi32, #tpu.memory_space<hbm>>
      tpu.enqueue_dma source(%dma_start3A_133 : memref<25600xi32, #tpu.memory_space<hbm>>) target(%arg6 : memref<25600xi32, #tpu.memory_space<vmem>>) target_semaphore(%run_scoped3A : memref<!tpu.dma_semaphore, #tpu.memory_space<semaphore_mem>>)
      %dma_wait3A_134 = tpu.memref_slice %arg2[%multiple_of3A] : memref<819200xi32, #tpu.memory_space<hbm>> -> memref<25600xi32, #tpu.memory_space<hbm>>
      %dma_wait3A_135 = tpu.memref_slice %arg2[%multiple_of3A] : memref<819200xi32, #tpu.memory_space<hbm>> -> memref<25600xi32, #tpu.memory_space<hbm>>
      tpu.wait_dma2 semaphore(%run_scoped3A : memref<!tpu.dma_semaphore, #tpu.memory_space<semaphore_mem>>) src(%dma_wait3A_135 : memref<25600xi32, #tpu.memory_space<hbm>>) dst(%arg6 : memref<25600xi32, #tpu.memory_space<vmem>>)
      tpu.yield
    }) : () -> ()
    "tpu.region"() ({
      %run_scoped3A = tpu.sem_alloc : memref<!tpu.dma_semaphore, #tpu.memory_space<semaphore_mem>>
      %dma_start3A_132 = arith.constant 0 : i32
      %dma_start3A_133 = arith.constant 0 : i32
      %dma_start3A_134 = tpu.memref_slice %arg4[%dma_start3A_132, %dma_start3A_133] : memref<256x128xf32, #tpu.memory_space<hbm>> -> memref<200x128xf32, #tpu.memory_space<hbm>>
      %dma_start3A_135 = arith.constant 0 : i32
      %dma_start3A_136 = arith.constant 0 : i32
      %dma_start3A_137 = tpu.memref_slice %arg4[%dma_start3A_135, %dma_start3A_136] : memref<256x128xf32, #tpu.memory_space<hbm>> -> memref<200x128xf32, #tpu.memory_space<hbm>>
      tpu.enqueue_dma source(%dma_start3A_137 : memref<200x128xf32, #tpu.memory_space<hbm>>) target(%arg7 : memref<200x128xf32, #tpu.memory_space<vmem>>) target_semaphore(%run_scoped3A : memref<!tpu.dma_semaphore, #tpu.memory_space<semaphore_mem>>)
      %dma_wait3A_138 = arith.constant 0 : i32
      %dma_wait3A_139 = arith.constant 0 : i32
      %dma_wait3A_140 = tpu.memref_slice %arg4[%dma_wait3A_138, %dma_wait3A_139] : memref<256x128xf32, #tpu.memory_space<hbm>> -> memref<200x128xf32, #tpu.memory_space<hbm>>
      %dma_wait3A_141 = arith.constant 0 : i32
      %dma_wait3A_142 = arith.constant 0 : i32
      %dma_wait3A_143 = tpu.memref_slice %arg4[%dma_wait3A_141, %dma_wait3A_142] : memref<256x128xf32, #tpu.memory_space<hbm>> -> memref<200x128xf32, #tpu.memory_space<hbm>>
      tpu.wait_dma2 semaphore(%run_scoped3A : memref<!tpu.dma_semaphore, #tpu.memory_space<semaphore_mem>>) src(%dma_wait3A_143 : memref<200x128xf32, #tpu.memory_space<hbm>>) dst(%arg7 : memref<200x128xf32, #tpu.memory_space<vmem>>)
      tpu.yield
    }) : () -> ()
    %multiple_of3A_3 = arith.constant 0 : i32
    %multiple_of3A_4 = tpu.assume_multiple %multiple_of3A_3, 128 : i32
    %dma_start3A = tpu.memref_slice %arg6[%multiple_of3A_4] : memref<25600xi32, #tpu.memory_space<vmem>> -> memref<128xi32, #tpu.memory_space<vmem>>
    %dma_start3A_5 = arith.constant 0 : i32
    %dma_start3A_6 = arith.constant 0 : i32
    %dma_start3A_7 = tpu.memref_slice %arg3[%dma_start3A_5, %dma_start3A_6] : memref<100000x128xf32, #tpu.memory_space<hbm>> -> memref<100000x128xf32, #tpu.memory_space<hbm>>
    tpu.enqueue_indirect_dma source(%dma_start3A_7 : memref<100000x128xf32, #tpu.memory_space<hbm>>) target(%arg8 : memref<128x128xf32, #tpu.memory_space<vmem>>) offsets(%dma_start3A : memref<128xi32, #tpu.memory_space<vmem>>) semaphore(%arg12 : memref<!tpu.dma_semaphore, #tpu.memory_space<semaphore_mem>>)
    %multiple_of3A_8 = arith.constant 128 : i32
    %multiple_of3A_9 = tpu.assume_multiple %multiple_of3A_8, 128 : i32
    %dma_start3A_10 = tpu.memref_slice %arg6[%multiple_of3A_9] : memref<25600xi32, #tpu.memory_space<vmem>> -> memref<128xi32, #tpu.memory_space<vmem>>
    %dma_start3A_11 = arith.constant 0 : i32
    %dma_start3A_12 = arith.constant 0 : i32
    %dma_start3A_13 = tpu.memref_slice %arg3[%dma_start3A_11, %dma_start3A_12] : memref<100000x128xf32, #tpu.memory_space<hbm>> -> memref<100000x128xf32, #tpu.memory_space<hbm>>
    tpu.enqueue_indirect_dma source(%dma_start3A_13 : memref<100000x128xf32, #tpu.memory_space<hbm>>) target(%arg9 : memref<128x128xf32, #tpu.memory_space<vmem>>) offsets(%dma_start3A_10 : memref<128xi32, #tpu.memory_space<vmem>>) semaphore(%arg13 : memref<!tpu.dma_semaphore, #tpu.memory_space<semaphore_mem>>)
    %multiple_of3A_14 = arith.constant 0 : i32
    %multiple_of3A_15 = tpu.assume_multiple %multiple_of3A_14, 128 : i32
    %dma_wait3A = tpu.memref_slice %arg6[%multiple_of3A_15] : memref<25600xi32, #tpu.memory_space<vmem>> -> memref<128xi32, #tpu.memory_space<vmem>>
    %dma_wait3A_16 = arith.constant 0 : i32
    %dma_wait3A_17 = arith.constant 0 : i32
    %dma_wait3A_18 = tpu.memref_slice %arg3[%dma_wait3A_16, %dma_wait3A_17] : memref<100000x128xf32, #tpu.memory_space<hbm>> -> memref<100000x128xf32, #tpu.memory_space<hbm>>
    tpu.wait_indirect_dma semaphore(%arg12 : memref<!tpu.dma_semaphore, #tpu.memory_space<semaphore_mem>>) src(%dma_wait3A_18 : memref<100000x128xf32, #tpu.memory_space<hbm>>) dst(%arg8 : memref<128x128xf32, #tpu.memory_space<vmem>>)
    %rem3A = arith.constant 0 : i32
    %rem3A_19 = arith.constant 200 : i32
    %rem3A_20 = arith.remsi %rem3A, %rem3A_19 : i32
    %parallel_loop3A = arith.constant 0 : i32
    %parallel_loop3A_21 = arith.constant 128 : i32
    %parallel_loop3A_22 = arith.constant 1 : i32
    scf.for %parallel_loop3A_132 = %parallel_loop3A to %parallel_loop3A_21 step %parallel_loop3A_22  : i32 {
      %parallel_loop3A_133 = arith.addi %rem3A_20, %parallel_loop3A_132 : i32
      %parallel_loop3A_134 = arith.constant 200 : i32
      %parallel_loop3A_135 = arith.remsi %parallel_loop3A_133, %parallel_loop3A_134 : i32
      %parallel_loop3A_136 = arith.index_cast %parallel_loop3A_135 : i32 to index
      %parallel_loop3A_137 = arith.constant 0 : index
      %parallel_loop3A_138 = tpu.vector_load %arg7[%parallel_loop3A_136, %parallel_loop3A_137] {strides = array<i32>} : memref<200x128xf32, #tpu.memory_space<vmem>>, vector<1x16xf32>,
      %parallel_loop3A_139 = vector.shape_cast %parallel_loop3A_138 : vector<1x16xf32> to vector<16xf32>
      %parallel_loop3A_140 = arith.index_cast %parallel_loop3A_132 : i32 to index
      %parallel_loop3A_141 = arith.constant 0 : index
      %parallel_loop3A_142 = tpu.vector_load %arg8[%parallel_loop3A_140, %parallel_loop3A_141] {strides = array<i32>} : memref<128x128xf32, #tpu.memory_space<vmem>>, vector<1x16xf32>,
      %parallel_loop3A_143 = vector.shape_cast %parallel_loop3A_142 : vector<1x16xf32> to vector<16xf32>
      %parallel_loop3A_144 = vector.shape_cast %parallel_loop3A_139 : vector<16xf32> to vector<1x16xf32>
      tpu.vector_store %arg8[%parallel_loop3A_140, %parallel_loop3A_141], %parallel_loop3A_144 {add = true, strides = array<i32>} : memref<128x128xf32, #tpu.memory_space<vmem>>, vector<1x16xf32>,
      %parallel_loop3A_145 = arith.index_cast %parallel_loop3A_135 : i32 to index
      %parallel_loop3A_146 = arith.constant 16 : index
      %parallel_loop3A_147 = tpu.vector_load %arg7[%parallel_loop3A_145, %parallel_loop3A_146] {strides = array<i32>} : memref<200x128xf32, #tpu.memory_space<vmem>>, vector<1x16xf32>,
      %parallel_loop3A_148 = vector.shape_cast %parallel_loop3A_147 : vector<1x16xf32> to vector<16xf32>
      %parallel_loop3A_149 = arith.index_cast %parallel_loop3A_132 : i32 to index
      %parallel_loop3A_150 = arith.constant 16 : index
      %parallel_loop3A_151 = tpu.vector_load %arg8[%parallel_loop3A_149, %parallel_loop3A_150] {strides = array<i32>} : memref<128x128xf32, #tpu.memory_space<vmem>>, vector<1x16xf32>,
      %parallel_loop3A_152 = vector.shape_cast %parallel_loop3A_151 : vector<1x16xf32> to vector<16xf32>
      %parallel_loop3A_153 = vector.shape_cast %parallel_loop3A_148 : vector<16xf32> to vector<1x16xf32>
      tpu.vector_store %arg8[%parallel_loop3A_149, %parallel_loop3A_150], %parallel_loop3A_153 {add = true, strides = array<i32>} : memref<128x128xf32, #tpu.memory_space<vmem>>, vector<1x16xf32>,
      %parallel_loop3A_154 = arith.index_cast %parallel_loop3A_135 : i32 to index
      %parallel_loop3A_155 = arith.constant 32 : index
      %parallel_loop3A_156 = tpu.vector_load %arg7[%parallel_loop3A_154, %parallel_loop3A_155] {strides = array<i32>} : memref<200x128xf32, #tpu.memory_space<vmem>>, vector<1x16xf32>,
      %parallel_loop3A_157 = vector.shape_cast %parallel_loop3A_156 : vector<1x16xf32> to vector<16xf32>
      %parallel_loop3A_158 = arith.index_cast %parallel_loop3A_132 : i32 to index
      %parallel_loop3A_159 = arith.constant 32 : index
      %parallel_loop3A_160 = tpu.vector_load %arg8[%parallel_loop3A_158, %parallel_loop3A_159] {strides = array<i32>} : memref<128x128xf32, #tpu.memory_space<vmem>>, vector<1x16xf32>,
      %parallel_loop3A_161 = vector.shape_cast %parallel_loop3A_160 : vector<1x16xf32> to vector<16xf32>
      %parallel_loop3A_162 = vector.shape_cast %parallel_loop3A_157 : vector<16xf32> to vector<1x16xf32>
      tpu.vector_store %arg8[%parallel_loop3A_158, %parallel_loop3A_159], %parallel_loop3A_162 {add = true, strides = array<i32>} : memref<128x128xf32, #tpu.memory_space<vmem>>, vector<1x16xf32>,
      %parallel_loop3A_163 = arith.index_cast %parallel_loop3A_135 : i32 to index
      %parallel_loop3A_164 = arith.constant 48 : index
      %parallel_loop3A_165 = tpu.vector_load %arg7[%parallel_loop3A_163, %parallel_loop3A_164] {strides = array<i32>} : memref<200x128xf32, #tpu.memory_space<vmem>>, vector<1x16xf32>,
      %parallel_loop3A_166 = vector.shape_cast %parallel_loop3A_165 : vector<1x16xf32> to vector<16xf32>
      %parallel_loop3A_167 = arith.index_cast %parallel_loop3A_132 : i32 to index
      %parallel_loop3A_168 = arith.constant 48 : index
      %parallel_loop3A_169 = tpu.vector_load %arg8[%parallel_loop3A_167, %parallel_loop3A_168] {strides = array<i32>} : memref<128x128xf32, #tpu.memory_space<vmem>>, vector<1x16xf32>,
      %parallel_loop3A_170 = vector.shape_cast %parallel_loop3A_169 : vector<1x16xf32> to vector<16xf32>
      %parallel_loop3A_171 = vector.shape_cast %parallel_loop3A_166 : vector<16xf32> to vector<1x16xf32>
      tpu.vector_store %arg8[%parallel_loop3A_167, %parallel_loop3A_168], %parallel_loop3A_171 {add = true, strides = array<i32>} : memref<128x128xf32, #tpu.memory_space<vmem>>, vector<1x16xf32>,
      %parallel_loop3A_172 = arith.index_cast %parallel_loop3A_135 : i32 to index
      %parallel_loop3A_173 = arith.constant 64 : index
      %parallel_loop3A_174 = tpu.vector_load %arg7[%parallel_loop3A_172, %parallel_loop3A_173] {strides = array<i32>} : memref<200x128xf32, #tpu.memory_space<vmem>>, vector<1x16xf32>,
      %parallel_loop3A_175 = vector.shape_cast %parallel_loop3A_174 : vector<1x16xf32> to vector<16xf32>
      %parallel_loop3A_176 = arith.index_cast %parallel_loop3A_132 : i32 to index
      %parallel_loop3A_177 = arith.constant 64 : index
      %parallel_loop3A_178 = tpu.vector_load %arg8[%parallel_loop3A_176, %parallel_loop3A_177] {strides = array<i32>} : memref<128x128xf32, #tpu.memory_space<vmem>>, vector<1x16xf32>,
      %parallel_loop3A_179 = vector.shape_cast %parallel_loop3A_178 : vector<1x16xf32> to vector<16xf32>
      %parallel_loop3A_180 = vector.shape_cast %parallel_loop3A_175 : vector<16xf32> to vector<1x16xf32>
      tpu.vector_store %arg8[%parallel_loop3A_176, %parallel_loop3A_177], %parallel_loop3A_180 {add = true, strides = array<i32>} : memref<128x128xf32, #tpu.memory_space<vmem>>, vector<1x16xf32>,
      %parallel_loop3A_181 = arith.index_cast %parallel_loop3A_135 : i32 to index
      %parallel_loop3A_182 = arith.constant 80 : index
      %parallel_loop3A_183 = tpu.vector_load %arg7[%parallel_loop3A_181, %parallel_loop3A_182] {strides = array<i32>} : memref<200x128xf32, #tpu.memory_space<vmem>>, vector<1x16xf32>,
      %parallel_loop3A_184 = vector.shape_cast %parallel_loop3A_183 : vector<1x16xf32> to vector<16xf32>
      %parallel_loop3A_185 = arith.index_cast %parallel_loop3A_132 : i32 to index
      %parallel_loop3A_186 = arith.constant 80 : index
      %parallel_loop3A_187 = tpu.vector_load %arg8[%parallel_loop3A_185, %parallel_loop3A_186] {strides = array<i32>} : memref<128x128xf32, #tpu.memory_space<vmem>>, vector<1x16xf32>,
      %parallel_loop3A_188 = vector.shape_cast %parallel_loop3A_187 : vector<1x16xf32> to vector<16xf32>
      %parallel_loop3A_189 = vector.shape_cast %parallel_loop3A_184 : vector<16xf32> to vector<1x16xf32>
      tpu.vector_store %arg8[%parallel_loop3A_185, %parallel_loop3A_186], %parallel_loop3A_189 {add = true, strides = array<i32>} : memref<128x128xf32, #tpu.memory_space<vmem>>, vector<1x16xf32>,
      %parallel_loop3A_190 = arith.index_cast %parallel_loop3A_135 : i32 to index
      %parallel_loop3A_191 = arith.constant 96 : index
      %parallel_loop3A_192 = tpu.vector_load %arg7[%parallel_loop3A_190, %parallel_loop3A_191] {strides = array<i32>} : memref<200x128xf32, #tpu.memory_space<vmem>>, vector<1x16xf32>,
      %parallel_loop3A_193 = vector.shape_cast %parallel_loop3A_192 : vector<1x16xf32> to vector<16xf32>
      %parallel_loop3A_194 = arith.index_cast %parallel_loop3A_132 : i32 to index
      %parallel_loop3A_195 = arith.constant 96 : index
      %parallel_loop3A_196 = tpu.vector_load %arg8[%parallel_loop3A_194, %parallel_loop3A_195] {strides = array<i32>} : memref<128x128xf32, #tpu.memory_space<vmem>>, vector<1x16xf32>,
      %parallel_loop3A_197 = vector.shape_cast %parallel_loop3A_196 : vector<1x16xf32> to vector<16xf32>
      %parallel_loop3A_198 = vector.shape_cast %parallel_loop3A_193 : vector<16xf32> to vector<1x16xf32>
      tpu.vector_store %arg8[%parallel_loop3A_194, %parallel_loop3A_195], %parallel_loop3A_198 {add = true, strides = array<i32>} : memref<128x128xf32, #tpu.memory_space<vmem>>, vector<1x16xf32>,
      %parallel_loop3A_199 = arith.index_cast %parallel_loop3A_135 : i32 to index
      %parallel_loop3A_200 = arith.constant 112 : index
      %parallel_loop3A_201 = tpu.vector_load %arg7[%parallel_loop3A_199, %parallel_loop3A_200] {strides = array<i32>} : memref<200x128xf32, #tpu.memory_space<vmem>>, vector<1x16xf32>,
      %parallel_loop3A_202 = vector.shape_cast %parallel_loop3A_201 : vector<1x16xf32> to vector<16xf32>
      %parallel_loop3A_203 = arith.index_cast %parallel_loop3A_132 : i32 to index
      %parallel_loop3A_204 = arith.constant 112 : index
      %parallel_loop3A_205 = tpu.vector_load %arg8[%parallel_loop3A_203, %parallel_loop3A_204] {strides = array<i32>} : memref<128x128xf32, #tpu.memory_space<vmem>>, vector<1x16xf32>,
      %parallel_loop3A_206 = vector.shape_cast %parallel_loop3A_205 : vector<1x16xf32> to vector<16xf32>
      %parallel_loop3A_207 = vector.shape_cast %parallel_loop3A_202 : vector<16xf32> to vector<1x16xf32>
      tpu.vector_store %arg8[%parallel_loop3A_203, %parallel_loop3A_204], %parallel_loop3A_207 {add = true, strides = array<i32>} : memref<128x128xf32, #tpu.memory_space<vmem>>, vector<1x16xf32>,
    } {sc.loop_unroll_factor = 4 : i64, sc.parallel_access}
    %multiple_of3A_23 = arith.constant 0 : i32
    %multiple_of3A_24 = tpu.assume_multiple %multiple_of3A_23, 128 : i32
    %add3A_25 = arith.addi %multiple_of3A, %multiple_of3A_24 : i32
    %dma_start3A_26 = arith.constant 0 : i32
    %dma_start3A_27 = tpu.memref_slice %arg5[%add3A_25, %dma_start3A_26] : memref<819200x128xf32, #tpu.memory_space<hbm>> -> memref<128x128xf32, #tpu.memory_space<hbm>>
    %dma_start3A_28 = arith.constant 0 : i32
    %dma_start3A_29 = tpu.memref_slice %arg5[%add3A_25, %dma_start3A_28] : memref<819200x128xf32, #tpu.memory_space<hbm>> -> memref<128x128xf32, #tpu.memory_space<hbm>>
    tpu.enqueue_dma source(%arg8 : memref<128x128xf32, #tpu.memory_space<vmem>>) target(%dma_start3A_29 : memref<128x128xf32, #tpu.memory_space<hbm>>) target_semaphore(%arg16 : memref<!tpu.dma_semaphore, #tpu.memory_space<semaphore_mem>>)
    %multiple_of3A_30 = arith.constant 256 : i32
    %multiple_of3A_31 = tpu.assume_multiple %multiple_of3A_30, 128 : i32
    %dma_start3A_32 = tpu.memref_slice %arg6[%multiple_of3A_31] : memref<25600xi32, #tpu.memory_space<vmem>> -> memref<128xi32, #tpu.memory_space<vmem>>
    %dma_start3A_33 = arith.constant 0 : i32
    %dma_start3A_34 = arith.constant 0 : i32
    %dma_start3A_35 = tpu.memref_slice %arg3[%dma_start3A_33, %dma_start3A_34] : memref<100000x128xf32, #tpu.memory_space<hbm>> -> memref<100000x128xf32, #tpu.memory_space<hbm>>
    tpu.enqueue_indirect_dma source(%dma_start3A_35 : memref<100000x128xf32, #tpu.memory_space<hbm>>) target(%arg10 : memref<128x128xf32, #tpu.memory_space<vmem>>) offsets(%dma_start3A_32 : memref<128xi32, #tpu.memory_space<vmem>>) semaphore(%arg14 : memref<!tpu.dma_semaphore, #tpu.memory_space<semaphore_mem>>)
    %multiple_of3A_36 = arith.constant 128 : i32
    %multiple_of3A_37 = tpu.assume_multiple %multiple_of3A_36, 128 : i32
    %dma_wait3A_38 = tpu.memref_slice %arg6[%multiple_of3A_37] : memref<25600xi32, #tpu.memory_space<vmem>> -> memref<128xi32, #tpu.memory_space<vmem>>
    %dma_wait3A_39 = arith.constant 0 : i32
    %dma_wait3A_40 = arith.constant 0 : i32
    %dma_wait3A_41 = tpu.memref_slice %arg3[%dma_wait3A_39, %dma_wait3A_40] : memref<100000x128xf32, #tpu.memory_space<hbm>> -> memref<100000x128xf32, #tpu.memory_space<hbm>>
    tpu.wait_indirect_dma semaphore(%arg13 : memref<!tpu.dma_semaphore, #tpu.memory_space<semaphore_mem>>) src(%dma_wait3A_41 : memref<100000x128xf32, #tpu.memory_space<hbm>>) dst(%arg9 : memref<128x128xf32, #tpu.memory_space<vmem>>)
    %rem3A_42 = arith.constant 128 : i32
    %rem3A_43 = arith.constant 200 : i32
    %rem3A_44 = arith.remsi %rem3A_42, %rem3A_43 : i32
    %parallel_loop3A_45 = arith.constant 0 : i32
    %parallel_loop3A_46 = arith.constant 128 : i32
    %parallel_loop3A_47 = arith.constant 1 : i32
    scf.for %parallel_loop3A_132 = %parallel_loop3A_45 to %parallel_loop3A_46 step %parallel_loop3A_47  : i32 {
      %parallel_loop3A_133 = arith.addi %rem3A_44, %parallel_loop3A_132 : i32
      %parallel_loop3A_134 = arith.constant 200 : i32
      %parallel_loop3A_135 = arith.remsi %parallel_loop3A_133, %parallel_loop3A_134 : i32
      %parallel_loop3A_136 = arith.index_cast %parallel_loop3A_135 : i32 to index
      %parallel_loop3A_137 = arith.constant 0 : index
      %parallel_loop3A_138 = tpu.vector_load %arg7[%parallel_loop3A_136, %parallel_loop3A_137] {strides = array<i32>} : memref<200x128xf32, #tpu.memory_space<vmem>>, vector<1x16xf32>,
      %parallel_loop3A_139 = vector.shape_cast %parallel_loop3A_138 : vector<1x16xf32> to vector<16xf32>
      %parallel_loop3A_140 = arith.index_cast %parallel_loop3A_132 : i32 to index
      %parallel_loop3A_141 = arith.constant 0 : index
      %parallel_loop3A_142 = tpu.vector_load %arg9[%parallel_loop3A_140, %parallel_loop3A_141] {strides = array<i32>} : memref<128x128xf32, #tpu.memory_space<vmem>>, vector<1x16xf32>,
      %parallel_loop3A_143 = vector.shape_cast %parallel_loop3A_142 : vector<1x16xf32> to vector<16xf32>
      %parallel_loop3A_144 = vector.shape_cast %parallel_loop3A_139 : vector<16xf32> to vector<1x16xf32>
      tpu.vector_store %arg9[%parallel_loop3A_140, %parallel_loop3A_141], %parallel_loop3A_144 {add = true, strides = array<i32>} : memref<128x128xf32, #tpu.memory_space<vmem>>, vector<1x16xf32>,
      %parallel_loop3A_145 = arith.index_cast %parallel_loop3A_135 : i32 to index
      %parallel_loop3A_146 = arith.constant 16 : index
      %parallel_loop3A_147 = tpu.vector_load %arg7[%parallel_loop3A_145, %parallel_loop3A_146] {strides = array<i32>} : memref<200x128xf32, #tpu.memory_space<vmem>>, vector<1x16xf32>,
      %parallel_loop3A_148 = vector.shape_cast %parallel_loop3A_147 : vector<1x16xf32> to vector<16xf32>
      %parallel_loop3A_149 = arith.index_cast %parallel_loop3A_132 : i32 to index
      %parallel_loop3A_150 = arith.constant 16 : index
      %parallel_loop3A_151 = tpu.vector_load %arg9[%parallel_loop3A_149, %parallel_loop3A_150] {strides = array<i32>} : memref<128x128xf32, #tpu.memory_space<vmem>>, vector<1x16xf32>,
      %parallel_loop3A_152 = vector.shape_cast %parallel_loop3A_151 : vector<1x16xf32> to vector<16xf32>
      %parallel_loop3A_153 = vector.shape_cast %parallel_loop3A_148 : vector<16xf32> to vector<1x16xf32>
      tpu.vector_store %arg9[%parallel_loop3A_149, %parallel_loop3A_150], %parallel_loop3A_153 {add = true, strides = array<i32>} : memref<128x128xf32, #tpu.memory_space<vmem>>, vector<1x16xf32>,
      %parallel_loop3A_154 = arith.index_cast %parallel_loop3A_135 : i32 to index
      %parallel_loop3A_155 = arith.constant 32 : index
      %parallel_loop3A_156 = tpu.vector_load %arg7[%parallel_loop3A_154, %parallel_loop3A_155] {strides = array<i32>} : memref<200x128xf32, #tpu.memory_space<vmem>>, vector<1x16xf32>,
      %parallel_loop3A_157 = vector.shape_cast %parallel_loop3A_156 : vector<1x16xf32> to vector<16xf32>
      %parallel_loop3A_158 = arith.index_cast %parallel_loop3A_132 : i32 to index
      %parallel_loop3A_159 = arith.constant 32 : index
      %parallel_loop3A_160 = tpu.vector_load %arg9[%parallel_loop3A_158, %parallel_loop3A_159] {strides = array<i32>} : memref<128x128xf32, #tpu.memory_space<vmem>>, vector<1x16xf32>,
      %parallel_loop3A_161 = vector.shape_cast %parallel_loop3A_160 : vector<1x16xf32> to vector<16xf32>
      %parallel_loop3A_162 = vector.shape_cast %parallel_loop3A_157 : vector<16xf32> to vector<1x16xf32>
      tpu.vector_store %arg9[%parallel_loop3A_158, %parallel_loop3A_159], %parallel_loop3A_162 {add = true, strides = array<i32>} : memref<128x128xf32, #tpu.memory_space<vmem>>, vector<1x16xf32>,
      %parallel_loop3A_163 = arith.index_cast %parallel_loop3A_135 : i32 to index
      %parallel_loop3A_164 = arith.constant 48 : index
      %parallel_loop3A_165 = tpu.vector_load %arg7[%parallel_loop3A_163, %parallel_loop3A_164] {strides = array<i32>} : memref<200x128xf32, #tpu.memory_space<vmem>>, vector<1x16xf32>,
      %parallel_loop3A_166 = vector.shape_cast %parallel_loop3A_165 : vector<1x16xf32> to vector<16xf32>
      %parallel_loop3A_167 = arith.index_cast %parallel_loop3A_132 : i32 to index
      %parallel_loop3A_168 = arith.constant 48 : index
      %parallel_loop3A_169 = tpu.vector_load %arg9[%parallel_loop3A_167, %parallel_loop3A_168] {strides = array<i32>} : memref<128x128xf32, #tpu.memory_space<vmem>>, vector<1x16xf32>,
      %parallel_loop3A_170 = vector.shape_cast %parallel_loop3A_169 : vector<1x16xf32> to vector<16xf32>
      %parallel_loop3A_171 = vector.shape_cast %parallel_loop3A_166 : vector<16xf32> to vector<1x16xf32>
      tpu.vector_store %arg9[%parallel_loop3A_167, %parallel_loop3A_168], %parallel_loop3A_171 {add = true, strides = array<i32>} : memref<128x128xf32, #tpu.memory_space<vmem>>, vector<1x16xf32>,
      %parallel_loop3A_172 = arith.index_cast %parallel_loop3A_135 : i32 to index
      %parallel_loop3A_173 = arith.constant 64 : index
      %parallel_loop3A_174 = tpu.vector_load %arg7[%parallel_loop3A_172, %parallel_loop3A_173] {strides = array<i32>} : memref<200x128xf32, #tpu.memory_space<vmem>>, vector<1x16xf32>,
      %parallel_loop3A_175 = vector.shape_cast %parallel_loop3A_174 : vector<1x16xf32> to vector<16xf32>
      %parallel_loop3A_176 = arith.index_cast %parallel_loop3A_132 : i32 to index
      %parallel_loop3A_177 = arith.constant 64 : index
      %parallel_loop3A_178 = tpu.vector_load %arg9[%parallel_loop3A_176, %parallel_loop3A_177] {strides = array<i32>} : memref<128x128xf32, #tpu.memory_space<vmem>>, vector<1x16xf32>,
      %parallel_loop3A_179 = vector.shape_cast %parallel_loop3A_178 : vector<1x16xf32> to vector<16xf32>
      %parallel_loop3A_180 = vector.shape_cast %parallel_loop3A_175 : vector<16xf32> to vector<1x16xf32>
      tpu.vector_store %arg9[%parallel_loop3A_176, %parallel_loop3A_177], %parallel_loop3A_180 {add = true, strides = array<i32>} : memref<128x128xf32, #tpu.memory_space<vmem>>, vector<1x16xf32>,
      %parallel_loop3A_181 = arith.index_cast %parallel_loop3A_135 : i32 to index
      %parallel_loop3A_182 = arith.constant 80 : index
      %parallel_loop3A_183 = tpu.vector_load %arg7[%parallel_loop3A_181, %parallel_loop3A_182] {strides = array<i32>} : memref<200x128xf32, #tpu.memory_space<vmem>>, vector<1x16xf32>,
      %parallel_loop3A_184 = vector.shape_cast %parallel_loop3A_183 : vector<1x16xf32> to vector<16xf32>
      %parallel_loop3A_185 = arith.index_cast %parallel_loop3A_132 : i32 to index
      %parallel_loop3A_186 = arith.constant 80 : index
      %parallel_loop3A_187 = tpu.vector_load %arg9[%parallel_loop3A_185, %parallel_loop3A_186] {strides = array<i32>} : memref<128x128xf32, #tpu.memory_space<vmem>>, vector<1x16xf32>,
      %parallel_loop3A_188 = vector.shape_cast %parallel_loop3A_187 : vector<1x16xf32> to vector<16xf32>
      %parallel_loop3A_189 = vector.shape_cast %parallel_loop3A_184 : vector<16xf32> to vector<1x16xf32>
      tpu.vector_store %arg9[%parallel_loop3A_185, %parallel_loop3A_186], %parallel_loop3A_189 {add = true, strides = array<i32>} : memref<128x128xf32, #tpu.memory_space<vmem>>, vector<1x16xf32>,
      %parallel_loop3A_190 = arith.index_cast %parallel_loop3A_135 : i32 to index
      %parallel_loop3A_191 = arith.constant 96 : index
      %parallel_loop3A_192 = tpu.vector_load %arg7[%parallel_loop3A_190, %parallel_loop3A_191] {strides = array<i32>} : memref<200x128xf32, #tpu.memory_space<vmem>>, vector<1x16xf32>,
      %parallel_loop3A_193 = vector.shape_cast %parallel_loop3A_192 : vector<1x16xf32> to vector<16xf32>
      %parallel_loop3A_194 = arith.index_cast %parallel_loop3A_132 : i32 to index
      %parallel_loop3A_195 = arith.constant 96 : index
      %parallel_loop3A_196 = tpu.vector_load %arg9[%parallel_loop3A_194, %parallel_loop3A_195] {strides = array<i32>} : memref<128x128xf32, #tpu.memory_space<vmem>>, vector<1x16xf32>,
      %parallel_loop3A_197 = vector.shape_cast %parallel_loop3A_196 : vector<1x16xf32> to vector<16xf32>
      %parallel_loop3A_198 = vector.shape_cast %parallel_loop3A_193 : vector<16xf32> to vector<1x16xf32>
      tpu.vector_store %arg9[%parallel_loop3A_194, %parallel_loop3A_195], %parallel_loop3A_198 {add = true, strides = array<i32>} : memref<128x128xf32, #tpu.memory_space<vmem>>, vector<1x16xf32>,
      %parallel_loop3A_199 = arith.index_cast %parallel_loop3A_135 : i32 to index
      %parallel_loop3A_200 = arith.constant 112 : index
      %parallel_loop3A_201 = tpu.vector_load %arg7[%parallel_loop3A_199, %parallel_loop3A_200] {strides = array<i32>} : memref<200x128xf32, #tpu.memory_space<vmem>>, vector<1x16xf32>,
      %parallel_loop3A_202 = vector.shape_cast %parallel_loop3A_201 : vector<1x16xf32> to vector<16xf32>
      %parallel_loop3A_203 = arith.index_cast %parallel_loop3A_132 : i32 to index
      %parallel_loop3A_204 = arith.constant 112 : index
      %parallel_loop3A_205 = tpu.vector_load %arg9[%parallel_loop3A_203, %parallel_loop3A_204] {strides = array<i32>} : memref<128x128xf32, #tpu.memory_space<vmem>>, vector<1x16xf32>,
      %parallel_loop3A_206 = vector.shape_cast %parallel_loop3A_205 : vector<1x16xf32> to vector<16xf32>
      %parallel_loop3A_207 = vector.shape_cast %parallel_loop3A_202 : vector<16xf32> to vector<1x16xf32>
      tpu.vector_store %arg9[%parallel_loop3A_203, %parallel_loop3A_204], %parallel_loop3A_207 {add = true, strides = array<i32>} : memref<128x128xf32, #tpu.memory_space<vmem>>, vector<1x16xf32>,
    } {sc.loop_unroll_factor = 4 : i64, sc.parallel_access}
    %multiple_of3A_48 = arith.constant 128 : i32
    %multiple_of3A_49 = tpu.assume_multiple %multiple_of3A_48, 128 : i32
    %add3A_50 = arith.addi %multiple_of3A, %multiple_of3A_49 : i32
    %dma_start3A_51 = arith.constant 0 : i32
    %dma_start3A_52 = tpu.memref_slice %arg5[%add3A_50, %dma_start3A_51] : memref<819200x128xf32, #tpu.memory_space<hbm>> -> memref<128x128xf32, #tpu.memory_space<hbm>>
    %dma_start3A_53 = arith.constant 0 : i32
    %dma_start3A_54 = tpu.memref_slice %arg5[%add3A_50, %dma_start3A_53] : memref<819200x128xf32, #tpu.memory_space<hbm>> -> memref<128x128xf32, #tpu.memory_space<hbm>>
    tpu.enqueue_dma source(%arg9 : memref<128x128xf32, #tpu.memory_space<vmem>>) target(%dma_start3A_54 : memref<128x128xf32, #tpu.memory_space<hbm>>) target_semaphore(%arg17 : memref<!tpu.dma_semaphore, #tpu.memory_space<semaphore_mem>>)
    %multiple_of3A_55 = arith.constant 384 : i32
    %multiple_of3A_56 = tpu.assume_multiple %multiple_of3A_55, 128 : i32
    %dma_start3A_57 = tpu.memref_slice %arg6[%multiple_of3A_56] : memref<25600xi32, #tpu.memory_space<vmem>> -> memref<128xi32, #tpu.memory_space<vmem>>
    %dma_start3A_58 = arith.constant 0 : i32
    %dma_start3A_59 = arith.constant 0 : i32
    %dma_start3A_60 = tpu.memref_slice %arg3[%dma_start3A_58, %dma_start3A_59] : memref<100000x128xf32, #tpu.memory_space<hbm>> -> memref<100000x128xf32, #tpu.memory_space<hbm>>
    tpu.enqueue_indirect_dma source(%dma_start3A_60 : memref<100000x128xf32, #tpu.memory_space<hbm>>) target(%arg11 : memref<128x128xf32, #tpu.memory_space<vmem>>) offsets(%dma_start3A_57 : memref<128xi32, #tpu.memory_space<vmem>>) semaphore(%arg15 : memref<!tpu.dma_semaphore, #tpu.memory_space<semaphore_mem>>)
    %multiple_of3A_61 = arith.constant 256 : i32
    %multiple_of3A_62 = tpu.assume_multiple %multiple_of3A_61, 128 : i32
    %dma_wait3A_63 = tpu.memref_slice %arg6[%multiple_of3A_62] : memref<25600xi32, #tpu.memory_space<vmem>> -> memref<128xi32, #tpu.memory_space<vmem>>
    %dma_wait3A_64 = arith.constant 0 : i32
    %dma_wait3A_65 = arith.constant 0 : i32
    %dma_wait3A_66 = tpu.memref_slice %arg3[%dma_wait3A_64, %dma_wait3A_65] : memref<100000x128xf32, #tpu.memory_space<hbm>> -> memref<100000x128xf32, #tpu.memory_space<hbm>>
    tpu.wait_indirect_dma semaphore(%arg14 : memref<!tpu.dma_semaphore, #tpu.memory_space<semaphore_mem>>) src(%dma_wait3A_66 : memref<100000x128xf32, #tpu.memory_space<hbm>>) dst(%arg10 : memref<128x128xf32, #tpu.memory_space<vmem>>)
    %rem3A_67 = arith.constant 256 : i32
    %rem3A_68 = arith.constant 200 : i32
    %rem3A_69 = arith.remsi %rem3A_67, %rem3A_68 : i32
    %parallel_loop3A_70 = arith.constant 0 : i32
    %parallel_loop3A_71 = arith.constant 128 : i32
    %parallel_loop3A_72 = arith.constant 1 : i32
    scf.for %parallel_loop3A_132 = %parallel_loop3A_70 to %parallel_loop3A_71 step %parallel_loop3A_72  : i32 {
      %parallel_loop3A_133 = arith.addi %rem3A_69, %parallel_loop3A_132 : i32
      %parallel_loop3A_134 = arith.constant 200 : i32
      %parallel_loop3A_135 = arith.remsi %parallel_loop3A_133, %parallel_loop3A_134 : i32
      %parallel_loop3A_136 = arith.index_cast %parallel_loop3A_135 : i32 to index
      %parallel_loop3A_137 = arith.constant 0 : index
      %parallel_loop3A_138 = tpu.vector_load %arg7[%parallel_loop3A_136, %parallel_loop3A_137] {strides = array<i32>} : memref<200x128xf32, #tpu.memory_space<vmem>>, vector<1x16xf32>,
      %parallel_loop3A_139 = vector.shape_cast %parallel_loop3A_138 : vector<1x16xf32> to vector<16xf32>
      %parallel_loop3A_140 = arith.index_cast %parallel_loop3A_132 : i32 to index
      %parallel_loop3A_141 = arith.constant 0 : index
      %parallel_loop3A_142 = tpu.vector_load %arg10[%parallel_loop3A_140, %parallel_loop3A_141] {strides = array<i32>} : memref<128x128xf32, #tpu.memory_space<vmem>>, vector<1x16xf32>,
      %parallel_loop3A_143 = vector.shape_cast %parallel_loop3A_142 : vector<1x16xf32> to vector<16xf32>
      %parallel_loop3A_144 = vector.shape_cast %parallel_loop3A_139 : vector<16xf32> to vector<1x16xf32>
      tpu.vector_store %arg10[%parallel_loop3A_140, %parallel_loop3A_141], %parallel_loop3A_144 {add = true, strides = array<i32>} : memref<128x128xf32, #tpu.memory_space<vmem>>, vector<1x16xf32>,
      %parallel_loop3A_145 = arith.index_cast %parallel_loop3A_135 : i32 to index
      %parallel_loop3A_146 = arith.constant 16 : index
      %parallel_loop3A_147 = tpu.vector_load %arg7[%parallel_loop3A_145, %parallel_loop3A_146] {strides = array<i32>} : memref<200x128xf32, #tpu.memory_space<vmem>>, vector<1x16xf32>,
      %parallel_loop3A_148 = vector.shape_cast %parallel_loop3A_147 : vector<1x16xf32> to vector<16xf32>
      %parallel_loop3A_149 = arith.index_cast %parallel_loop3A_132 : i32 to index
      %parallel_loop3A_150 = arith.constant 16 : index
      %parallel_loop3A_151 = tpu.vector_load %arg10[%parallel_loop3A_149, %parallel_loop3A_150] {strides = array<i32>} : memref<128x128xf32, #tpu.memory_space<vmem>>, vector<1x16xf32>,
      %parallel_loop3A_152 = vector.shape_cast %parallel_loop3A_151 : vector<1x16xf32> to vector<16xf32>
      %parallel_loop3A_153 = vector.shape_cast %parallel_loop3A_148 : vector<16xf32> to vector<1x16xf32>
      tpu.vector_store %arg10[%parallel_loop3A_149, %parallel_loop3A_150], %parallel_loop3A_153 {add = true, strides = array<i32>} : memref<128x128xf32, #tpu.memory_space<vmem>>, vector<1x16xf32>,
      %parallel_loop3A_154 = arith.index_cast %parallel_loop3A_135 : i32 to index
      %parallel_loop3A_155 = arith.constant 32 : index
      %parallel_loop3A_156 = tpu.vector_load %arg7[%parallel_loop3A_154, %parallel_loop3A_155] {strides = array<i32>} : memref<200x128xf32, #tpu.memory_space<vmem>>, vector<1x16xf32>,
      %parallel_loop3A_157 = vector.shape_cast %parallel_loop3A_156 : vector<1x16xf32> to vector<16xf32>
      %parallel_loop3A_158 = arith.index_cast %parallel_loop3A_132 : i32 to index
      %parallel_loop3A_159 = arith.constant 32 : index
      %parallel_loop3A_160 = tpu.vector_load %arg10[%parallel_loop3A_158, %parallel_loop3A_159] {strides = array<i32>} : memref<128x128xf32, #tpu.memory_space<vmem>>, vector<1x16xf32>,
      %parallel_loop3A_161 = vector.shape_cast %parallel_loop3A_160 : vector<1x16xf32> to vector<16xf32>
      %parallel_loop3A_162 = vector.shape_cast %parallel_loop3A_157 : vector<16xf32> to vector<1x16xf32>
      tpu.vector_store %arg10[%parallel_loop3A_158, %parallel_loop3A_159], %parallel_loop3A_162 {add = true, strides = array<i32>} : memref<128x128xf32, #tpu.memory_space<vmem>>, vector<1x16xf32>,
      %parallel_loop3A_163 = arith.index_cast %parallel_loop3A_135 : i32 to index
      %parallel_loop3A_164 = arith.constant 48 : index
      %parallel_loop3A_165 = tpu.vector_load %arg7[%parallel_loop3A_163, %parallel_loop3A_164] {strides = array<i32>} : memref<200x128xf32, #tpu.memory_space<vmem>>, vector<1x16xf32>,
      %parallel_loop3A_166 = vector.shape_cast %parallel_loop3A_165 : vector<1x16xf32> to vector<16xf32>
      %parallel_loop3A_167 = arith.index_cast %parallel_loop3A_132 : i32 to index
      %parallel_loop3A_168 = arith.constant 48 : index
      %parallel_loop3A_169 = tpu.vector_load %arg10[%parallel_loop3A_167, %parallel_loop3A_168] {strides = array<i32>} : memref<128x128xf32, #tpu.memory_space<vmem>>, vector<1x16xf32>,
      %parallel_loop3A_170 = vector.shape_cast %parallel_loop3A_169 : vector<1x16xf32> to vector<16xf32>
      %parallel_loop3A_171 = vector.shape_cast %parallel_loop3A_166 : vector<16xf32> to vector<1x16xf32>
      tpu.vector_store %arg10[%parallel_loop3A_167, %parallel_loop3A_168], %parallel_loop3A_171 {add = true, strides = array<i32>} : memref<128x128xf32, #tpu.memory_space<vmem>>, vector<1x16xf32>,
      %parallel_loop3A_172 = arith.index_cast %parallel_loop3A_135 : i32 to index
      %parallel_loop3A_173 = arith.constant 64 : index
      %parallel_loop3A_174 = tpu.vector_load %arg7[%parallel_loop3A_172, %parallel_loop3A_173] {strides = array<i32>} : memref<200x128xf32, #tpu.memory_space<vmem>>, vector<1x16xf32>,
      %parallel_loop3A_175 = vector.shape_cast %parallel_loop3A_174 : vector<1x16xf32> to vector<16xf32>
      %parallel_loop3A_176 = arith.index_cast %parallel_loop3A_132 : i32 to index
      %parallel_loop3A_177 = arith.constant 64 : index
      %parallel_loop3A_178 = tpu.vector_load %arg10[%parallel_loop3A_176, %parallel_loop3A_177] {strides = array<i32>} : memref<128x128xf32, #tpu.memory_space<vmem>>, vector<1x16xf32>,
      %parallel_loop3A_179 = vector.shape_cast %parallel_loop3A_178 : vector<1x16xf32> to vector<16xf32>
      %parallel_loop3A_180 = vector.shape_cast %parallel_loop3A_175 : vector<16xf32> to vector<1x16xf32>
      tpu.vector_store %arg10[%parallel_loop3A_176, %parallel_loop3A_177], %parallel_loop3A_180 {add = true, strides = array<i32>} : memref<128x128xf32, #tpu.memory_space<vmem>>, vector<1x16xf32>,
      %parallel_loop3A_181 = arith.index_cast %parallel_loop3A_135 : i32 to index
      %parallel_loop3A_182 = arith.constant 80 : index
      %parallel_loop3A_183 = tpu.vector_load %arg7[%parallel_loop3A_181, %parallel_loop3A_182] {strides = array<i32>} : memref<200x128xf32, #tpu.memory_space<vmem>>, vector<1x16xf32>,
      %parallel_loop3A_184 = vector.shape_cast %parallel_loop3A_183 : vector<1x16xf32> to vector<16xf32>
      %parallel_loop3A_185 = arith.index_cast %parallel_loop3A_132 : i32 to index
      %parallel_loop3A_186 = arith.constant 80 : index
      %parallel_loop3A_187 = tpu.vector_load %arg10[%parallel_loop3A_185, %parallel_loop3A_186] {strides = array<i32>} : memref<128x128xf32, #tpu.memory_space<vmem>>, vector<1x16xf32>,
      %parallel_loop3A_188 = vector.shape_cast %parallel_loop3A_187 : vector<1x16xf32> to vector<16xf32>
      %parallel_loop3A_189 = vector.shape_cast %parallel_loop3A_184 : vector<16xf32> to vector<1x16xf32>
      tpu.vector_store %arg10[%parallel_loop3A_185, %parallel_loop3A_186], %parallel_loop3A_189 {add = true, strides = array<i32>} : memref<128x128xf32, #tpu.memory_space<vmem>>, vector<1x16xf32>,
      %parallel_loop3A_190 = arith.index_cast %parallel_loop3A_135 : i32 to index
      %parallel_loop3A_191 = arith.constant 96 : index
      %parallel_loop3A_192 = tpu.vector_load %arg7[%parallel_loop3A_190, %parallel_loop3A_191] {strides = array<i32>} : memref<200x128xf32, #tpu.memory_space<vmem>>, vector<1x16xf32>,
      %parallel_loop3A_193 = vector.shape_cast %parallel_loop3A_192 : vector<1x16xf32> to vector<16xf32>
      %parallel_loop3A_194 = arith.index_cast %parallel_loop3A_132 : i32 to index
      %parallel_loop3A_195 = arith.constant 96 : index
      %parallel_loop3A_196 = tpu.vector_load %arg10[%parallel_loop3A_194, %parallel_loop3A_195] {strides = array<i32>} : memref<128x128xf32, #tpu.memory_space<vmem>>, vector<1x16xf32>,
      %parallel_loop3A_197 = vector.shape_cast %parallel_loop3A_196 : vector<1x16xf32> to vector<16xf32>
      %parallel_loop3A_198 = vector.shape_cast %parallel_loop3A_193 : vector<16xf32> to vector<1x16xf32>
      tpu.vector_store %arg10[%parallel_loop3A_194, %parallel_loop3A_195], %parallel_loop3A_198 {add = true, strides = array<i32>} : memref<128x128xf32, #tpu.memory_space<vmem>>, vector<1x16xf32>,
      %parallel_loop3A_199 = arith.index_cast %parallel_loop3A_135 : i32 to index
      %parallel_loop3A_200 = arith.constant 112 : index
      %parallel_loop3A_201 = tpu.vector_load %arg7[%parallel_loop3A_199, %parallel_loop3A_200] {strides = array<i32>} : memref<200x128xf32, #tpu.memory_space<vmem>>, vector<1x16xf32>,
      %parallel_loop3A_202 = vector.shape_cast %parallel_loop3A_201 : vector<1x16xf32> to vector<16xf32>
      %parallel_loop3A_203 = arith.index_cast %parallel_loop3A_132 : i32 to index
      %parallel_loop3A_204 = arith.constant 112 : index
      %parallel_loop3A_205 = tpu.vector_load %arg10[%parallel_loop3A_203, %parallel_loop3A_204] {strides = array<i32>} : memref<128x128xf32, #tpu.memory_space<vmem>>, vector<1x16xf32>,
      %parallel_loop3A_206 = vector.shape_cast %parallel_loop3A_205 : vector<1x16xf32> to vector<16xf32>
      %parallel_loop3A_207 = vector.shape_cast %parallel_loop3A_202 : vector<16xf32> to vector<1x16xf32>
      tpu.vector_store %arg10[%parallel_loop3A_203, %parallel_loop3A_204], %parallel_loop3A_207 {add = true, strides = array<i32>} : memref<128x128xf32, #tpu.memory_space<vmem>>, vector<1x16xf32>,
    } {sc.loop_unroll_factor = 4 : i64, sc.parallel_access}
    %multiple_of3A_73 = arith.constant 256 : i32
    %multiple_of3A_74 = tpu.assume_multiple %multiple_of3A_73, 128 : i32
    %add3A_75 = arith.addi %multiple_of3A, %multiple_of3A_74 : i32
    %dma_start3A_76 = arith.constant 0 : i32
    %dma_start3A_77 = tpu.memref_slice %arg5[%add3A_75, %dma_start3A_76] : memref<819200x128xf32, #tpu.memory_space<hbm>> -> memref<128x128xf32, #tpu.memory_space<hbm>>
    %dma_start3A_78 = arith.constant 0 : i32
    %dma_start3A_79 = tpu.memref_slice %arg5[%add3A_75, %dma_start3A_78] : memref<819200x128xf32, #tpu.memory_space<hbm>> -> memref<128x128xf32, #tpu.memory_space<hbm>>
    tpu.enqueue_dma source(%arg10 : memref<128x128xf32, #tpu.memory_space<vmem>>) target(%dma_start3A_79 : memref<128x128xf32, #tpu.memory_space<hbm>>) target_semaphore(%arg18 : memref<!tpu.dma_semaphore, #tpu.memory_space<semaphore_mem>>)
    %scan3A = arith.constant 0 : i32
    %scan3A_80 = arith.constant 0 : i32
    %scan3A_81 = arith.constant 49 : i32
    %scan3A_82 = arith.addi %scan3A_80, %scan3A_81 : i32
    %scan3A_83 = arith.constant 1 : i32
    scf.for %scan3A_132 = %scan3A_80 to %scan3A_82 step %scan3A_83  : i32 {
      %mul3A_133 = arith.constant 4 : i32
      %mul3A_134 = arith.muli %scan3A_132, %mul3A_133 : i32
      %add3A_135 = arith.constant 3 : i32
      %add3A_136 = arith.addi %add3A_135, %mul3A_134 : i32
      %add3A_137 = arith.constant 0 : i32
      %add3A_138 = arith.addi %add3A_136, %add3A_137 : i32
      %add3A_139 = arith.constant 1 : i32
      %add3A_140 = arith.addi %add3A_138, %add3A_139 : i32
      %sub3A = arith.constant 4 : i32
      %sub3A_141 = arith.subi %add3A_140, %sub3A : i32
      %mul3A_142 = arith.constant 128 : i32
      %mul3A_143 = arith.muli %sub3A_141, %mul3A_142 : i32
      %multiple_of3A_144 = tpu.assume_multiple %mul3A_143, 128 : i32
      %add3A_145 = arith.addi %multiple_of3A, %multiple_of3A_144 : i32
      %dma_wait3A_146 = arith.constant 0 : i32
      %dma_wait3A_147 = tpu.memref_slice %arg5[%add3A_145, %dma_wait3A_146] : memref<819200x128xf32, #tpu.memory_space<hbm>> -> memref<128x128xf32, #tpu.memory_space<hbm>>
      %dma_wait3A_148 = arith.constant 0 : i32
      %dma_wait3A_149 = tpu.memref_slice %arg5[%add3A_145, %dma_wait3A_148] : memref<819200x128xf32, #tpu.memory_space<hbm>> -> memref<128x128xf32, #tpu.memory_space<hbm>>
      tpu.wait_dma2 semaphore(%arg16 : memref<!tpu.dma_semaphore, #tpu.memory_space<semaphore_mem>>) src(%arg8 : memref<128x128xf32, #tpu.memory_space<vmem>>) dst(%dma_wait3A_149 : memref<128x128xf32, #tpu.memory_space<hbm>>)
      %add3A_150 = arith.constant 1 : i32
      %add3A_151 = arith.addi %add3A_138, %add3A_150 : i32
      %mul3A_152 = arith.constant 128 : i32
      %mul3A_153 = arith.muli %add3A_151, %mul3A_152 : i32
      %multiple_of3A_154 = tpu.assume_multiple %mul3A_153, 128 : i32
      %dma_start3A_155 = tpu.memref_slice %arg6[%multiple_of3A_154] : memref<25600xi32, #tpu.memory_space<vmem>> -> memref<128xi32, #tpu.memory_space<vmem>>
      %dma_start3A_156 = arith.constant 0 : i32
      %dma_start3A_157 = arith.constant 0 : i32
      %dma_start3A_158 = tpu.memref_slice %arg3[%dma_start3A_156, %dma_start3A_157] : memref<100000x128xf32, #tpu.memory_space<hbm>> -> memref<100000x128xf32, #tpu.memory_space<hbm>>
      tpu.enqueue_indirect_dma source(%dma_start3A_158 : memref<100000x128xf32, #tpu.memory_space<hbm>>) target(%arg8 : memref<128x128xf32, #tpu.memory_space<vmem>>) offsets(%dma_start3A_155 : memref<128xi32, #tpu.memory_space<vmem>>) semaphore(%arg12 : memref<!tpu.dma_semaphore, #tpu.memory_space<semaphore_mem>>)
      %mul3A_159 = arith.constant 128 : i32
      %mul3A_160 = arith.muli %add3A_138, %mul3A_159 : i32
      %multiple_of3A_161 = tpu.assume_multiple %mul3A_160, 128 : i32
      %dma_wait3A_162 = tpu.memref_slice %arg6[%multiple_of3A_161] : memref<25600xi32, #tpu.memory_space<vmem>> -> memref<128xi32, #tpu.memory_space<vmem>>
      %dma_wait3A_163 = arith.constant 0 : i32
      %dma_wait3A_164 = arith.constant 0 : i32
      %dma_wait3A_165 = tpu.memref_slice %arg3[%dma_wait3A_163, %dma_wait3A_164] : memref<100000x128xf32, #tpu.memory_space<hbm>> -> memref<100000x128xf32, #tpu.memory_space<hbm>>
      tpu.wait_indirect_dma semaphore(%arg15 : memref<!tpu.dma_semaphore, #tpu.memory_space<semaphore_mem>>) src(%dma_wait3A_165 : memref<100000x128xf32, #tpu.memory_space<hbm>>) dst(%arg11 : memref<128x128xf32, #tpu.memory_space<vmem>>)
      %mul3A_166 = arith.constant 128 : i32
      %mul3A_167 = arith.muli %add3A_138, %mul3A_166 : i32
      %rem3A_168 = arith.constant 200 : i32
      %rem3A_169 = arith.remsi %mul3A_167, %rem3A_168 : i32
      %parallel_loop3A_170 = arith.constant 0 : i32
      %parallel_loop3A_171 = arith.constant 128 : i32
      %parallel_loop3A_172 = arith.constant 1 : i32
      scf.for %parallel_loop3A_316 = %parallel_loop3A_170 to %parallel_loop3A_171 step %parallel_loop3A_172  : i32 {
        %parallel_loop3A_317 = arith.addi %rem3A_169, %parallel_loop3A_316 : i32
        %parallel_loop3A_318 = arith.constant 200 : i32
        %parallel_loop3A_319 = arith.remsi %parallel_loop3A_317, %parallel_loop3A_318 : i32
        %parallel_loop3A_320 = arith.index_cast %parallel_loop3A_319 : i32 to index
        %parallel_loop3A_321 = arith.constant 0 : index
        %parallel_loop3A_322 = tpu.vector_load %arg7[%parallel_loop3A_320, %parallel_loop3A_321] {strides = array<i32>} : memref<200x128xf32, #tpu.memory_space<vmem>>, vector<1x16xf32>,
        %parallel_loop3A_323 = vector.shape_cast %parallel_loop3A_322 : vector<1x16xf32> to vector<16xf32>
        %parallel_loop3A_324 = arith.index_cast %parallel_loop3A_316 : i32 to index
        %parallel_loop3A_325 = arith.constant 0 : index
        %parallel_loop3A_326 = tpu.vector_load %arg11[%parallel_loop3A_324, %parallel_loop3A_325] {strides = array<i32>} : memref<128x128xf32, #tpu.memory_space<vmem>>, vector<1x16xf32>,
        %parallel_loop3A_327 = vector.shape_cast %parallel_loop3A_326 : vector<1x16xf32> to vector<16xf32>
        %parallel_loop3A_328 = vector.shape_cast %parallel_loop3A_323 : vector<16xf32> to vector<1x16xf32>
        tpu.vector_store %arg11[%parallel_loop3A_324, %parallel_loop3A_325], %parallel_loop3A_328 {add = true, strides = array<i32>} : memref<128x128xf32, #tpu.memory_space<vmem>>, vector<1x16xf32>,
        %parallel_loop3A_329 = arith.index_cast %parallel_loop3A_319 : i32 to index
        %parallel_loop3A_330 = arith.constant 16 : index
        %parallel_loop3A_331 = tpu.vector_load %arg7[%parallel_loop3A_329, %parallel_loop3A_330] {strides = array<i32>} : memref<200x128xf32, #tpu.memory_space<vmem>>, vector<1x16xf32>,
        %parallel_loop3A_332 = vector.shape_cast %parallel_loop3A_331 : vector<1x16xf32> to vector<16xf32>
        %parallel_loop3A_333 = arith.index_cast %parallel_loop3A_316 : i32 to index
        %parallel_loop3A_334 = arith.constant 16 : index
        %parallel_loop3A_335 = tpu.vector_load %arg11[%parallel_loop3A_333, %parallel_loop3A_334] {strides = array<i32>} : memref<128x128xf32, #tpu.memory_space<vmem>>, vector<1x16xf32>,
        %parallel_loop3A_336 = vector.shape_cast %parallel_loop3A_335 : vector<1x16xf32> to vector<16xf32>
        %parallel_loop3A_337 = vector.shape_cast %parallel_loop3A_332 : vector<16xf32> to vector<1x16xf32>
        tpu.vector_store %arg11[%parallel_loop3A_333, %parallel_loop3A_334], %parallel_loop3A_337 {add = true, strides = array<i32>} : memref<128x128xf32, #tpu.memory_space<vmem>>, vector<1x16xf32>,
        %parallel_loop3A_338 = arith.index_cast %parallel_loop3A_319 : i32 to index
        %parallel_loop3A_339 = arith.constant 32 : index
        %parallel_loop3A_340 = tpu.vector_load %arg7[%parallel_loop3A_338, %parallel_loop3A_339] {strides = array<i32>} : memref<200x128xf32, #tpu.memory_space<vmem>>, vector<1x16xf32>,
        %parallel_loop3A_341 = vector.shape_cast %parallel_loop3A_340 : vector<1x16xf32> to vector<16xf32>
        %parallel_loop3A_342 = arith.index_cast %parallel_loop3A_316 : i32 to index
        %parallel_loop3A_343 = arith.constant 32 : index
        %parallel_loop3A_344 = tpu.vector_load %arg11[%parallel_loop3A_342, %parallel_loop3A_343] {strides = array<i32>} : memref<128x128xf32, #tpu.memory_space<vmem>>, vector<1x16xf32>,
        %parallel_loop3A_345 = vector.shape_cast %parallel_loop3A_344 : vector<1x16xf32> to vector<16xf32>
        %parallel_loop3A_346 = vector.shape_cast %parallel_loop3A_341 : vector<16xf32> to vector<1x16xf32>
        tpu.vector_store %arg11[%parallel_loop3A_342, %parallel_loop3A_343], %parallel_loop3A_346 {add = true, strides = array<i32>} : memref<128x128xf32, #tpu.memory_space<vmem>>, vector<1x16xf32>,
        %parallel_loop3A_347 = arith.index_cast %parallel_loop3A_319 : i32 to index
        %parallel_loop3A_348 = arith.constant 48 : index
        %parallel_loop3A_349 = tpu.vector_load %arg7[%parallel_loop3A_347, %parallel_loop3A_348] {strides = array<i32>} : memref<200x128xf32, #tpu.memory_space<vmem>>, vector<1x16xf32>,
        %parallel_loop3A_350 = vector.shape_cast %parallel_loop3A_349 : vector<1x16xf32> to vector<16xf32>
        %parallel_loop3A_351 = arith.index_cast %parallel_loop3A_316 : i32 to index
        %parallel_loop3A_352 = arith.constant 48 : index
        %parallel_loop3A_353 = tpu.vector_load %arg11[%parallel_loop3A_351, %parallel_loop3A_352] {strides = array<i32>} : memref<128x128xf32, #tpu.memory_space<vmem>>, vector<1x16xf32>,
        %parallel_loop3A_354 = vector.shape_cast %parallel_loop3A_353 : vector<1x16xf32> to vector<16xf32>
        %parallel_loop3A_355 = vector.shape_cast %parallel_loop3A_350 : vector<16xf32> to vector<1x16xf32>
        tpu.vector_store %arg11[%parallel_loop3A_351, %parallel_loop3A_352], %parallel_loop3A_355 {add = true, strides = array<i32>} : memref<128x128xf32, #tpu.memory_space<vmem>>, vector<1x16xf32>,
        %parallel_loop3A_356 = arith.index_cast %parallel_loop3A_319 : i32 to index
        %parallel_loop3A_357 = arith.constant 64 : index
        %parallel_loop3A_358 = tpu.vector_load %arg7[%parallel_loop3A_356, %parallel_loop3A_357] {strides = array<i32>} : memref<200x128xf32, #tpu.memory_space<vmem>>, vector<1x16xf32>,
        %parallel_loop3A_359 = vector.shape_cast %parallel_loop3A_358 : vector<1x16xf32> to vector<16xf32>
        %parallel_loop3A_360 = arith.index_cast %parallel_loop3A_316 : i32 to index
        %parallel_loop3A_361 = arith.constant 64 : index
        %parallel_loop3A_362 = tpu.vector_load %arg11[%parallel_loop3A_360, %parallel_loop3A_361] {strides = array<i32>} : memref<128x128xf32, #tpu.memory_space<vmem>>, vector<1x16xf32>,
        %parallel_loop3A_363 = vector.shape_cast %parallel_loop3A_362 : vector<1x16xf32> to vector<16xf32>
        %parallel_loop3A_364 = vector.shape_cast %parallel_loop3A_359 : vector<16xf32> to vector<1x16xf32>
        tpu.vector_store %arg11[%parallel_loop3A_360, %parallel_loop3A_361], %parallel_loop3A_364 {add = true, strides = array<i32>} : memref<128x128xf32, #tpu.memory_space<vmem>>, vector<1x16xf32>,
        %parallel_loop3A_365 = arith.index_cast %parallel_loop3A_319 : i32 to index
        %parallel_loop3A_366 = arith.constant 80 : index
        %parallel_loop3A_367 = tpu.vector_load %arg7[%parallel_loop3A_365, %parallel_loop3A_366] {strides = array<i32>} : memref<200x128xf32, #tpu.memory_space<vmem>>, vector<1x16xf32>,
        %parallel_loop3A_368 = vector.shape_cast %parallel_loop3A_367 : vector<1x16xf32> to vector<16xf32>
        %parallel_loop3A_369 = arith.index_cast %parallel_loop3A_316 : i32 to index
        %parallel_loop3A_370 = arith.constant 80 : index
        %parallel_loop3A_371 = tpu.vector_load %arg11[%parallel_loop3A_369, %parallel_loop3A_370] {strides = array<i32>} : memref<128x128xf32, #tpu.memory_space<vmem>>, vector<1x16xf32>,
        %parallel_loop3A_372 = vector.shape_cast %parallel_loop3A_371 : vector<1x16xf32> to vector<16xf32>
        %parallel_loop3A_373 = vector.shape_cast %parallel_loop3A_368 : vector<16xf32> to vector<1x16xf32>
        tpu.vector_store %arg11[%parallel_loop3A_369, %parallel_loop3A_370], %parallel_loop3A_373 {add = true, strides = array<i32>} : memref<128x128xf32, #tpu.memory_space<vmem>>, vector<1x16xf32>,
        %parallel_loop3A_374 = arith.index_cast %parallel_loop3A_319 : i32 to index
        %parallel_loop3A_375 = arith.constant 96 : index
        %parallel_loop3A_376 = tpu.vector_load %arg7[%parallel_loop3A_374, %parallel_loop3A_375] {strides = array<i32>} : memref<200x128xf32, #tpu.memory_space<vmem>>, vector<1x16xf32>,
        %parallel_loop3A_377 = vector.shape_cast %parallel_loop3A_376 : vector<1x16xf32> to vector<16xf32>
        %parallel_loop3A_378 = arith.index_cast %parallel_loop3A_316 : i32 to index
        %parallel_loop3A_379 = arith.constant 96 : index
        %parallel_loop3A_380 = tpu.vector_load %arg11[%parallel_loop3A_378, %parallel_loop3A_379] {strides = array<i32>} : memref<128x128xf32, #tpu.memory_space<vmem>>, vector<1x16xf32>,
        %parallel_loop3A_381 = vector.shape_cast %parallel_loop3A_380 : vector<1x16xf32> to vector<16xf32>
        %parallel_loop3A_382 = vector.shape_cast %parallel_loop3A_377 : vector<16xf32> to vector<1x16xf32>
        tpu.vector_store %arg11[%parallel_loop3A_378, %parallel_loop3A_379], %parallel_loop3A_382 {add = true, strides = array<i32>} : memref<128x128xf32, #tpu.memory_space<vmem>>, vector<1x16xf32>,
        %parallel_loop3A_383 = arith.index_cast %parallel_loop3A_319 : i32 to index
        %parallel_loop3A_384 = arith.constant 112 : index
        %parallel_loop3A_385 = tpu.vector_load %arg7[%parallel_loop3A_383, %parallel_loop3A_384] {strides = array<i32>} : memref<200x128xf32, #tpu.memory_space<vmem>>, vector<1x16xf32>,
        %parallel_loop3A_386 = vector.shape_cast %parallel_loop3A_385 : vector<1x16xf32> to vector<16xf32>
        %parallel_loop3A_387 = arith.index_cast %parallel_loop3A_316 : i32 to index
        %parallel_loop3A_388 = arith.constant 112 : index
        %parallel_loop3A_389 = tpu.vector_load %arg11[%parallel_loop3A_387, %parallel_loop3A_388] {strides = array<i32>} : memref<128x128xf32, #tpu.memory_space<vmem>>, vector<1x16xf32>,
        %parallel_loop3A_390 = vector.shape_cast %parallel_loop3A_389 : vector<1x16xf32> to vector<16xf32>
        %parallel_loop3A_391 = vector.shape_cast %parallel_loop3A_386 : vector<16xf32> to vector<1x16xf32>
        tpu.vector_store %arg11[%parallel_loop3A_387, %parallel_loop3A_388], %parallel_loop3A_391 {add = true, strides = array<i32>} : memref<128x128xf32, #tpu.memory_space<vmem>>, vector<1x16xf32>,
      } {sc.loop_unroll_factor = 4 : i64, sc.parallel_access}
      %mul3A_173 = arith.constant 128 : i32
      %mul3A_174 = arith.muli %add3A_138, %mul3A_173 : i32
      %multiple_of3A_175 = tpu.assume_multiple %mul3A_174, 128 : i32
      %add3A_176 = arith.addi %multiple_of3A, %multiple_of3A_175 : i32
      %dma_start3A_177 = arith.constant 0 : i32
      %dma_start3A_178 = tpu.memref_slice %arg5[%add3A_176, %dma_start3A_177] : memref<819200x128xf32, #tpu.memory_space<hbm>> -> memref<128x128xf32, #tpu.memory_space<hbm>>
      %dma_start3A_179 = arith.constant 0 : i32
      %dma_start3A_180 = tpu.memref_slice %arg5[%add3A_176, %dma_start3A_179] : memref<819200x128xf32, #tpu.memory_space<hbm>> -> memref<128x128xf32, #tpu.memory_space<hbm>>
      tpu.enqueue_dma source(%arg11 : memref<128x128xf32, #tpu.memory_space<vmem>>) target(%dma_start3A_180 : memref<128x128xf32, #tpu.memory_space<hbm>>) target_semaphore(%arg19 : memref<!tpu.dma_semaphore, #tpu.memory_space<semaphore_mem>>)
      %add3A_181 = arith.constant 1 : i32
      %add3A_182 = arith.addi %add3A_136, %add3A_181 : i32
      %add3A_183 = arith.constant 1 : i32
      %add3A_184 = arith.addi %add3A_182, %add3A_183 : i32
      %sub3A_185 = arith.constant 4 : i32
      %sub3A_186 = arith.subi %add3A_184, %sub3A_185 : i32
      %mul3A_187 = arith.constant 128 : i32
      %mul3A_188 = arith.muli %sub3A_186, %mul3A_187 : i32
      %multiple_of3A_189 = tpu.assume_multiple %mul3A_188, 128 : i32
      %add3A_190 = arith.addi %multiple_of3A, %multiple_of3A_189 : i32
      %dma_wait3A_191 = arith.constant 0 : i32
      %dma_wait3A_192 = tpu.memref_slice %arg5[%add3A_190, %dma_wait3A_191] : memref<819200x128xf32, #tpu.memory_space<hbm>> -> memref<128x128xf32, #tpu.memory_space<hbm>>
      %dma_wait3A_193 = arith.constant 0 : i32
      %dma_wait3A_194 = tpu.memref_slice %arg5[%add3A_190, %dma_wait3A_193] : memref<819200x128xf32, #tpu.memory_space<hbm>> -> memref<128x128xf32, #tpu.memory_space<hbm>>
      tpu.wait_dma2 semaphore(%arg17 : memref<!tpu.dma_semaphore, #tpu.memory_space<semaphore_mem>>) src(%arg9 : memref<128x128xf32, #tpu.memory_space<vmem>>) dst(%dma_wait3A_194 : memref<128x128xf32, #tpu.memory_space<hbm>>)
      %add3A_195 = arith.constant 1 : i32
      %add3A_196 = arith.addi %add3A_182, %add3A_195 : i32
      %mul3A_197 = arith.constant 128 : i32
      %mul3A_198 = arith.muli %add3A_196, %mul3A_197 : i32
      %multiple_of3A_199 = tpu.assume_multiple %mul3A_198, 128 : i32
      %dma_start3A_200 = tpu.memref_slice %arg6[%multiple_of3A_199] : memref<25600xi32, #tpu.memory_space<vmem>> -> memref<128xi32, #tpu.memory_space<vmem>>
      %dma_start3A_201 = arith.constant 0 : i32
      %dma_start3A_202 = arith.constant 0 : i32
      %dma_start3A_203 = tpu.memref_slice %arg3[%dma_start3A_201, %dma_start3A_202] : memref<100000x128xf32, #tpu.memory_space<hbm>> -> memref<100000x128xf32, #tpu.memory_space<hbm>>
      tpu.enqueue_indirect_dma source(%dma_start3A_203 : memref<100000x128xf32, #tpu.memory_space<hbm>>) target(%arg9 : memref<128x128xf32, #tpu.memory_space<vmem>>) offsets(%dma_start3A_200 : memref<128xi32, #tpu.memory_space<vmem>>) semaphore(%arg13 : memref<!tpu.dma_semaphore, #tpu.memory_space<semaphore_mem>>)
      %mul3A_204 = arith.constant 128 : i32
      %mul3A_205 = arith.muli %add3A_182, %mul3A_204 : i32
      %multiple_of3A_206 = tpu.assume_multiple %mul3A_205, 128 : i32
      %dma_wait3A_207 = tpu.memref_slice %arg6[%multiple_of3A_206] : memref<25600xi32, #tpu.memory_space<vmem>> -> memref<128xi32, #tpu.memory_space<vmem>>
      %dma_wait3A_208 = arith.constant 0 : i32
      %dma_wait3A_209 = arith.constant 0 : i32
      %dma_wait3A_210 = tpu.memref_slice %arg3[%dma_wait3A_208, %dma_wait3A_209] : memref<100000x128xf32, #tpu.memory_space<hbm>> -> memref<100000x128xf32, #tpu.memory_space<hbm>>
      tpu.wait_indirect_dma semaphore(%arg12 : memref<!tpu.dma_semaphore, #tpu.memory_space<semaphore_mem>>) src(%dma_wait3A_210 : memref<100000x128xf32, #tpu.memory_space<hbm>>) dst(%arg8 : memref<128x128xf32, #tpu.memory_space<vmem>>)
      %mul3A_211 = arith.constant 128 : i32
      %mul3A_212 = arith.muli %add3A_182, %mul3A_211 : i32
      %rem3A_213 = arith.constant 200 : i32
      %rem3A_214 = arith.remsi %mul3A_212, %rem3A_213 : i32
      %parallel_loop3A_215 = arith.constant 0 : i32
      %parallel_loop3A_216 = arith.constant 128 : i32
      %parallel_loop3A_217 = arith.constant 1 : i32
      scf.for %parallel_loop3A_316 = %parallel_loop3A_215 to %parallel_loop3A_216 step %parallel_loop3A_217  : i32 {
        %parallel_loop3A_317 = arith.addi %rem3A_214, %parallel_loop3A_316 : i32
        %parallel_loop3A_318 = arith.constant 200 : i32
        %parallel_loop3A_319 = arith.remsi %parallel_loop3A_317, %parallel_loop3A_318 : i32
        %parallel_loop3A_320 = arith.index_cast %parallel_loop3A_319 : i32 to index
        %parallel_loop3A_321 = arith.constant 0 : index
        %parallel_loop3A_322 = tpu.vector_load %arg7[%parallel_loop3A_320, %parallel_loop3A_321] {strides = array<i32>} : memref<200x128xf32, #tpu.memory_space<vmem>>, vector<1x16xf32>,
        %parallel_loop3A_323 = vector.shape_cast %parallel_loop3A_322 : vector<1x16xf32> to vector<16xf32>
        %parallel_loop3A_324 = arith.index_cast %parallel_loop3A_316 : i32 to index
        %parallel_loop3A_325 = arith.constant 0 : index
        %parallel_loop3A_326 = tpu.vector_load %arg8[%parallel_loop3A_324, %parallel_loop3A_325] {strides = array<i32>} : memref<128x128xf32, #tpu.memory_space<vmem>>, vector<1x16xf32>,
        %parallel_loop3A_327 = vector.shape_cast %parallel_loop3A_326 : vector<1x16xf32> to vector<16xf32>
        %parallel_loop3A_328 = vector.shape_cast %parallel_loop3A_323 : vector<16xf32> to vector<1x16xf32>
        tpu.vector_store %arg8[%parallel_loop3A_324, %parallel_loop3A_325], %parallel_loop3A_328 {add = true, strides = array<i32>} : memref<128x128xf32, #tpu.memory_space<vmem>>, vector<1x16xf32>,
        %parallel_loop3A_329 = arith.index_cast %parallel_loop3A_319 : i32 to index
        %parallel_loop3A_330 = arith.constant 16 : index
        %parallel_loop3A_331 = tpu.vector_load %arg7[%parallel_loop3A_329, %parallel_loop3A_330] {strides = array<i32>} : memref<200x128xf32, #tpu.memory_space<vmem>>, vector<1x16xf32>,
        %parallel_loop3A_332 = vector.shape_cast %parallel_loop3A_331 : vector<1x16xf32> to vector<16xf32>
        %parallel_loop3A_333 = arith.index_cast %parallel_loop3A_316 : i32 to index
        %parallel_loop3A_334 = arith.constant 16 : index
        %parallel_loop3A_335 = tpu.vector_load %arg8[%parallel_loop3A_333, %parallel_loop3A_334] {strides = array<i32>} : memref<128x128xf32, #tpu.memory_space<vmem>>, vector<1x16xf32>,
        %parallel_loop3A_336 = vector.shape_cast %parallel_loop3A_335 : vector<1x16xf32> to vector<16xf32>
        %parallel_loop3A_337 = vector.shape_cast %parallel_loop3A_332 : vector<16xf32> to vector<1x16xf32>
        tpu.vector_store %arg8[%parallel_loop3A_333, %parallel_loop3A_334], %parallel_loop3A_337 {add = true, strides = array<i32>} : memref<128x128xf32, #tpu.memory_space<vmem>>, vector<1x16xf32>,
        %parallel_loop3A_338 = arith.index_cast %parallel_loop3A_319 : i32 to index
        %parallel_loop3A_339 = arith.constant 32 : index
        %parallel_loop3A_340 = tpu.vector_load %arg7[%parallel_loop3A_338, %parallel_loop3A_339] {strides = array<i32>} : memref<200x128xf32, #tpu.memory_space<vmem>>, vector<1x16xf32>,
        %parallel_loop3A_341 = vector.shape_cast %parallel_loop3A_340 : vector<1x16xf32> to vector<16xf32>
        %parallel_loop3A_342 = arith.index_cast %parallel_loop3A_316 : i32 to index
        %parallel_loop3A_343 = arith.constant 32 : index
        %parallel_loop3A_344 = tpu.vector_load %arg8[%parallel_loop3A_342, %parallel_loop3A_343] {strides = array<i32>} : memref<128x128xf32, #tpu.memory_space<vmem>>, vector<1x16xf32>,
        %parallel_loop3A_345 = vector.shape_cast %parallel_loop3A_344 : vector<1x16xf32> to vector<16xf32>
        %parallel_loop3A_346 = vector.shape_cast %parallel_loop3A_341 : vector<16xf32> to vector<1x16xf32>
        tpu.vector_store %arg8[%parallel_loop3A_342, %parallel_loop3A_343], %parallel_loop3A_346 {add = true, strides = array<i32>} : memref<128x128xf32, #tpu.memory_space<vmem>>, vector<1x16xf32>,
        %parallel_loop3A_347 = arith.index_cast %parallel_loop3A_319 : i32 to index
        %parallel_loop3A_348 = arith.constant 48 : index
        %parallel_loop3A_349 = tpu.vector_load %arg7[%parallel_loop3A_347, %parallel_loop3A_348] {strides = array<i32>} : memref<200x128xf32, #tpu.memory_space<vmem>>, vector<1x16xf32>,
        %parallel_loop3A_350 = vector.shape_cast %parallel_loop3A_349 : vector<1x16xf32> to vector<16xf32>
        %parallel_loop3A_351 = arith.index_cast %parallel_loop3A_316 : i32 to index
        %parallel_loop3A_352 = arith.constant 48 : index
        %parallel_loop3A_353 = tpu.vector_load %arg8[%parallel_loop3A_351, %parallel_loop3A_352] {strides = array<i32>} : memref<128x128xf32, #tpu.memory_space<vmem>>, vector<1x16xf32>,
        %parallel_loop3A_354 = vector.shape_cast %parallel_loop3A_353 : vector<1x16xf32> to vector<16xf32>
        %parallel_loop3A_355 = vector.shape_cast %parallel_loop3A_350 : vector<16xf32> to vector<1x16xf32>
        tpu.vector_store %arg8[%parallel_loop3A_351, %parallel_loop3A_352], %parallel_loop3A_355 {add = true, strides = array<i32>} : memref<128x128xf32, #tpu.memory_space<vmem>>, vector<1x16xf32>,
        %parallel_loop3A_356 = arith.index_cast %parallel_loop3A_319 : i32 to index
        %parallel_loop3A_357 = arith.constant 64 : index
        %parallel_loop3A_358 = tpu.vector_load %arg7[%parallel_loop3A_356, %parallel_loop3A_357] {strides = array<i32>} : memref<200x128xf32, #tpu.memory_space<vmem>>, vector<1x16xf32>,
        %parallel_loop3A_359 = vector.shape_cast %parallel_loop3A_358 : vector<1x16xf32> to vector<16xf32>
        %parallel_loop3A_360 = arith.index_cast %parallel_loop3A_316 : i32 to index
        %parallel_loop3A_361 = arith.constant 64 : index
        %parallel_loop3A_362 = tpu.vector_load %arg8[%parallel_loop3A_360, %parallel_loop3A_361] {strides = array<i32>} : memref<128x128xf32, #tpu.memory_space<vmem>>, vector<1x16xf32>,
        %parallel_loop3A_363 = vector.shape_cast %parallel_loop3A_362 : vector<1x16xf32> to vector<16xf32>
        %parallel_loop3A_364 = vector.shape_cast %parallel_loop3A_359 : vector<16xf32> to vector<1x16xf32>
        tpu.vector_store %arg8[%parallel_loop3A_360, %parallel_loop3A_361], %parallel_loop3A_364 {add = true, strides = array<i32>} : memref<128x128xf32, #tpu.memory_space<vmem>>, vector<1x16xf32>,
        %parallel_loop3A_365 = arith.index_cast %parallel_loop3A_319 : i32 to index
        %parallel_loop3A_366 = arith.constant 80 : index
        %parallel_loop3A_367 = tpu.vector_load %arg7[%parallel_loop3A_365, %parallel_loop3A_366] {strides = array<i32>} : memref<200x128xf32, #tpu.memory_space<vmem>>, vector<1x16xf32>,
        %parallel_loop3A_368 = vector.shape_cast %parallel_loop3A_367 : vector<1x16xf32> to vector<16xf32>
        %parallel_loop3A_369 = arith.index_cast %parallel_loop3A_316 : i32 to index
        %parallel_loop3A_370 = arith.constant 80 : index
        %parallel_loop3A_371 = tpu.vector_load %arg8[%parallel_loop3A_369, %parallel_loop3A_370] {strides = array<i32>} : memref<128x128xf32, #tpu.memory_space<vmem>>, vector<1x16xf32>,
        %parallel_loop3A_372 = vector.shape_cast %parallel_loop3A_371 : vector<1x16xf32> to vector<16xf32>
        %parallel_loop3A_373 = vector.shape_cast %parallel_loop3A_368 : vector<16xf32> to vector<1x16xf32>
        tpu.vector_store %arg8[%parallel_loop3A_369, %parallel_loop3A_370], %parallel_loop3A_373 {add = true, strides = array<i32>} : memref<128x128xf32, #tpu.memory_space<vmem>>, vector<1x16xf32>,
        %parallel_loop3A_374 = arith.index_cast %parallel_loop3A_319 : i32 to index
        %parallel_loop3A_375 = arith.constant 96 : index
        %parallel_loop3A_376 = tpu.vector_load %arg7[%parallel_loop3A_374, %parallel_loop3A_375] {strides = array<i32>} : memref<200x128xf32, #tpu.memory_space<vmem>>, vector<1x16xf32>,
        %parallel_loop3A_377 = vector.shape_cast %parallel_loop3A_376 : vector<1x16xf32> to vector<16xf32>
        %parallel_loop3A_378 = arith.index_cast %parallel_loop3A_316 : i32 to index
        %parallel_loop3A_379 = arith.constant 96 : index
        %parallel_loop3A_380 = tpu.vector_load %arg8[%parallel_loop3A_378, %parallel_loop3A_379] {strides = array<i32>} : memref<128x128xf32, #tpu.memory_space<vmem>>, vector<1x16xf32>,
        %parallel_loop3A_381 = vector.shape_cast %parallel_loop3A_380 : vector<1x16xf32> to vector<16xf32>
        %parallel_loop3A_382 = vector.shape_cast %parallel_loop3A_377 : vector<16xf32> to vector<1x16xf32>
        tpu.vector_store %arg8[%parallel_loop3A_378, %parallel_loop3A_379], %parallel_loop3A_382 {add = true, strides = array<i32>} : memref<128x128xf32, #tpu.memory_space<vmem>>, vector<1x16xf32>,
        %parallel_loop3A_383 = arith.index_cast %parallel_loop3A_319 : i32 to index
        %parallel_loop3A_384 = arith.constant 112 : index
        %parallel_loop3A_385 = tpu.vector_load %arg7[%parallel_loop3A_383, %parallel_loop3A_384] {strides = array<i32>} : memref<200x128xf32, #tpu.memory_space<vmem>>, vector<1x16xf32>,
        %parallel_loop3A_386 = vector.shape_cast %parallel_loop3A_385 : vector<1x16xf32> to vector<16xf32>
        %parallel_loop3A_387 = arith.index_cast %parallel_loop3A_316 : i32 to index
        %parallel_loop3A_388 = arith.constant 112 : index
        %parallel_loop3A_389 = tpu.vector_load %arg8[%parallel_loop3A_387, %parallel_loop3A_388] {strides = array<i32>} : memref<128x128xf32, #tpu.memory_space<vmem>>, vector<1x16xf32>,
        %parallel_loop3A_390 = vector.shape_cast %parallel_loop3A_389 : vector<1x16xf32> to vector<16xf32>
        %parallel_loop3A_391 = vector.shape_cast %parallel_loop3A_386 : vector<16xf32> to vector<1x16xf32>
        tpu.vector_store %arg8[%parallel_loop3A_387, %parallel_loop3A_388], %parallel_loop3A_391 {add = true, strides = array<i32>} : memref<128x128xf32, #tpu.memory_space<vmem>>, vector<1x16xf32>,
      } {sc.loop_unroll_factor = 4 : i64, sc.parallel_access}
      %mul3A_218 = arith.constant 128 : i32
      %mul3A_219 = arith.muli %add3A_182, %mul3A_218 : i32
      %multiple_of3A_220 = tpu.assume_multiple %mul3A_219, 128 : i32
      %add3A_221 = arith.addi %multiple_of3A, %multiple_of3A_220 : i32
      %dma_start3A_222 = arith.constant 0 : i32
      %dma_start3A_223 = tpu.memref_slice %arg5[%add3A_221, %dma_start3A_222] : memref<819200x128xf32, #tpu.memory_space<hbm>> -> memref<128x128xf32, #tpu.memory_space<hbm>>
      %dma_start3A_224 = arith.constant 0 : i32
      %dma_start3A_225 = tpu.memref_slice %arg5[%add3A_221, %dma_start3A_224] : memref<819200x128xf32, #tpu.memory_space<hbm>> -> memref<128x128xf32, #tpu.memory_space<hbm>>
      tpu.enqueue_dma source(%arg8 : memref<128x128xf32, #tpu.memory_space<vmem>>) target(%dma_start3A_225 : memref<128x128xf32, #tpu.memory_space<hbm>>) target_semaphore(%arg16 : memref<!tpu.dma_semaphore, #tpu.memory_space<semaphore_mem>>)
      %add3A_226 = arith.constant 2 : i32
      %add3A_227 = arith.addi %add3A_136, %add3A_226 : i32
      %add3A_228 = arith.constant 1 : i32
      %add3A_229 = arith.addi %add3A_227, %add3A_228 : i32
      %sub3A_230 = arith.constant 4 : i32
      %sub3A_231 = arith.subi %add3A_229, %sub3A_230 : i32
      %mul3A_232 = arith.constant 128 : i32
      %mul3A_233 = arith.muli %sub3A_231, %mul3A_232 : i32
      %multiple_of3A_234 = tpu.assume_multiple %mul3A_233, 128 : i32
      %add3A_235 = arith.addi %multiple_of3A, %multiple_of3A_234 : i32
      %dma_wait3A_236 = arith.constant 0 : i32
      %dma_wait3A_237 = tpu.memref_slice %arg5[%add3A_235, %dma_wait3A_236] : memref<819200x128xf32, #tpu.memory_space<hbm>> -> memref<128x128xf32, #tpu.memory_space<hbm>>
      %dma_wait3A_238 = arith.constant 0 : i32
      %dma_wait3A_239 = tpu.memref_slice %arg5[%add3A_235, %dma_wait3A_238] : memref<819200x128xf32, #tpu.memory_space<hbm>> -> memref<128x128xf32, #tpu.memory_space<hbm>>
      tpu.wait_dma2 semaphore(%arg18 : memref<!tpu.dma_semaphore, #tpu.memory_space<semaphore_mem>>) src(%arg10 : memref<128x128xf32, #tpu.memory_space<vmem>>) dst(%dma_wait3A_239 : memref<128x128xf32, #tpu.memory_space<hbm>>)
      %add3A_240 = arith.constant 1 : i32
      %add3A_241 = arith.addi %add3A_227, %add3A_240 : i32
      %mul3A_242 = arith.constant 128 : i32
      %mul3A_243 = arith.muli %add3A_241, %mul3A_242 : i32
      %multiple_of3A_244 = tpu.assume_multiple %mul3A_243, 128 : i32
      %dma_start3A_245 = tpu.memref_slice %arg6[%multiple_of3A_244] : memref<25600xi32, #tpu.memory_space<vmem>> -> memref<128xi32, #tpu.memory_space<vmem>>
      %dma_start3A_246 = arith.constant 0 : i32
      %dma_start3A_247 = arith.constant 0 : i32
      %dma_start3A_248 = tpu.memref_slice %arg3[%dma_start3A_246, %dma_start3A_247] : memref<100000x128xf32, #tpu.memory_space<hbm>> -> memref<100000x128xf32, #tpu.memory_space<hbm>>
      tpu.enqueue_indirect_dma source(%dma_start3A_248 : memref<100000x128xf32, #tpu.memory_space<hbm>>) target(%arg10 : memref<128x128xf32, #tpu.memory_space<vmem>>) offsets(%dma_start3A_245 : memref<128xi32, #tpu.memory_space<vmem>>) semaphore(%arg14 : memref<!tpu.dma_semaphore, #tpu.memory_space<semaphore_mem>>)
      %mul3A_249 = arith.constant 128 : i32
      %mul3A_250 = arith.muli %add3A_227, %mul3A_249 : i32
      %multiple_of3A_251 = tpu.assume_multiple %mul3A_250, 128 : i32
      %dma_wait3A_252 = tpu.memref_slice %arg6[%multiple_of3A_251] : memref<25600xi32, #tpu.memory_space<vmem>> -> memref<128xi32, #tpu.memory_space<vmem>>
      %dma_wait3A_253 = arith.constant 0 : i32
      %dma_wait3A_254 = arith.constant 0 : i32
      %dma_wait3A_255 = tpu.memref_slice %arg3[%dma_wait3A_253, %dma_wait3A_254] : memref<100000x128xf32, #tpu.memory_space<hbm>> -> memref<100000x128xf32, #tpu.memory_space<hbm>>
      tpu.wait_indirect_dma semaphore(%arg13 : memref<!tpu.dma_semaphore, #tpu.memory_space<semaphore_mem>>) src(%dma_wait3A_255 : memref<100000x128xf32, #tpu.memory_space<hbm>>) dst(%arg9 : memref<128x128xf32, #tpu.memory_space<vmem>>)
      %mul3A_256 = arith.constant 128 : i32
      %mul3A_257 = arith.muli %add3A_227, %mul3A_256 : i32
      %rem3A_258 = arith.constant 200 : i32
      %rem3A_259 = arith.remsi %mul3A_257, %rem3A_258 : i32
      %parallel_loop3A_260 = arith.constant 0 : i32
      %parallel_loop3A_261 = arith.constant 128 : i32
      %parallel_loop3A_262 = arith.constant 1 : i32
      scf.for %parallel_loop3A_316 = %parallel_loop3A_260 to %parallel_loop3A_261 step %parallel_loop3A_262  : i32 {
        %parallel_loop3A_317 = arith.addi %rem3A_259, %parallel_loop3A_316 : i32
        %parallel_loop3A_318 = arith.constant 200 : i32
        %parallel_loop3A_319 = arith.remsi %parallel_loop3A_317, %parallel_loop3A_318 : i32
        %parallel_loop3A_320 = arith.index_cast %parallel_loop3A_319 : i32 to index
        %parallel_loop3A_321 = arith.constant 0 : index
        %parallel_loop3A_322 = tpu.vector_load %arg7[%parallel_loop3A_320, %parallel_loop3A_321] {strides = array<i32>} : memref<200x128xf32, #tpu.memory_space<vmem>>, vector<1x16xf32>,
        %parallel_loop3A_323 = vector.shape_cast %parallel_loop3A_322 : vector<1x16xf32> to vector<16xf32>
        %parallel_loop3A_324 = arith.index_cast %parallel_loop3A_316 : i32 to index
        %parallel_loop3A_325 = arith.constant 0 : index
        %parallel_loop3A_326 = tpu.vector_load %arg9[%parallel_loop3A_324, %parallel_loop3A_325] {strides = array<i32>} : memref<128x128xf32, #tpu.memory_space<vmem>>, vector<1x16xf32>,
        %parallel_loop3A_327 = vector.shape_cast %parallel_loop3A_326 : vector<1x16xf32> to vector<16xf32>
        %parallel_loop3A_328 = vector.shape_cast %parallel_loop3A_323 : vector<16xf32> to vector<1x16xf32>
        tpu.vector_store %arg9[%parallel_loop3A_324, %parallel_loop3A_325], %parallel_loop3A_328 {add = true, strides = array<i32>} : memref<128x128xf32, #tpu.memory_space<vmem>>, vector<1x16xf32>,
        %parallel_loop3A_329 = arith.index_cast %parallel_loop3A_319 : i32 to index
        %parallel_loop3A_330 = arith.constant 16 : index
        %parallel_loop3A_331 = tpu.vector_load %arg7[%parallel_loop3A_329, %parallel_loop3A_330] {strides = array<i32>} : memref<200x128xf32, #tpu.memory_space<vmem>>, vector<1x16xf32>,
        %parallel_loop3A_332 = vector.shape_cast %parallel_loop3A_331 : vector<1x16xf32> to vector<16xf32>
        %parallel_loop3A_333 = arith.index_cast %parallel_loop3A_316 : i32 to index
        %parallel_loop3A_334 = arith.constant 16 : index
        %parallel_loop3A_335 = tpu.vector_load %arg9[%parallel_loop3A_333, %parallel_loop3A_334] {strides = array<i32>} : memref<128x128xf32, #tpu.memory_space<vmem>>, vector<1x16xf32>,
        %parallel_loop3A_336 = vector.shape_cast %parallel_loop3A_335 : vector<1x16xf32> to vector<16xf32>
        %parallel_loop3A_337 = vector.shape_cast %parallel_loop3A_332 : vector<16xf32> to vector<1x16xf32>
        tpu.vector_store %arg9[%parallel_loop3A_333, %parallel_loop3A_334], %parallel_loop3A_337 {add = true, strides = array<i32>} : memref<128x128xf32, #tpu.memory_space<vmem>>, vector<1x16xf32>,
        %parallel_loop3A_338 = arith.index_cast %parallel_loop3A_319 : i32 to index
        %parallel_loop3A_339 = arith.constant 32 : index
        %parallel_loop3A_340 = tpu.vector_load %arg7[%parallel_loop3A_338, %parallel_loop3A_339] {strides = array<i32>} : memref<200x128xf32, #tpu.memory_space<vmem>>, vector<1x16xf32>,
        %parallel_loop3A_341 = vector.shape_cast %parallel_loop3A_340 : vector<1x16xf32> to vector<16xf32>
        %parallel_loop3A_342 = arith.index_cast %parallel_loop3A_316 : i32 to index
        %parallel_loop3A_343 = arith.constant 32 : index
        %parallel_loop3A_344 = tpu.vector_load %arg9[%parallel_loop3A_342, %parallel_loop3A_343] {strides = array<i32>} : memref<128x128xf32, #tpu.memory_space<vmem>>, vector<1x16xf32>,
        %parallel_loop3A_345 = vector.shape_cast %parallel_loop3A_344 : vector<1x16xf32> to vector<16xf32>
        %parallel_loop3A_346 = vector.shape_cast %parallel_loop3A_341 : vector<16xf32> to vector<1x16xf32>
        tpu.vector_store %arg9[%parallel_loop3A_342, %parallel_loop3A_343], %parallel_loop3A_346 {add = true, strides = array<i32>} : memref<128x128xf32, #tpu.memory_space<vmem>>, vector<1x16xf32>,
        %parallel_loop3A_347 = arith.index_cast %parallel_loop3A_319 : i32 to index
        %parallel_loop3A_348 = arith.constant 48 : index
        %parallel_loop3A_349 = tpu.vector_load %arg7[%parallel_loop3A_347, %parallel_loop3A_348] {strides = array<i32>} : memref<200x128xf32, #tpu.memory_space<vmem>>, vector<1x16xf32>,
        %parallel_loop3A_350 = vector.shape_cast %parallel_loop3A_349 : vector<1x16xf32> to vector<16xf32>
        %parallel_loop3A_351 = arith.index_cast %parallel_loop3A_316 : i32 to index
        %parallel_loop3A_352 = arith.constant 48 : index
        %parallel_loop3A_353 = tpu.vector_load %arg9[%parallel_loop3A_351, %parallel_loop3A_352] {strides = array<i32>} : memref<128x128xf32, #tpu.memory_space<vmem>>, vector<1x16xf32>,
        %parallel_loop3A_354 = vector.shape_cast %parallel_loop3A_353 : vector<1x16xf32> to vector<16xf32>
        %parallel_loop3A_355 = vector.shape_cast %parallel_loop3A_350 : vector<16xf32> to vector<1x16xf32>
        tpu.vector_store %arg9[%parallel_loop3A_351, %parallel_loop3A_352], %parallel_loop3A_355 {add = true, strides = array<i32>} : memref<128x128xf32, #tpu.memory_space<vmem>>, vector<1x16xf32>,
        %parallel_loop3A_356 = arith.index_cast %parallel_loop3A_319 : i32 to index
        %parallel_loop3A_357 = arith.constant 64 : index
        %parallel_loop3A_358 = tpu.vector_load %arg7[%parallel_loop3A_356, %parallel_loop3A_357] {strides = array<i32>} : memref<200x128xf32, #tpu.memory_space<vmem>>, vector<1x16xf32>,
        %parallel_loop3A_359 = vector.shape_cast %parallel_loop3A_358 : vector<1x16xf32> to vector<16xf32>
        %parallel_loop3A_360 = arith.index_cast %parallel_loop3A_316 : i32 to index
        %parallel_loop3A_361 = arith.constant 64 : index
        %parallel_loop3A_362 = tpu.vector_load %arg9[%parallel_loop3A_360, %parallel_loop3A_361] {strides = array<i32>} : memref<128x128xf32, #tpu.memory_space<vmem>>, vector<1x16xf32>,
        %parallel_loop3A_363 = vector.shape_cast %parallel_loop3A_362 : vector<1x16xf32> to vector<16xf32>
        %parallel_loop3A_364 = vector.shape_cast %parallel_loop3A_359 : vector<16xf32> to vector<1x16xf32>
        tpu.vector_store %arg9[%parallel_loop3A_360, %parallel_loop3A_361], %parallel_loop3A_364 {add = true, strides = array<i32>} : memref<128x128xf32, #tpu.memory_space<vmem>>, vector<1x16xf32>,
        %parallel_loop3A_365 = arith.index_cast %parallel_loop3A_319 : i32 to index
        %parallel_loop3A_366 = arith.constant 80 : index
        %parallel_loop3A_367 = tpu.vector_load %arg7[%parallel_loop3A_365, %parallel_loop3A_366] {strides = array<i32>} : memref<200x128xf32, #tpu.memory_space<vmem>>, vector<1x16xf32>,
        %parallel_loop3A_368 = vector.shape_cast %parallel_loop3A_367 : vector<1x16xf32> to vector<16xf32>
        %parallel_loop3A_369 = arith.index_cast %parallel_loop3A_316 : i32 to index
        %parallel_loop3A_370 = arith.constant 80 : index
        %parallel_loop3A_371 = tpu.vector_load %arg9[%parallel_loop3A_369, %parallel_loop3A_370] {strides = array<i32>} : memref<128x128xf32, #tpu.memory_space<vmem>>, vector<1x16xf32>,
        %parallel_loop3A_372 = vector.shape_cast %parallel_loop3A_371 : vector<1x16xf32> to vector<16xf32>
        %parallel_loop3A_373 = vector.shape_cast %parallel_loop3A_368 : vector<16xf32> to vector<1x16xf32>
        tpu.vector_store %arg9[%parallel_loop3A_369, %parallel_loop3A_370], %parallel_loop3A_373 {add = true, strides = array<i32>} : memref<128x128xf32, #tpu.memory_space<vmem>>, vector<1x16xf32>,
        %parallel_loop3A_374 = arith.index_cast %parallel_loop3A_319 : i32 to index
        %parallel_loop3A_375 = arith.constant 96 : index
        %parallel_loop3A_376 = tpu.vector_load %arg7[%parallel_loop3A_374, %parallel_loop3A_375] {strides = array<i32>} : memref<200x128xf32, #tpu.memory_space<vmem>>, vector<1x16xf32>,
        %parallel_loop3A_377 = vector.shape_cast %parallel_loop3A_376 : vector<1x16xf32> to vector<16xf32>
        %parallel_loop3A_378 = arith.index_cast %parallel_loop3A_316 : i32 to index
        %parallel_loop3A_379 = arith.constant 96 : index
        %parallel_loop3A_380 = tpu.vector_load %arg9[%parallel_loop3A_378, %parallel_loop3A_379] {strides = array<i32>} : memref<128x128xf32, #tpu.memory_space<vmem>>, vector<1x16xf32>,
        %parallel_loop3A_381 = vector.shape_cast %parallel_loop3A_380 : vector<1x16xf32> to vector<16xf32>
        %parallel_loop3A_382 = vector.shape_cast %parallel_loop3A_377 : vector<16xf32> to vector<1x16xf32>
        tpu.vector_store %arg9[%parallel_loop3A_378, %parallel_loop3A_379], %parallel_loop3A_382 {add = true, strides = array<i32>} : memref<128x128xf32, #tpu.memory_space<vmem>>, vector<1x16xf32>,
        %parallel_loop3A_383 = arith.index_cast %parallel_loop3A_319 : i32 to index
        %parallel_loop3A_384 = arith.constant 112 : index
        %parallel_loop3A_385 = tpu.vector_load %arg7[%parallel_loop3A_383, %parallel_loop3A_384] {strides = array<i32>} : memref<200x128xf32, #tpu.memory_space<vmem>>, vector<1x16xf32>,
        %parallel_loop3A_386 = vector.shape_cast %parallel_loop3A_385 : vector<1x16xf32> to vector<16xf32>
        %parallel_loop3A_387 = arith.index_cast %parallel_loop3A_316 : i32 to index
        %parallel_loop3A_388 = arith.constant 112 : index
        %parallel_loop3A_389 = tpu.vector_load %arg9[%parallel_loop3A_387, %parallel_loop3A_388] {strides = array<i32>} : memref<128x128xf32, #tpu.memory_space<vmem>>, vector<1x16xf32>,
        %parallel_loop3A_390 = vector.shape_cast %parallel_loop3A_389 : vector<1x16xf32> to vector<16xf32>
        %parallel_loop3A_391 = vector.shape_cast %parallel_loop3A_386 : vector<16xf32> to vector<1x16xf32>
        tpu.vector_store %arg9[%parallel_loop3A_387, %parallel_loop3A_388], %parallel_loop3A_391 {add = true, strides = array<i32>} : memref<128x128xf32, #tpu.memory_space<vmem>>, vector<1x16xf32>,
      } {sc.loop_unroll_factor = 4 : i64, sc.parallel_access}
      %mul3A_263 = arith.constant 128 : i32
      %mul3A_264 = arith.muli %add3A_227, %mul3A_263 : i32
      %multiple_of3A_265 = tpu.assume_multiple %mul3A_264, 128 : i32
      %add3A_266 = arith.addi %multiple_of3A, %multiple_of3A_265 : i32
      %dma_start3A_267 = arith.constant 0 : i32
      %dma_start3A_268 = tpu.memref_slice %arg5[%add3A_266, %dma_start3A_267] : memref<819200x128xf32, #tpu.memory_space<hbm>> -> memref<128x128xf32, #tpu.memory_space<hbm>>
      %dma_start3A_269 = arith.constant 0 : i32
      %dma_start3A_270 = tpu.memref_slice %arg5[%add3A_266, %dma_start3A_269] : memref<819200x128xf32, #tpu.memory_space<hbm>> -> memref<128x128xf32, #tpu.memory_space<hbm>>
      tpu.enqueue_dma source(%arg9 : memref<128x128xf32, #tpu.memory_space<vmem>>) target(%dma_start3A_270 : memref<128x128xf32, #tpu.memory_space<hbm>>) target_semaphore(%arg17 : memref<!tpu.dma_semaphore, #tpu.memory_space<semaphore_mem>>)
      %add3A_271 = arith.constant 3 : i32
      %add3A_272 = arith.addi %add3A_136, %add3A_271 : i32
      %add3A_273 = arith.constant 1 : i32
      %add3A_274 = arith.addi %add3A_272, %add3A_273 : i32
      %sub3A_275 = arith.constant 4 : i32
      %sub3A_276 = arith.subi %add3A_274, %sub3A_275 : i32
      %mul3A_277 = arith.constant 128 : i32
      %mul3A_278 = arith.muli %sub3A_276, %mul3A_277 : i32
      %multiple_of3A_279 = tpu.assume_multiple %mul3A_278, 128 : i32
      %add3A_280 = arith.addi %multiple_of3A, %multiple_of3A_279 : i32
      %dma_wait3A_281 = arith.constant 0 : i32
      %dma_wait3A_282 = tpu.memref_slice %arg5[%add3A_280, %dma_wait3A_281] : memref<819200x128xf32, #tpu.memory_space<hbm>> -> memref<128x128xf32, #tpu.memory_space<hbm>>
      %dma_wait3A_283 = arith.constant 0 : i32
      %dma_wait3A_284 = tpu.memref_slice %arg5[%add3A_280, %dma_wait3A_283] : memref<819200x128xf32, #tpu.memory_space<hbm>> -> memref<128x128xf32, #tpu.memory_space<hbm>>
      tpu.wait_dma2 semaphore(%arg19 : memref<!tpu.dma_semaphore, #tpu.memory_space<semaphore_mem>>) src(%arg11 : memref<128x128xf32, #tpu.memory_space<vmem>>) dst(%dma_wait3A_284 : memref<128x128xf32, #tpu.memory_space<hbm>>)
      %add3A_285 = arith.constant 1 : i32
      %add3A_286 = arith.addi %add3A_272, %add3A_285 : i32
      %mul3A_287 = arith.constant 128 : i32
      %mul3A_288 = arith.muli %add3A_286, %mul3A_287 : i32
      %multiple_of3A_289 = tpu.assume_multiple %mul3A_288, 128 : i32
      %dma_start3A_290 = tpu.memref_slice %arg6[%multiple_of3A_289] : memref<25600xi32, #tpu.memory_space<vmem>> -> memref<128xi32, #tpu.memory_space<vmem>>
      %dma_start3A_291 = arith.constant 0 : i32
      %dma_start3A_292 = arith.constant 0 : i32
      %dma_start3A_293 = tpu.memref_slice %arg3[%dma_start3A_291, %dma_start3A_292] : memref<100000x128xf32, #tpu.memory_space<hbm>> -> memref<100000x128xf32, #tpu.memory_space<hbm>>
      tpu.enqueue_indirect_dma source(%dma_start3A_293 : memref<100000x128xf32, #tpu.memory_space<hbm>>) target(%arg11 : memref<128x128xf32, #tpu.memory_space<vmem>>) offsets(%dma_start3A_290 : memref<128xi32, #tpu.memory_space<vmem>>) semaphore(%arg15 : memref<!tpu.dma_semaphore, #tpu.memory_space<semaphore_mem>>)
      %mul3A_294 = arith.constant 128 : i32
      %mul3A_295 = arith.muli %add3A_272, %mul3A_294 : i32
      %multiple_of3A_296 = tpu.assume_multiple %mul3A_295, 128 : i32
      %dma_wait3A_297 = tpu.memref_slice %arg6[%multiple_of3A_296] : memref<25600xi32, #tpu.memory_space<vmem>> -> memref<128xi32, #tpu.memory_space<vmem>>
      %dma_wait3A_298 = arith.constant 0 : i32
      %dma_wait3A_299 = arith.constant 0 : i32
      %dma_wait3A_300 = tpu.memref_slice %arg3[%dma_wait3A_298, %dma_wait3A_299] : memref<100000x128xf32, #tpu.memory_space<hbm>> -> memref<100000x128xf32, #tpu.memory_space<hbm>>
      tpu.wait_indirect_dma semaphore(%arg14 : memref<!tpu.dma_semaphore, #tpu.memory_space<semaphore_mem>>) src(%dma_wait3A_300 : memref<100000x128xf32, #tpu.memory_space<hbm>>) dst(%arg10 : memref<128x128xf32, #tpu.memory_space<vmem>>)
      %mul3A_301 = arith.constant 128 : i32
      %mul3A_302 = arith.muli %add3A_272, %mul3A_301 : i32
      %rem3A_303 = arith.constant 200 : i32
      %rem3A_304 = arith.remsi %mul3A_302, %rem3A_303 : i32
      %parallel_loop3A_305 = arith.constant 0 : i32
      %parallel_loop3A_306 = arith.constant 128 : i32
      %parallel_loop3A_307 = arith.constant 1 : i32
      scf.for %parallel_loop3A_316 = %parallel_loop3A_305 to %parallel_loop3A_306 step %parallel_loop3A_307  : i32 {
        %parallel_loop3A_317 = arith.addi %rem3A_304, %parallel_loop3A_316 : i32
        %parallel_loop3A_318 = arith.constant 200 : i32
        %parallel_loop3A_319 = arith.remsi %parallel_loop3A_317, %parallel_loop3A_318 : i32
        %parallel_loop3A_320 = arith.index_cast %parallel_loop3A_319 : i32 to index
        %parallel_loop3A_321 = arith.constant 0 : index
        %parallel_loop3A_322 = tpu.vector_load %arg7[%parallel_loop3A_320, %parallel_loop3A_321] {strides = array<i32>} : memref<200x128xf32, #tpu.memory_space<vmem>>, vector<1x16xf32>,
        %parallel_loop3A_323 = vector.shape_cast %parallel_loop3A_322 : vector<1x16xf32> to vector<16xf32>
        %parallel_loop3A_324 = arith.index_cast %parallel_loop3A_316 : i32 to index
        %parallel_loop3A_325 = arith.constant 0 : index
        %parallel_loop3A_326 = tpu.vector_load %arg10[%parallel_loop3A_324, %parallel_loop3A_325] {strides = array<i32>} : memref<128x128xf32, #tpu.memory_space<vmem>>, vector<1x16xf32>,
        %parallel_loop3A_327 = vector.shape_cast %parallel_loop3A_326 : vector<1x16xf32> to vector<16xf32>
        %parallel_loop3A_328 = vector.shape_cast %parallel_loop3A_323 : vector<16xf32> to vector<1x16xf32>
        tpu.vector_store %arg10[%parallel_loop3A_324, %parallel_loop3A_325], %parallel_loop3A_328 {add = true, strides = array<i32>} : memref<128x128xf32, #tpu.memory_space<vmem>>, vector<1x16xf32>,
        %parallel_loop3A_329 = arith.index_cast %parallel_loop3A_319 : i32 to index
        %parallel_loop3A_330 = arith.constant 16 : index
        %parallel_loop3A_331 = tpu.vector_load %arg7[%parallel_loop3A_329, %parallel_loop3A_330] {strides = array<i32>} : memref<200x128xf32, #tpu.memory_space<vmem>>, vector<1x16xf32>,
        %parallel_loop3A_332 = vector.shape_cast %parallel_loop3A_331 : vector<1x16xf32> to vector<16xf32>
        %parallel_loop3A_333 = arith.index_cast %parallel_loop3A_316 : i32 to index
        %parallel_loop3A_334 = arith.constant 16 : index
        %parallel_loop3A_335 = tpu.vector_load %arg10[%parallel_loop3A_333, %parallel_loop3A_334] {strides = array<i32>} : memref<128x128xf32, #tpu.memory_space<vmem>>, vector<1x16xf32>,
        %parallel_loop3A_336 = vector.shape_cast %parallel_loop3A_335 : vector<1x16xf32> to vector<16xf32>
        %parallel_loop3A_337 = vector.shape_cast %parallel_loop3A_332 : vector<16xf32> to vector<1x16xf32>
        tpu.vector_store %arg10[%parallel_loop3A_333, %parallel_loop3A_334], %parallel_loop3A_337 {add = true, strides = array<i32>} : memref<128x128xf32, #tpu.memory_space<vmem>>, vector<1x16xf32>,
        %parallel_loop3A_338 = arith.index_cast %parallel_loop3A_319 : i32 to index
        %parallel_loop3A_339 = arith.constant 32 : index
        %parallel_loop3A_340 = tpu.vector_load %arg7[%parallel_loop3A_338, %parallel_loop3A_339] {strides = array<i32>} : memref<200x128xf32, #tpu.memory_space<vmem>>, vector<1x16xf32>,
        %parallel_loop3A_341 = vector.shape_cast %parallel_loop3A_340 : vector<1x16xf32> to vector<16xf32>
        %parallel_loop3A_342 = arith.index_cast %parallel_loop3A_316 : i32 to index
        %parallel_loop3A_343 = arith.constant 32 : index
        %parallel_loop3A_344 = tpu.vector_load %arg10[%parallel_loop3A_342, %parallel_loop3A_343] {strides = array<i32>} : memref<128x128xf32, #tpu.memory_space<vmem>>, vector<1x16xf32>,
        %parallel_loop3A_345 = vector.shape_cast %parallel_loop3A_344 : vector<1x16xf32> to vector<16xf32>
        %parallel_loop3A_346 = vector.shape_cast %parallel_loop3A_341 : vector<16xf32> to vector<1x16xf32>
        tpu.vector_store %arg10[%parallel_loop3A_342, %parallel_loop3A_343], %parallel_loop3A_346 {add = true, strides = array<i32>} : memref<128x128xf32, #tpu.memory_space<vmem>>, vector<1x16xf32>,
        %parallel_loop3A_347 = arith.index_cast %parallel_loop3A_319 : i32 to index
        %parallel_loop3A_348 = arith.constant 48 : index
        %parallel_loop3A_349 = tpu.vector_load %arg7[%parallel_loop3A_347, %parallel_loop3A_348] {strides = array<i32>} : memref<200x128xf32, #tpu.memory_space<vmem>>, vector<1x16xf32>,
        %parallel_loop3A_350 = vector.shape_cast %parallel_loop3A_349 : vector<1x16xf32> to vector<16xf32>
        %parallel_loop3A_351 = arith.index_cast %parallel_loop3A_316 : i32 to index
        %parallel_loop3A_352 = arith.constant 48 : index
        %parallel_loop3A_353 = tpu.vector_load %arg10[%parallel_loop3A_351, %parallel_loop3A_352] {strides = array<i32>} : memref<128x128xf32, #tpu.memory_space<vmem>>, vector<1x16xf32>,
        %parallel_loop3A_354 = vector.shape_cast %parallel_loop3A_353 : vector<1x16xf32> to vector<16xf32>
        %parallel_loop3A_355 = vector.shape_cast %parallel_loop3A_350 : vector<16xf32> to vector<1x16xf32>
        tpu.vector_store %arg10[%parallel_loop3A_351, %parallel_loop3A_352], %parallel_loop3A_355 {add = true, strides = array<i32>} : memref<128x128xf32, #tpu.memory_space<vmem>>, vector<1x16xf32>,
        %parallel_loop3A_356 = arith.index_cast %parallel_loop3A_319 : i32 to index
        %parallel_loop3A_357 = arith.constant 64 : index
        %parallel_loop3A_358 = tpu.vector_load %arg7[%parallel_loop3A_356, %parallel_loop3A_357] {strides = array<i32>} : memref<200x128xf32, #tpu.memory_space<vmem>>, vector<1x16xf32>,
        %parallel_loop3A_359 = vector.shape_cast %parallel_loop3A_358 : vector<1x16xf32> to vector<16xf32>
        %parallel_loop3A_360 = arith.index_cast %parallel_loop3A_316 : i32 to index
        %parallel_loop3A_361 = arith.constant 64 : index
        %parallel_loop3A_362 = tpu.vector_load %arg10[%parallel_loop3A_360, %parallel_loop3A_361] {strides = array<i32>} : memref<128x128xf32, #tpu.memory_space<vmem>>, vector<1x16xf32>,
        %parallel_loop3A_363 = vector.shape_cast %parallel_loop3A_362 : vector<1x16xf32> to vector<16xf32>
        %parallel_loop3A_364 = vector.shape_cast %parallel_loop3A_359 : vector<16xf32> to vector<1x16xf32>
        tpu.vector_store %arg10[%parallel_loop3A_360, %parallel_loop3A_361], %parallel_loop3A_364 {add = true, strides = array<i32>} : memref<128x128xf32, #tpu.memory_space<vmem>>, vector<1x16xf32>,
        %parallel_loop3A_365 = arith.index_cast %parallel_loop3A_319 : i32 to index
        %parallel_loop3A_366 = arith.constant 80 : index
        %parallel_loop3A_367 = tpu.vector_load %arg7[%parallel_loop3A_365, %parallel_loop3A_366] {strides = array<i32>} : memref<200x128xf32, #tpu.memory_space<vmem>>, vector<1x16xf32>,
        %parallel_loop3A_368 = vector.shape_cast %parallel_loop3A_367 : vector<1x16xf32> to vector<16xf32>
        %parallel_loop3A_369 = arith.index_cast %parallel_loop3A_316 : i32 to index
        %parallel_loop3A_370 = arith.constant 80 : index
        %parallel_loop3A_371 = tpu.vector_load %arg10[%parallel_loop3A_369, %parallel_loop3A_370] {strides = array<i32>} : memref<128x128xf32, #tpu.memory_space<vmem>>, vector<1x16xf32>,
        %parallel_loop3A_372 = vector.shape_cast %parallel_loop3A_371 : vector<1x16xf32> to vector<16xf32>
        %parallel_loop3A_373 = vector.shape_cast %parallel_loop3A_368 : vector<16xf32> to vector<1x16xf32>
        tpu.vector_store %arg10[%parallel_loop3A_369, %parallel_loop3A_370], %parallel_loop3A_373 {add = true, strides = array<i32>} : memref<128x128xf32, #tpu.memory_space<vmem>>, vector<1x16xf32>,
        %parallel_loop3A_374 = arith.index_cast %parallel_loop3A_319 : i32 to index
        %parallel_loop3A_375 = arith.constant 96 : index
        %parallel_loop3A_376 = tpu.vector_load %arg7[%parallel_loop3A_374, %parallel_loop3A_375] {strides = array<i32>} : memref<200x128xf32, #tpu.memory_space<vmem>>, vector<1x16xf32>,
        %parallel_loop3A_377 = vector.shape_cast %parallel_loop3A_376 : vector<1x16xf32> to vector<16xf32>
        %parallel_loop3A_378 = arith.index_cast %parallel_loop3A_316 : i32 to index
        %parallel_loop3A_379 = arith.constant 96 : index
        %parallel_loop3A_380 = tpu.vector_load %arg10[%parallel_loop3A_378, %parallel_loop3A_379] {strides = array<i32>} : memref<128x128xf32, #tpu.memory_space<vmem>>, vector<1x16xf32>,
        %parallel_loop3A_381 = vector.shape_cast %parallel_loop3A_380 : vector<1x16xf32> to vector<16xf32>
        %parallel_loop3A_382 = vector.shape_cast %parallel_loop3A_377 : vector<16xf32> to vector<1x16xf32>
        tpu.vector_store %arg10[%parallel_loop3A_378, %parallel_loop3A_379], %parallel_loop3A_382 {add = true, strides = array<i32>} : memref<128x128xf32, #tpu.memory_space<vmem>>, vector<1x16xf32>,
        %parallel_loop3A_383 = arith.index_cast %parallel_loop3A_319 : i32 to index
        %parallel_loop3A_384 = arith.constant 112 : index
        %parallel_loop3A_385 = tpu.vector_load %arg7[%parallel_loop3A_383, %parallel_loop3A_384] {strides = array<i32>} : memref<200x128xf32, #tpu.memory_space<vmem>>, vector<1x16xf32>,
        %parallel_loop3A_386 = vector.shape_cast %parallel_loop3A_385 : vector<1x16xf32> to vector<16xf32>
        %parallel_loop3A_387 = arith.index_cast %parallel_loop3A_316 : i32 to index
        %parallel_loop3A_388 = arith.constant 112 : index
        %parallel_loop3A_389 = tpu.vector_load %arg10[%parallel_loop3A_387, %parallel_loop3A_388] {strides = array<i32>} : memref<128x128xf32, #tpu.memory_space<vmem>>, vector<1x16xf32>,
        %parallel_loop3A_390 = vector.shape_cast %parallel_loop3A_389 : vector<1x16xf32> to vector<16xf32>
        %parallel_loop3A_391 = vector.shape_cast %parallel_loop3A_386 : vector<16xf32> to vector<1x16xf32>
        tpu.vector_store %arg10[%parallel_loop3A_387, %parallel_loop3A_388], %parallel_loop3A_391 {add = true, strides = array<i32>} : memref<128x128xf32, #tpu.memory_space<vmem>>, vector<1x16xf32>,
      } {sc.loop_unroll_factor = 4 : i64, sc.parallel_access}
      %mul3A_308 = arith.constant 128 : i32
      %mul3A_309 = arith.muli %add3A_272, %mul3A_308 : i32
      %multiple_of3A_310 = tpu.assume_multiple %mul3A_309, 128 : i32
      %add3A_311 = arith.addi %multiple_of3A, %multiple_of3A_310 : i32
      %dma_start3A_312 = arith.constant 0 : i32
      %dma_start3A_313 = tpu.memref_slice %arg5[%add3A_311, %dma_start3A_312] : memref<819200x128xf32, #tpu.memory_space<hbm>> -> memref<128x128xf32, #tpu.memory_space<hbm>>
      %dma_start3A_314 = arith.constant 0 : i32
      %dma_start3A_315 = tpu.memref_slice %arg5[%add3A_311, %dma_start3A_314] : memref<819200x128xf32, #tpu.memory_space<hbm>> -> memref<128x128xf32, #tpu.memory_space<hbm>>
      tpu.enqueue_dma source(%arg10 : memref<128x128xf32, #tpu.memory_space<vmem>>) target(%dma_start3A_315 : memref<128x128xf32, #tpu.memory_space<hbm>>) target_semaphore(%arg18 : memref<!tpu.dma_semaphore, #tpu.memory_space<semaphore_mem>>)
    }
    %scan3A_84 = arith.constant 49 : i32
    %multiple_of3A_85 = arith.constant 25472 : i32
    %multiple_of3A_86 = tpu.assume_multiple %multiple_of3A_85, 128 : i32
    %dma_wait3A_87 = tpu.memref_slice %arg6[%multiple_of3A_86] : memref<25600xi32, #tpu.memory_space<vmem>> -> memref<128xi32, #tpu.memory_space<vmem>>
    %dma_wait3A_88 = arith.constant 0 : i32
    %dma_wait3A_89 = arith.constant 0 : i32
    %dma_wait3A_90 = tpu.memref_slice %arg3[%dma_wait3A_88, %dma_wait3A_89] : memref<100000x128xf32, #tpu.memory_space<hbm>> -> memref<100000x128xf32, #tpu.memory_space<hbm>>
    tpu.wait_indirect_dma semaphore(%arg15 : memref<!tpu.dma_semaphore, #tpu.memory_space<semaphore_mem>>) src(%dma_wait3A_90 : memref<100000x128xf32, #tpu.memory_space<hbm>>) dst(%arg11 : memref<128x128xf32, #tpu.memory_space<vmem>>)
    %rem3A_91 = arith.constant 25472 : i32
    %rem3A_92 = arith.constant 200 : i32
    %rem3A_93 = arith.remsi %rem3A_91, %rem3A_92 : i32
    %parallel_loop3A_94 = arith.constant 0 : i32
    %parallel_loop3A_95 = arith.constant 128 : i32
    %parallel_loop3A_96 = arith.constant 1 : i32
    scf.for %parallel_loop3A_132 = %parallel_loop3A_94 to %parallel_loop3A_95 step %parallel_loop3A_96  : i32 {
      %parallel_loop3A_133 = arith.addi %rem3A_93, %parallel_loop3A_132 : i32
      %parallel_loop3A_134 = arith.constant 200 : i32
      %parallel_loop3A_135 = arith.remsi %parallel_loop3A_133, %parallel_loop3A_134 : i32
      %parallel_loop3A_136 = arith.index_cast %parallel_loop3A_135 : i32 to index
      %parallel_loop3A_137 = arith.constant 0 : index
      %parallel_loop3A_138 = tpu.vector_load %arg7[%parallel_loop3A_136, %parallel_loop3A_137] {strides = array<i32>} : memref<200x128xf32, #tpu.memory_space<vmem>>, vector<1x16xf32>,
      %parallel_loop3A_139 = vector.shape_cast %parallel_loop3A_138 : vector<1x16xf32> to vector<16xf32>
      %parallel_loop3A_140 = arith.index_cast %parallel_loop3A_132 : i32 to index
      %parallel_loop3A_141 = arith.constant 0 : index
      %parallel_loop3A_142 = tpu.vector_load %arg11[%parallel_loop3A_140, %parallel_loop3A_141] {strides = array<i32>} : memref<128x128xf32, #tpu.memory_space<vmem>>, vector<1x16xf32>,
      %parallel_loop3A_143 = vector.shape_cast %parallel_loop3A_142 : vector<1x16xf32> to vector<16xf32>
      %parallel_loop3A_144 = vector.shape_cast %parallel_loop3A_139 : vector<16xf32> to vector<1x16xf32>
      tpu.vector_store %arg11[%parallel_loop3A_140, %parallel_loop3A_141], %parallel_loop3A_144 {add = true, strides = array<i32>} : memref<128x128xf32, #tpu.memory_space<vmem>>, vector<1x16xf32>,
      %parallel_loop3A_145 = arith.index_cast %parallel_loop3A_135 : i32 to index
      %parallel_loop3A_146 = arith.constant 16 : index
      %parallel_loop3A_147 = tpu.vector_load %arg7[%parallel_loop3A_145, %parallel_loop3A_146] {strides = array<i32>} : memref<200x128xf32, #tpu.memory_space<vmem>>, vector<1x16xf32>,
      %parallel_loop3A_148 = vector.shape_cast %parallel_loop3A_147 : vector<1x16xf32> to vector<16xf32>
      %parallel_loop3A_149 = arith.index_cast %parallel_loop3A_132 : i32 to index
      %parallel_loop3A_150 = arith.constant 16 : index
      %parallel_loop3A_151 = tpu.vector_load %arg11[%parallel_loop3A_149, %parallel_loop3A_150] {strides = array<i32>} : memref<128x128xf32, #tpu.memory_space<vmem>>, vector<1x16xf32>,
      %parallel_loop3A_152 = vector.shape_cast %parallel_loop3A_151 : vector<1x16xf32> to vector<16xf32>
      %parallel_loop3A_153 = vector.shape_cast %parallel_loop3A_148 : vector<16xf32> to vector<1x16xf32>
      tpu.vector_store %arg11[%parallel_loop3A_149, %parallel_loop3A_150], %parallel_loop3A_153 {add = true, strides = array<i32>} : memref<128x128xf32, #tpu.memory_space<vmem>>, vector<1x16xf32>,
      %parallel_loop3A_154 = arith.index_cast %parallel_loop3A_135 : i32 to index
      %parallel_loop3A_155 = arith.constant 32 : index
      %parallel_loop3A_156 = tpu.vector_load %arg7[%parallel_loop3A_154, %parallel_loop3A_155] {strides = array<i32>} : memref<200x128xf32, #tpu.memory_space<vmem>>, vector<1x16xf32>,
      %parallel_loop3A_157 = vector.shape_cast %parallel_loop3A_156 : vector<1x16xf32> to vector<16xf32>
      %parallel_loop3A_158 = arith.index_cast %parallel_loop3A_132 : i32 to index
      %parallel_loop3A_159 = arith.constant 32 : index
      %parallel_loop3A_160 = tpu.vector_load %arg11[%parallel_loop3A_158, %parallel_loop3A_159] {strides = array<i32>} : memref<128x128xf32, #tpu.memory_space<vmem>>, vector<1x16xf32>,
      %parallel_loop3A_161 = vector.shape_cast %parallel_loop3A_160 : vector<1x16xf32> to vector<16xf32>
      %parallel_loop3A_162 = vector.shape_cast %parallel_loop3A_157 : vector<16xf32> to vector<1x16xf32>
      tpu.vector_store %arg11[%parallel_loop3A_158, %parallel_loop3A_159], %parallel_loop3A_162 {add = true, strides = array<i32>} : memref<128x128xf32, #tpu.memory_space<vmem>>, vector<1x16xf32>,
      %parallel_loop3A_163 = arith.index_cast %parallel_loop3A_135 : i32 to index
      %parallel_loop3A_164 = arith.constant 48 : index
      %parallel_loop3A_165 = tpu.vector_load %arg7[%parallel_loop3A_163, %parallel_loop3A_164] {strides = array<i32>} : memref<200x128xf32, #tpu.memory_space<vmem>>, vector<1x16xf32>,
      %parallel_loop3A_166 = vector.shape_cast %parallel_loop3A_165 : vector<1x16xf32> to vector<16xf32>
      %parallel_loop3A_167 = arith.index_cast %parallel_loop3A_132 : i32 to index
      %parallel_loop3A_168 = arith.constant 48 : index
      %parallel_loop3A_169 = tpu.vector_load %arg11[%parallel_loop3A_167, %parallel_loop3A_168] {strides = array<i32>} : memref<128x128xf32, #tpu.memory_space<vmem>>, vector<1x16xf32>,
      %parallel_loop3A_170 = vector.shape_cast %parallel_loop3A_169 : vector<1x16xf32> to vector<16xf32>
      %parallel_loop3A_171 = vector.shape_cast %parallel_loop3A_166 : vector<16xf32> to vector<1x16xf32>
      tpu.vector_store %arg11[%parallel_loop3A_167, %parallel_loop3A_168], %parallel_loop3A_171 {add = true, strides = array<i32>} : memref<128x128xf32, #tpu.memory_space<vmem>>, vector<1x16xf32>,
      %parallel_loop3A_172 = arith.index_cast %parallel_loop3A_135 : i32 to index
      %parallel_loop3A_173 = arith.constant 64 : index
      %parallel_loop3A_174 = tpu.vector_load %arg7[%parallel_loop3A_172, %parallel_loop3A_173] {strides = array<i32>} : memref<200x128xf32, #tpu.memory_space<vmem>>, vector<1x16xf32>,
      %parallel_loop3A_175 = vector.shape_cast %parallel_loop3A_174 : vector<1x16xf32> to vector<16xf32>
      %parallel_loop3A_176 = arith.index_cast %parallel_loop3A_132 : i32 to index
      %parallel_loop3A_177 = arith.constant 64 : index
      %parallel_loop3A_178 = tpu.vector_load %arg11[%parallel_loop3A_176, %parallel_loop3A_177] {strides = array<i32>} : memref<128x128xf32, #tpu.memory_space<vmem>>, vector<1x16xf32>,
      %parallel_loop3A_179 = vector.shape_cast %parallel_loop3A_178 : vector<1x16xf32> to vector<16xf32>
      %parallel_loop3A_180 = vector.shape_cast %parallel_loop3A_175 : vector<16xf32> to vector<1x16xf32>
      tpu.vector_store %arg11[%parallel_loop3A_176, %parallel_loop3A_177], %parallel_loop3A_180 {add = true, strides = array<i32>} : memref<128x128xf32, #tpu.memory_space<vmem>>, vector<1x16xf32>,
      %parallel_loop3A_181 = arith.index_cast %parallel_loop3A_135 : i32 to index
      %parallel_loop3A_182 = arith.constant 80 : index
      %parallel_loop3A_183 = tpu.vector_load %arg7[%parallel_loop3A_181, %parallel_loop3A_182] {strides = array<i32>} : memref<200x128xf32, #tpu.memory_space<vmem>>, vector<1x16xf32>,
      %parallel_loop3A_184 = vector.shape_cast %parallel_loop3A_183 : vector<1x16xf32> to vector<16xf32>
      %parallel_loop3A_185 = arith.index_cast %parallel_loop3A_132 : i32 to index
      %parallel_loop3A_186 = arith.constant 80 : index
      %parallel_loop3A_187 = tpu.vector_load %arg11[%parallel_loop3A_185, %parallel_loop3A_186] {strides = array<i32>} : memref<128x128xf32, #tpu.memory_space<vmem>>, vector<1x16xf32>,
      %parallel_loop3A_188 = vector.shape_cast %parallel_loop3A_187 : vector<1x16xf32> to vector<16xf32>
      %parallel_loop3A_189 = vector.shape_cast %parallel_loop3A_184 : vector<16xf32> to vector<1x16xf32>
      tpu.vector_store %arg11[%parallel_loop3A_185, %parallel_loop3A_186], %parallel_loop3A_189 {add = true, strides = array<i32>} : memref<128x128xf32, #tpu.memory_space<vmem>>, vector<1x16xf32>,
      %parallel_loop3A_190 = arith.index_cast %parallel_loop3A_135 : i32 to index
      %parallel_loop3A_191 = arith.constant 96 : index
      %parallel_loop3A_192 = tpu.vector_load %arg7[%parallel_loop3A_190, %parallel_loop3A_191] {strides = array<i32>} : memref<200x128xf32, #tpu.memory_space<vmem>>, vector<1x16xf32>,
      %parallel_loop3A_193 = vector.shape_cast %parallel_loop3A_192 : vector<1x16xf32> to vector<16xf32>
      %parallel_loop3A_194 = arith.index_cast %parallel_loop3A_132 : i32 to index
      %parallel_loop3A_195 = arith.constant 96 : index
      %parallel_loop3A_196 = tpu.vector_load %arg11[%parallel_loop3A_194, %parallel_loop3A_195] {strides = array<i32>} : memref<128x128xf32, #tpu.memory_space<vmem>>, vector<1x16xf32>,
      %parallel_loop3A_197 = vector.shape_cast %parallel_loop3A_196 : vector<1x16xf32> to vector<16xf32>
      %parallel_loop3A_198 = vector.shape_cast %parallel_loop3A_193 : vector<16xf32> to vector<1x16xf32>
      tpu.vector_store %arg11[%parallel_loop3A_194, %parallel_loop3A_195], %parallel_loop3A_198 {add = true, strides = array<i32>} : memref<128x128xf32, #tpu.memory_space<vmem>>, vector<1x16xf32>,
      %parallel_loop3A_199 = arith.index_cast %parallel_loop3A_135 : i32 to index
      %parallel_loop3A_200 = arith.constant 112 : index
      %parallel_loop3A_201 = tpu.vector_load %arg7[%parallel_loop3A_199, %parallel_loop3A_200] {strides = array<i32>} : memref<200x128xf32, #tpu.memory_space<vmem>>, vector<1x16xf32>,
      %parallel_loop3A_202 = vector.shape_cast %parallel_loop3A_201 : vector<1x16xf32> to vector<16xf32>
      %parallel_loop3A_203 = arith.index_cast %parallel_loop3A_132 : i32 to index
      %parallel_loop3A_204 = arith.constant 112 : index
      %parallel_loop3A_205 = tpu.vector_load %arg11[%parallel_loop3A_203, %parallel_loop3A_204] {strides = array<i32>} : memref<128x128xf32, #tpu.memory_space<vmem>>, vector<1x16xf32>,
      %parallel_loop3A_206 = vector.shape_cast %parallel_loop3A_205 : vector<1x16xf32> to vector<16xf32>
      %parallel_loop3A_207 = vector.shape_cast %parallel_loop3A_202 : vector<16xf32> to vector<1x16xf32>
      tpu.vector_store %arg11[%parallel_loop3A_203, %parallel_loop3A_204], %parallel_loop3A_207 {add = true, strides = array<i32>} : memref<128x128xf32, #tpu.memory_space<vmem>>, vector<1x16xf32>,
    } {sc.loop_unroll_factor = 4 : i64, sc.parallel_access}
    %multiple_of3A_97 = arith.constant 25472 : i32
    %multiple_of3A_98 = tpu.assume_multiple %multiple_of3A_97, 128 : i32
    %add3A_99 = arith.addi %multiple_of3A, %multiple_of3A_98 : i32
    %dma_start3A_100 = arith.constant 0 : i32
    %dma_start3A_101 = tpu.memref_slice %arg5[%add3A_99, %dma_start3A_100] : memref<819200x128xf32, #tpu.memory_space<hbm>> -> memref<128x128xf32, #tpu.memory_space<hbm>>
    %dma_start3A_102 = arith.constant 0 : i32
    %dma_start3A_103 = tpu.memref_slice %arg5[%add3A_99, %dma_start3A_102] : memref<819200x128xf32, #tpu.memory_space<hbm>> -> memref<128x128xf32, #tpu.memory_space<hbm>>
    tpu.enqueue_dma source(%arg11 : memref<128x128xf32, #tpu.memory_space<vmem>>) target(%dma_start3A_103 : memref<128x128xf32, #tpu.memory_space<hbm>>) target_semaphore(%arg19 : memref<!tpu.dma_semaphore, #tpu.memory_space<semaphore_mem>>)
    %multiple_of3A_104 = arith.constant 25088 : i32
    %multiple_of3A_105 = tpu.assume_multiple %multiple_of3A_104, 128 : i32
    %add3A_106 = arith.addi %multiple_of3A, %multiple_of3A_105 : i32
    %dma_wait3A_107 = arith.constant 0 : i32
    %dma_wait3A_108 = tpu.memref_slice %arg5[%add3A_106, %dma_wait3A_107] : memref<819200x128xf32, #tpu.memory_space<hbm>> -> memref<128x128xf32, #tpu.memory_space<hbm>>
    %dma_wait3A_109 = arith.constant 0 : i32
    %dma_wait3A_110 = tpu.memref_slice %arg5[%add3A_106, %dma_wait3A_109] : memref<819200x128xf32, #tpu.memory_space<hbm>> -> memref<128x128xf32, #tpu.memory_space<hbm>>
    tpu.wait_dma2 semaphore(%arg16 : memref<!tpu.dma_semaphore, #tpu.memory_space<semaphore_mem>>) src(%arg8 : memref<128x128xf32, #tpu.memory_space<vmem>>) dst(%dma_wait3A_110 : memref<128x128xf32, #tpu.memory_space<hbm>>)
    %multiple_of3A_111 = arith.constant 25216 : i32
    %multiple_of3A_112 = tpu.assume_multiple %multiple_of3A_111, 128 : i32
    %add3A_113 = arith.addi %multiple_of3A, %multiple_of3A_112 : i32
    %dma_wait3A_114 = arith.constant 0 : i32
    %dma_wait3A_115 = tpu.memref_slice %arg5[%add3A_113, %dma_wait3A_114] : memref<819200x128xf32, #tpu.memory_space<hbm>> -> memref<128x128xf32, #tpu.memory_space<hbm>>
    %dma_wait3A_116 = arith.constant 0 : i32
    %dma_wait3A_117 = tpu.memref_slice %arg5[%add3A_113, %dma_wait3A_116] : memref<819200x128xf32, #tpu.memory_space<hbm>> -> memref<128x128xf32, #tpu.memory_space<hbm>>
    tpu.wait_dma2 semaphore(%arg17 : memref<!tpu.dma_semaphore, #tpu.memory_space<semaphore_mem>>) src(%arg9 : memref<128x128xf32, #tpu.memory_space<vmem>>) dst(%dma_wait3A_117 : memref<128x128xf32, #tpu.memory_space<hbm>>)
    %multiple_of3A_118 = arith.constant 25344 : i32
    %multiple_of3A_119 = tpu.assume_multiple %multiple_of3A_118, 128 : i32
    %add3A_120 = arith.addi %multiple_of3A, %multiple_of3A_119 : i32
    %dma_wait3A_121 = arith.constant 0 : i32
    %dma_wait3A_122 = tpu.memref_slice %arg5[%add3A_120, %dma_wait3A_121] : memref<819200x128xf32, #tpu.memory_space<hbm>> -> memref<128x128xf32, #tpu.memory_space<hbm>>
    %dma_wait3A_123 = arith.constant 0 : i32
    %dma_wait3A_124 = tpu.memref_slice %arg5[%add3A_120, %dma_wait3A_123] : memref<819200x128xf32, #tpu.memory_space<hbm>> -> memref<128x128xf32, #tpu.memory_space<hbm>>
    tpu.wait_dma2 semaphore(%arg18 : memref<!tpu.dma_semaphore, #tpu.memory_space<semaphore_mem>>) src(%arg10 : memref<128x128xf32, #tpu.memory_space<vmem>>) dst(%dma_wait3A_124 : memref<128x128xf32, #tpu.memory_space<hbm>>)
    %multiple_of3A_125 = arith.constant 25472 : i32
    %multiple_of3A_126 = tpu.assume_multiple %multiple_of3A_125, 128 : i32
    %add3A_127 = arith.addi %multiple_of3A, %multiple_of3A_126 : i32
    %dma_wait3A_128 = arith.constant 0 : i32
    %dma_wait3A_129 = tpu.memref_slice %arg5[%add3A_127, %dma_wait3A_128] : memref<819200x128xf32, #tpu.memory_space<hbm>> -> memref<128x128xf32, #tpu.memory_space<hbm>>
    %dma_wait3A_130 = arith.constant 0 : i32
    %dma_wait3A_131 = tpu.memref_slice %arg5[%add3A_127, %dma_wait3A_130] : memref<819200x128xf32, #tpu.memory_space<hbm>> -> memref<128x128xf32, #tpu.memory_space<hbm>>
    tpu.wait_dma2 semaphore(%arg19 : memref<!tpu.dma_semaphore, #tpu.memory_space<semaphore_mem>>) src(%arg11 : memref<128x128xf32, #tpu.memory_space<vmem>>) dst(%dma_wait3A_131 : memref<128x128xf32, #tpu.memory_space<hbm>>)
    return
  }
}

</mosaic_0001>

<sc_bundles>
// kernel: _emb_lookup.3.cloned.1.call-start
scs
__scs_entry_jumppad:
0x0: {  	(pc) =	sbr.rel $0x88, $3  }
0x1: {  	(tag) =	ssettag $0x0;
	lr =	simm.s32 $0x1  }
0x2: {  	[smem:$0x3F9E] =	sst lr;
	_ =	strace $0xD0000000  }
0x3: {  	_ = 	snop  }
0x4: {  	_ = 	snop  }
0x5: {  	_ = 	snop  }
0x6: {  	_ = 	snop  }
0x7: {  	_ = 	snop  }
__scs_overlays_trampoline_lowered:
0x8: {  	[smem:$0x3FAD] =	sst s0  }
0x9: {  	[smem:$0x3FAE] =	sst s1  }
0xa: {  	[smem:$0x3FAF] =	sst s2  }
0xb: {  	[smem:$0x3FB0] =	sst s3  }
0xc: {  	[smem:$0x3FB1] =	sst s4  }
0xd: {  	[smem:$0x3FB2] =	sst s5  }
0xe: {  	[smem:$0x3FB3] =	sst s6  }
0xf: {  	[smem:$0x3FB4] =	sst s7  }
0x10: {  	[smem:$0x3FB5] =	sst s8  }
0x11: {  	[smem:$0x3FB6] =	sst s9;
	s0 =	simm.s32 @!p0 $0x0  }
0x12: {  	s1 =	sld [smem:$0x3F9C];
	s0 =	simm.s32 @p0 $0x1  }
0x13: {  	[smem:$0x3FB7] =	sst s0;
	s0 =	simm.s32 @!p1 $0x0  }
0x14: {  	s2 =	sld [smem:$0x3F9B];
	s0 =	simm.s32 @p1 $0x1  }
0x15: {  	[smem:$0x3FB8] =	sst s0;
	s0 =	simm.s32 @!p2 $0x0  }
0x16: {  	s3 =	sld [smem:$0x3FDB];
	s0 =	simm.s32 @p2 $0x1  }
0x17: {  	s4 =	simm.s32 $0x1BF5;
	[smem:$0x3FBA] =	sst s0  }
0x18: {  	s0 =	sld [smem:$0x3F9D];
	_ =	swait.ge [sflag:s4], $0x0  }
0x19: {  	s7 =	sld [smem:$0x3F9E]  }
0x1a: {  	s8 =	sadd.s32 $0xFFFFE003, lr  }
0x1b: {  	s9 =	sadd.s32 $0xFFFFFEF7, lr;
	s5 =	simm.s32 $0xFFFFFFFF;
	p2 =	slt.u32 s8, $0xFFFFF086  }
0x1c: {  	p1 =	slt.u32 s9, $0xF7A;
	s5 =	simm.s32 @!p2 $0x0  }
0x1d: {  	s5 =	simm.s32 @p1 $0x1;
	p0 =	seq.s32 s7, s2  }
0x1e: {  	s7 =	smul.u32 @!p0 $0xF7A, s2;
	p2 =	seq.s32 @!p0 s5, $0x0  }
0x1f: {  	s9 =	smul.u32 $0xF7A, s1;
	s8 =	simm.s32 @!p0 $0x1BF5;
	p2 =	por !p2, p0  }
0x20: {  	[sflag:s8] =	ssyncset.s32 @!p0 $0xFFFFF086;
	s6 =	sadd.s32 @!p0 s3, s7;
	s7 =	simm.s32 @!p0 $0x108  }
0x21: {  	s3 =	sadd.s32 s3, s9;
	s6 =	sadd.s32 @!p0 $0x88, s6;
	s7 =	simm.s32 @p2 $0x1082  }
0x22: {  	[simem:s7], [sflag:s8] =	dma.local @!p0 [hbm:s6], $0xF7A  }
0x23: {  	s9 =	sor.u32 $0xD0000000, s2;
	s6 =	simm.s32 $0x108;
	_ =	swait.ge @!p0 [sflag:s8], $0x0  }
0x24: {  	s3 =	sadd.s32 $0x88, s3;
	s6 =	simm.s32 @!p1 $0x1082;
	[sflag:s4] =	ssyncset.s32 $0xFFFFF086  }
0x25: {  	[simem:s6], [sflag:s4] =	dma.local [hbm:s3], $0xF7A  }
0x26: {  	[smem:$0x3F9E] =	sst s1;
	(tag) =	ssettag s2;
	_ =	strace s9  }
0x27: {  	s1 =	sld [smem:$0x3FAE]  }
0x28: {  	s2 =	sld [smem:$0x3FAF]  }
0x29: {  	s4 =	sld [smem:$0x3FB1]  }
0x2a: {  	p0 =	seq.s32 s5, $0x0;
	s5 =	sld [smem:$0x3FB2]  }
0x2b: {  	s6 =	sld [smem:$0x3FB3]  }
0x2c: {  	s7 =	sld [smem:$0x3FB4]  }
0x2d: {  	s3 =	simm.s32 $0x108;
	s8 =	sld [smem:$0x3FB5]  }
0x2e: {  	s3 =	simm.s32 @!p0 $0x1082;
	s9 =	sld [smem:$0x3FB6]  }
0x2f: {  	lr =	sadd.s32 s0, s3;
	s0 =	sld [smem:$0x3FAD]  }
0x30: {  	s3 =	sld [smem:$0x3FB0]  }
0x31: {  	[smem:$0x3FB9] =	sst s10  }
0x32: {  	s10 =	sld [smem:$0x3FB7];
	_ =	sdelay $0x3  }
0x33: {  	p0 =	seq.s32 s10, $0x1;
	s10 =	sld [smem:$0x3FB9];
	_ =	sdelay $0x3  }
0x34: {  	[smem:$0x3FB9] =	sst s10  }
0x35: {  	s10 =	sld [smem:$0x3FB8];
	_ =	sdelay $0x3  }
0x36: {  	p1 =	seq.s32 s10, $0x1;
	s10 =	sld [smem:$0x3FB9];
	_ =	sdelay $0x3  }
0x37: {  	[smem:$0x3FB9] =	sst s10  }
0x38: {  	s10 =	sld [smem:$0x3FBA]  }
0x39: {  	_ = 	snop;
	(pc) =	sbr.ind lr, $3  }
0x3a: {  	_ = 	snop  }
0x3b: {  	_ = 	snop  }
0x3c: {  	p2 =	seq.s32 s10, $0x1;
	s10 =	sld [smem:$0x3FB9]  }
0x3d: {  	_ =	shalt  }
0x3e: {  	_ =	shalt  }
0x3f: {  	_ =	shalt  }
0x40: {  	_ =	shalt  }
0x41: {  	_ =	shalt  }
0x42: {  	_ =	shalt  }
0x43: {  	_ =	shalt  }
0x44: {  	_ =	shalt  }
0x45: {  	_ =	shalt  }
0x46: {  	_ =	shalt  }
0x47: {  	_ =	shalt  }
0x48: {  	_ =	shalt  }
0x49: {  	_ =	shalt  }
0x4a: {  	_ =	shalt  }
0x4b: {  	_ =	shalt  }
0x4c: {  	_ =	shalt  }
0x4d: {  	_ =	shalt  }
0x4e: {  	_ =	shalt  }
0x4f: {  	_ =	shalt  }
0x50: {  	_ =	shalt  }
0x51: {  	_ =	shalt  }
0x52: {  	_ =	shalt  }
0x53: {  	_ =	shalt  }
0x54: {  	_ =	shalt  }
0x55: {  	_ =	shalt  }
0x56: {  	_ =	shalt  }
0x57: {  	_ =	shalt  }
0x58: {  	_ =	shalt  }
0x59: {  	_ =	shalt  }
0x5a: {  	_ =	shalt  }
0x5b: {  	_ =	shalt  }
0x5c: {  	_ =	shalt  }
0x5d: {  	_ =	shalt  }
0x5e: {  	_ =	shalt  }
0x5f: {  	_ =	shalt  }
0x60: {  	_ =	shalt  }
0x61: {  	_ =	shalt  }
0x62: {  	_ =	shalt  }
0x63: {  	_ =	shalt  }
0x64: {  	_ =	shalt  }
0x65: {  	_ =	shalt  }
0x66: {  	_ =	shalt  }
0x67: {  	_ =	shalt  }
0x68: {  	_ =	shalt  }
0x69: {  	_ =	shalt  }
0x6a: {  	_ =	shalt  }
0x6b: {  	_ =	shalt  }
0x6c: {  	_ =	shalt  }
0x6d: {  	_ =	shalt  }
0x6e: {  	_ =	shalt  }
0x6f: {  	_ =	shalt  }
0x70: {  	_ =	shalt  }
0x71: {  	_ =	shalt  }
0x72: {  	_ =	shalt  }
0x73: {  	_ =	shalt  }
0x74: {  	_ =	shalt  }
0x75: {  	_ =	shalt  }
0x76: {  	_ =	shalt  }
0x77: {  	_ =	shalt  }
0x78: {  	_ =	shalt  }
0x79: {  	_ =	shalt  }
0x7a: {  	_ =	shalt  }
0x7b: {  	_ =	shalt  }
0x7c: {  	_ =	shalt  }
0x7d: {  	_ =	shalt  }
0x7e: {  	_ =	shalt  }
0x7f: {  	_ =	shalt  }
0x80: {  	_ =	shalt  }
0x81: {  	_ =	shalt  }
0x82: {  	_ =	shalt  }
0x83: {  	_ =	shalt  }
0x84: {  	_ =	shalt  }
0x85: {  	_ =	shalt  }
0x86: {  	_ =	shalt  }
0x87: {  	_ =	shalt  }
.Lfunc_end0:
.L_simem_size_0:
called_computation_lowered:
.L_overlay_start_0:
0x88: {  	s2 =	sld [smem:$0x3FD9]  }
0x89: {  	s3 =	sld [smem:$0x3FFE];
	_ =	sdelay $0x1  }
0x8a: {  	s1 =	srdreg.scid  }
0x8b: {  	s0 =	sand.u32 $0x1, s1  }
0x8c: {  	s18 =	sshll.u32 s0, $0xA;
	s2 =	sadd.s32 s3, s2  }
0x8d: {  	s2 =	sadd.s32 s2, s18  }
0x8e: {  	[smem:$0x3FC5] =	sst s2  }
0x8f: {  	_ = 	snop  }
0x90: {  	s2 =	sld [smem:$0x3FC9]  }
0x91: {  	s19 =	sld [smem:$0x3FC8]  }
0x92: {  	s4 =	sld [smem:$0x3FC7]  }
0x93: {  	s5 =	sld [smem:$0x3FD0];
	(tm) =	ssettm $0x1  }
0x94: {  	s6 =	sld [smem:$0x3FFB];
	_ =	sdelay $0x3  }
0x95: {  	_ =	strace s6  }
0x96: {  	s6 =	sld [smem:$0x3FFC];
	_ =	sdelay $0x3  }
0x97: {  	_ =	strace s6  }
0x98: {  	s6 =	sld [smem:$0x3FFD];
	_ =	sdelay $0x3  }
0x99: {  	_ =	strace s6  }
0x9a: {  	_ =	strace $0x8FFFFFFF  }
0x9b: {  	s20 =	sld [smem:$0x3FDB];
	_ =	sdelay $0x1  }
0x9c: {  	s7 =	simm.s32 $_scs_section_size  }
0x9d: {  	s8 =	simm.s32 $_size__tile_overlayer_lowered;
	s9 =	simm.s32 $_tile_overlayer_lowered  }
0x9e: {  	s23 =	simm.s32 $0x1BFF;
	s22 =	sshll.u32 s9, $0x1;
	s6 =	sadd.s32 s7, s20  }
0x9f: {  	s10 =	simm.s32 $0x0;
	s21 =	sshll.u32 s8, $0x1;
	s8 =	sadd.s32 s22, s6  }
0xa0: {  	[timem:s10], [sflag:s23] =	dma.local [hbm:s8], s21  }
0xa1: {  	_ =	swait.ge [sflag:s23], s21  }
0xa2: {  	s7 =	ssub.s32 $0x0, s21;
	[sflag:s23] =	ssyncset.done $0x0  }
0xa3: {  	[sflag:s23] =	ssyncadd.s32 s7;
	_ =	sdelay $0x1  }
0xa4: {  	s24 =	simm.s32 $0x1B8B  }
0xa5: {  	_ =	swait.ge [sflag:s24], $0x1  }
0xa6: {  	[sflag:s24] =	ssyncset.done $0x0  }
0xa7: {  	s25 =	simm.s32 $0x1B8E;
	[sflag:s24] =	ssyncadd.s32 $0xFFFFFFFF  }
0xa8: {  	s26 =	simm.s32 $execute0_lowered;
	[smem:$0x3FD2] =	sst s25  }
0xa9: {  	s7 =	sshll.u32 s26, $0x1;
	_ =	strace $0x80000046;
	[dreg:$0x1] =	wrdreg $0xFFFFFFFF  }
0xaa: {  	s28 =	simm.s32 $_size_execute0_lowered;
	s6 =	sadd.s32 s6, s7;
	[dreg:$0x0] =	wrdreg $0x0  }
0xab: {  	s7 =	sshll.u32 s28, $0x1;
	[dreg:$0x2] =	wrdreg s6  }
0xac: {  	[dreg:$0x3] =	wrdreg s7  }
0xad: {  	[dreg:$0x4] =	wrdreg $0xC0  }
0xae: {  	_ =	task [dreg:s10], $0x5FFFF  }
0xaf: {  	[dreg:$0x1] =	wrdreg $0xFFFFFFFF  }
0xb0: {  	[dreg:$0x0] =	wrdreg $0x60  }
0xb1: {  	[dreg:$0x2] =	wrdreg s2  }
0xb2: {  	[dreg:$0x3] =	wrdreg s19  }
0xb3: {  	[dreg:$0x4] =	wrdreg s4  }
0xb4: {  	[dreg:$0x5] =	wrdreg s5  }
0xb5: {  	[dreg:$0x6] =	wrdreg $0x9  }
0xb6: {  	_ =	task.clear_ibuf [dreg:s10], $0x7FFFF;
	_ =	strace $0x90000046  }
0xb7: {  	s29 =	simm.s32 $0x9;
	_ =	strace $0x80000048  }
0xb8: {  	_ =	swait.ge [sflag:s29], $0x1  }
0xb9: {  	[sflag:s29] =	ssyncadd.s32 $0xFFFFFFFF  }
0xba: {  	_ =	strace $0x90000048  }
0xbb: {  	_ =	sfence  }
0xbc: {  	s30 =	sld [smem:$0x0];
	_ =	sdelay $0x2  }
0xbd: {  	s31 =	sshll.u32 s1, $0xD;
	s1 =	sshrl.u32 s1, $0x2  }
0xbe: {  	s3 =	sand.u32 $0x4000, s31;
	s1 =	sadd.s32 s1, s30  }
0xbf: {  	s0 =	sor.u32 s3, s0;
	s1 =	sshll.u32 s1, $0x11  }
0xc0: {  	s0 =	sor.u32 s1, s0  }
0xc1: {  	s0 =	sadd.s32 $0x8F2B, s0  }
0xc2: {  	[sflag:s0] =	ssyncadd.remote.s32 $0x1  }
0xc3: {  	_ =	sfence.sel $0xFFFF  }
0xc4: {  	[dreg:$0x0] =	wrdreg $0xFFFFFFFF;
	(pc) =	sbr.abs _section_cstart, $3  }
0xc5: {  	[dreg:$0x1] =	wrdreg $0xFFFFFFFF  }
0xc6: {  	_ =	task.clear_ibuf [dreg:s10], $0x2FFFF;
	_ =	strace $0x9FFFFFFF  }
0xc7: {  	(tm) =	ssettm $0x7FFFFFFF  }
tec
execute0_lowered:
.L_overlay_start_1:
0x0: {  	(tag) =	ssettag $0x1  }
0x1: {  	s0 =	rddreg [dreg:$0x0]  }
0x2: {  	s2 =	srdreg.scid;
	s3 =	stileid.u32  }
0x3: {  	s30 =	rddreg [dreg:$0x1];
	s2 =	sand.u32 $0x1, s2;
	s3 =	sshll.u32 s3, $0x1  }
0x4: {  	s29 =	rddreg [dreg:$0x3];
	s1 =	simm.s32 $0x0;
	s3 =	sor.u32 s2, s3  }
0x5: {  	[smem:$0x7FF] =	sst s1;
	s2 =	ssub.s32 $0x2, s2;
	s7 =	smul.u32 $0x64000, s3  }
0x6: {  	_ =	strace $0x80000047;
	s5 =	smul.u32 $0x6400, s3;
	s8 =	sshrl.u32 s2, $0x1  }
0x7: {  	s3 =	smul.u32 $0x320000, s3;
	s2 =	ssub.s32 s2, s8;
	s4 =	sadd.s32 s29, s7  }
0x8: {  	s23 =	sshrl.u32 s5, $0x3;
	s28 =	smax.u32 s2, $0x1;
	[dreg:$0x5] =	wrdreg s4  }
0x9: {  	s15 =	simm.s32 $0x80;
	s0 =	sadd.s32 s0, s23;
	[dreg:$0xa] =	wrdreg s28  }
0xa: {  	s3 =	sshrl.u32 s3, $0x3;
	s24 =	sadd.s32 $0x800, s4;
	[dreg:$0x6] =	wrdreg s0  }
0xb: {  	s25 =	sadd.s32 s29, s3;
	s26 =	sadd.s32 $0x1000, s4;
	[dreg:$0x7] =	wrdreg s24  }
0xc: {  	s31 =	simm.s32 $0xC800;
	[dreg:$0x8] =	wrdreg s26;
	s0 =	sadd.s32 $0x63800, s25  }
0xd: {  	s6 =	simm.s32 $0x10800;
	s3 =	simm.s32 $0x0;
	[dreg:$0x9] =	wrdreg s0  }
.LBB2_1:
0xe: {  	[dreg:$0xb] =	wrdreg s3  }
0xf: {  	s0 =	rddreg [dreg:$0x6];
	s2 =	simm.s32 $0x9  }
0x10: {  	[tilespmem:s1], [sflag:$0x9] =	stream.linear.gather [hbm4b:s0+s1], $0x6400, $0x38;
	[tilespmem:$0x1C800] =	vst v63  }
0x11: {  	_ =	swait.ge [sflag:s2], $0x6400  }
0x12: {  	[sflag:s2] =	ssyncset.done $0x0  }
0x13: {  	[sflag:s2] =	ssyncadd.s32 $0xFFFF9C00  }
0x14: {  	s26 =	simm.s32 $0x6400;
	s25 =	rddreg [dreg:$0x2]  }
0x15: {  	[tilespmem:s26], [sflag:$0x9] =	stream.linear.gather [hbm4b:s25+s1], $0x6400, $0x38;
	[tilespmem:$0x1C800] =	vst v63  }
0x16: {  	_ =	swait.ge [sflag:s2], $0x6400  }
0x17: {  	[sflag:s2] =	ssyncset.done $0x0  }
0x18: {  	[sflag:s2] =	ssyncadd.s32 $0xFFFF9C00  }
0x19: {  	[tilespmem:s31], [sflag:$0x1] =	stream.indirect.gather [hbm4b:s30+s15], $0x80, s1, s15, $0xb8;
	[tilespmem:$0x1C800] =	vst v63  }
0x1a: {  	s28 =	simm.s32 $0x1  }
0x1b: {  	[tilespmem:s6], [sflag:$0x2] =	stream.indirect.gather [hbm4b:s30+s15], $0x80, s15, s15, $0xb8;
	[tilespmem:$0x1C800] =	vst v63  }
0x1c: {  	_ =	swait.ge [sflag:s28], $0x4000  }
0x1d: {  	[sflag:s28] =	ssyncset.done $0x0  }
0x1e: {  	s0 =	simm.s32 $0x0;
	[sflag:s28] =	ssyncadd.s32 $0xFFFFC000  }
0x1f: {  	v0 =	vld [tilespmem:s0+$0x65F0]  }
0x20: {  	v1 =	vld [tilespmem:s0+$0x6400]  }
0x21: {  	v2 =	vld [tilespmem:s0+$0x6410]  }
0x22: {  	v3 =	vld [tilespmem:s0+$0x6420]  }
0x23: {  	v4 =	vld [tilespmem:s0+$0x6430]  }
0x24: {  	v5 =	vld [tilespmem:s0+$0x6440]  }
0x25: {  	v6 =	vld [tilespmem:s0+$0x6450]  }
0x26: {  	v7 =	vld [tilespmem:s0+$0x6460]  }
0x27: {  	v8 =	vld [tilespmem:s0+$0x6470]  }
0x28: {  	v9 =	vld [tilespmem:s0+$0x6480]  }
0x29: {  	v10 =	vld [tilespmem:s0+$0x6490]  }
0x2a: {  	v11 =	vld [tilespmem:s0+$0x64A0]  }
0x2b: {  	v12 =	vld [tilespmem:s0+$0x64B0]  }
0x2c: {  	v13 =	vld [tilespmem:s0+$0x64C0]  }
0x2d: {  	v14 =	vld [tilespmem:s0+$0x64D0]  }
0x2e: {  	v15 =	vld [tilespmem:s0+$0x64E0]  }
0x2f: {  	v16 =	vld [tilespmem:s0+$0x64F0]  }
0x30: {  	v17 =	vld [tilespmem:s0+$0x6500]  }
0x31: {  	v18 =	vld [tilespmem:s0+$0x6510]  }
0x32: {  	v19 =	vld [tilespmem:s0+$0x6520]  }
0x33: {  	v20 =	vld [tilespmem:s0+$0x6530]  }
0x34: {  	v21 =	vld [tilespmem:s0+$0x6540]  }
0x35: {  	v22 =	vld [tilespmem:s0+$0x6550]  }
0x36: {  	v23 =	vld [tilespmem:s0+$0x6560]  }
0x37: {  	v24 =	vld [tilespmem:s0+$0x6570]  }
0x38: {  	v25 =	vld [tilespmem:s0+$0x6580]  }
0x39: {  	v26 =	vld [tilespmem:s0+$0x6590]  }
0x3a: {  	v27 =	vld [tilespmem:s0+$0x65A0]  }
0x3b: {  	v28 =	vld [tilespmem:s0+$0x65B0]  }
0x3c: {  	v29 =	vld [tilespmem:s0+$0x65C0]  }
0x3d: {  	v30 =	vld [tilespmem:s0+$0x65D0]  }
0x3e: {  	[tilespmem:s0+$0xC9F0] =	vst.add.f32.msk $0xffff, v0  }
0x3f: {  	v0 =	vld [tilespmem:s0+$0x65E0]  }
0x40: {  	[tilespmem:s0+$0xC800] =	vst.add.f32.msk $0xffff, v1  }
0x41: {  	[tilespmem:s0+$0xC810] =	vst.add.f32.msk $0xffff, v2  }
0x42: {  	[tilespmem:s0+$0xC820] =	vst.add.f32.msk $0xffff, v3  }
0x43: {  	[tilespmem:s0+$0xC830] =	vst.add.f32.msk $0xffff, v4  }
0x44: {  	[tilespmem:s0+$0xC840] =	vst.add.f32.msk $0xffff, v5  }
0x45: {  	[tilespmem:s0+$0xC850] =	vst.add.f32.msk $0xffff, v6  }
0x46: {  	[tilespmem:s0+$0xC860] =	vst.add.f32.msk $0xffff, v7  }
0x47: {  	[tilespmem:s0+$0xC870] =	vst.add.f32.msk $0xffff, v8  }
0x48: {  	[tilespmem:s0+$0xC880] =	vst.add.f32.msk $0xffff, v9  }
0x49: {  	[tilespmem:s0+$0xC890] =	vst.add.f32.msk $0xffff, v10  }
0x4a: {  	[tilespmem:s0+$0xC8A0] =	vst.add.f32.msk $0xffff, v11  }
0x4b: {  	[tilespmem:s0+$0xC8B0] =	vst.add.f32.msk $0xffff, v12  }
0x4c: {  	[tilespmem:s0+$0xC8C0] =	vst.add.f32.msk $0xffff, v13  }
0x4d: {  	[tilespmem:s0+$0xC8D0] =	vst.add.f32.msk $0xffff, v14  }
0x4e: {  	[tilespmem:s0+$0xC8E0] =	vst.add.f32.msk $0xffff, v15  }
0x4f: {  	[tilespmem:s0+$0xC8F0] =	vst.add.f32.msk $0xffff, v16  }
0x50: {  	[tilespmem:s0+$0xC900] =	vst.add.f32.msk $0xffff, v17  }
0x51: {  	[tilespmem:s0+$0xC910] =	vst.add.f32.msk $0xffff, v18  }
0x52: {  	[tilespmem:s0+$0xC920] =	vst.add.f32.msk $0xffff, v19  }
0x53: {  	[tilespmem:s0+$0xC930] =	vst.add.f32.msk $0xffff, v20  }
0x54: {  	[tilespmem:s0+$0xC940] =	vst.add.f32.msk $0xffff, v21  }
0x55: {  	[tilespmem:s0+$0xC950] =	vst.add.f32.msk $0xffff, v22  }
0x56: {  	[tilespmem:s0+$0xC960] =	vst.add.f32.msk $0xffff, v23  }
0x57: {  	[tilespmem:s0+$0xC970] =	vst.add.f32.msk $0xffff, v24  }
0x58: {  	[tilespmem:s0+$0xC980] =	vst.add.f32.msk $0xffff, v25  }
0x59: {  	[tilespmem:s0+$0xC990] =	vst.add.f32.msk $0xffff, v26  }
0x5a: {  	[tilespmem:s0+$0xC9A0] =	vst.add.f32.msk $0xffff, v27  }
0x5b: {  	[tilespmem:s0+$0xC9B0] =	vst.add.f32.msk $0xffff, v28  }
0x5c: {  	[tilespmem:s0+$0xC9C0] =	vst.add.f32.msk $0xffff, v29  }
0x5d: {  	s3 =	simm.s32 $0x800;
	s2 =	simm.s32 $0x0;
	[tilespmem:s0+$0xC9D0] =	vst.add.f32.msk $0xffff, v30  }
.LBB2_2:
0x5e: {  	s2 =	sadd.s32 $0x4, s2;
	[tilespmem:s0+$0xC9E0] =	vst.add.f32.msk $0xffff, v0;
	s0 =	sshra.s32 s3, $0x2  }
0x5f: {  	v0 =	vld [tilespmem:s0+$0x65F0];
	p0 =	slt.u32 s2, $0x7C  }
0x60: {  	v1 =	vld [tilespmem:s0+$0x6400]  }
0x61: {  	v2 =	vld [tilespmem:s0+$0x6410]  }
0x62: {  	v3 =	vld [tilespmem:s0+$0x6420]  }
0x63: {  	v4 =	vld [tilespmem:s0+$0x6430]  }
0x64: {  	[tilespmem:s0+$0xC9F0] =	vst.add.f32.msk $0xffff, v0  }
0x65: {  	v5 =	vld [tilespmem:s0+$0x6440]  }
0x66: {  	v6 =	vld [tilespmem:s0+$0x6450]  }
0x67: {  	v7 =	vld [tilespmem:s0+$0x6460]  }
0x68: {  	v8 =	vld [tilespmem:s0+$0x6470]  }
0x69: {  	v9 =	vld [tilespmem:s0+$0x6480]  }
0x6a: {  	v10 =	vld [tilespmem:s0+$0x6490]  }
0x6b: {  	v11 =	vld [tilespmem:s0+$0x64A0]  }
0x6c: {  	v12 =	vld [tilespmem:s0+$0x64B0]  }
0x6d: {  	v13 =	vld [tilespmem:s0+$0x64C0]  }
0x6e: {  	v14 =	vld [tilespmem:s0+$0x64D0]  }
0x6f: {  	v15 =	vld [tilespmem:s0+$0x64E0]  }
0x70: {  	v16 =	vld [tilespmem:s0+$0x64F0]  }
0x71: {  	v17 =	vld [tilespmem:s0+$0x6500]  }
0x72: {  	v18 =	vld [tilespmem:s0+$0x6510]  }
0x73: {  	v19 =	vld [tilespmem:s0+$0x6520]  }
0x74: {  	v20 =	vld [tilespmem:s0+$0x6530]  }
0x75: {  	v21 =	vld [tilespmem:s0+$0x6540]  }
0x76: {  	v22 =	vld [tilespmem:s0+$0x6550]  }
0x77: {  	v23 =	vld [tilespmem:s0+$0x6560]  }
0x78: {  	v24 =	vld [tilespmem:s0+$0x6570]  }
0x79: {  	v25 =	vld [tilespmem:s0+$0x6580]  }
0x7a: {  	v26 =	vld [tilespmem:s0+$0x6590]  }
0x7b: {  	v27 =	vld [tilespmem:s0+$0x65A0]  }
0x7c: {  	v28 =	vld [tilespmem:s0+$0x65B0]  }
0x7d: {  	v29 =	vld [tilespmem:s0+$0x65C0]  }
0x7e: {  	v30 =	vld [tilespmem:s0+$0x65D0]  }
0x7f: {  	v0 =	vld [tilespmem:s0+$0x65E0]  }
0x80: {  	[tilespmem:s0+$0xC800] =	vst.add.f32.msk $0xffff, v1  }
0x81: {  	[tilespmem:s0+$0xC810] =	vst.add.f32.msk $0xffff, v2  }
0x82: {  	[tilespmem:s0+$0xC820] =	vst.add.f32.msk $0xffff, v3  }
0x83: {  	[tilespmem:s0+$0xC830] =	vst.add.f32.msk $0xffff, v4  }
0x84: {  	[tilespmem:s0+$0xC840] =	vst.add.f32.msk $0xffff, v5  }
0x85: {  	[tilespmem:s0+$0xC850] =	vst.add.f32.msk $0xffff, v6  }
0x86: {  	[tilespmem:s0+$0xC860] =	vst.add.f32.msk $0xffff, v7  }
0x87: {  	[tilespmem:s0+$0xC870] =	vst.add.f32.msk $0xffff, v8  }
0x88: {  	[tilespmem:s0+$0xC880] =	vst.add.f32.msk $0xffff, v9  }
0x89: {  	[tilespmem:s0+$0xC890] =	vst.add.f32.msk $0xffff, v10  }
0x8a: {  	[tilespmem:s0+$0xC8A0] =	vst.add.f32.msk $0xffff, v11  }
0x8b: {  	[tilespmem:s0+$0xC8B0] =	vst.add.f32.msk $0xffff, v12  }
0x8c: {  	[tilespmem:s0+$0xC8C0] =	vst.add.f32.msk $0xffff, v13  }
0x8d: {  	[tilespmem:s0+$0xC8D0] =	vst.add.f32.msk $0xffff, v14  }
0x8e: {  	[tilespmem:s0+$0xC8E0] =	vst.add.f32.msk $0xffff, v15  }
0x8f: {  	[tilespmem:s0+$0xC8F0] =	vst.add.f32.msk $0xffff, v16  }
0x90: {  	[tilespmem:s0+$0xC900] =	vst.add.f32.msk $0xffff, v17  }
0x91: {  	[tilespmem:s0+$0xC910] =	vst.add.f32.msk $0xffff, v18  }
0x92: {  	[tilespmem:s0+$0xC920] =	vst.add.f32.msk $0xffff, v19  }
0x93: {  	[tilespmem:s0+$0xC930] =	vst.add.f32.msk $0xffff, v20  }
0x94: {  	[tilespmem:s0+$0xC940] =	vst.add.f32.msk $0xffff, v21  }
0x95: {  	[tilespmem:s0+$0xC950] =	vst.add.f32.msk $0xffff, v22  }
0x96: {  	[tilespmem:s0+$0xC960] =	vst.add.f32.msk $0xffff, v23  }
0x97: {  	[tilespmem:s0+$0xC970] =	vst.add.f32.msk $0xffff, v24  }
0x98: {  	[tilespmem:s0+$0xC980] =	vst.add.f32.msk $0xffff, v25  }
.Ltmp0:
0x99: {  	[tilespmem:s0+$0xC990] =	vst.add.f32.msk $0xffff, v26;
	(pc) =	sbr.rel @p0 .LBB2_2-.Ltmp0, $4  }
0x9a: {  	[tilespmem:s0+$0xC9A0] =	vst.add.f32.msk $0xffff, v27  }
0x9b: {  	[tilespmem:s0+$0xC9B0] =	vst.add.f32.msk $0xffff, v28  }
0x9c: {  	[tilespmem:s0+$0xC9C0] =	vst.add.f32.msk $0xffff, v29  }
0x9d: {  	s3 =	sadd.s32 $0x800, s3;
	[tilespmem:s0+$0xC9D0] =	vst.add.f32.msk $0xffff, v30  }
0x9e: {  	[tilespmem:s0+$0xC9E0] =	vst.add.f32.msk $0xffff, v0;
	s24 =	simm.s32 $0x100  }
0x9f: {  	s25 =	simm.s32 $0x14800;
	s2 =	simm.s32 $0x7FFFB8;
	s0 =	rddreg [dreg:$0x5]  }
0xa0: {  	[hbm4b:s0+s1] =	stream.linear.scatter [tilespmem:s31], [sflag:$0x5], $0x4000, $0x38;
	[tilespmem:$0x1C800] =	vst v63  }
0xa1: {  	p0 =	por $0x1, $0x1;
	s3 =	simm.s32 $0x7FFFBB;
	s0 =	simm.s32 $0x80  }
0xa2: {  	s2 =	smov.u32 @p0 s0;
	s0 =	simm.s32 $0x83;
	p0 =	por $0x1, $0x1  }
0xa3: {  	[tilespmem:s25], [sflag:$0x3] =	stream.indirect.gather [hbm4b:s30+s15], $0x80, s24, s15, $0xb8;
	[tilespmem:$0x1C800] =	vst v63  }
0xa4: {  	s26 =	simm.s32 $0x2;
	s7 =	simm.s32 $0x81;
	s3 =	smov.u32 @p0 s0  }
0xa5: {  	s0 =	simm.s32 $0x7FFFB9;
	p0 =	por $0x1, $0x1;
	_ =	swait.ge [sflag:s26], $0x4000  }
0xa6: {  	s2 =	sshll.u32 s2, $0x9;
	s3 =	sshll.u32 s3, $0x9;
	[sflag:s26] =	ssyncset.done $0x0  }
0xa7: {  	s0 =	smov.u32 @p0 s7;
	s8 =	sshra.s32 s3, $0x2;
	[sflag:s26] =	ssyncadd.s32 $0xFFFFC000  }
0xa8: {  	s7 =	simm.s32 $0x7FFFBA;
	p0 =	por $0x1, $0x1;
	s3 =	simm.s32 $0x82;
	v0 =	vld [tilespmem:s8+$0x6400]  }
0xa9: {  	s2 =	sshra.s32 s2, $0x2;
	s0 =	sshll.u32 s0, $0x9;
	s7 =	smov.u32 @p0 s3  }
0xaa: {  	s3 =	sshra.s32 s0, $0x2;
	v1 =	vld [tilespmem:s2+$0x6400];
	s28 =	sshll.u32 s7, $0x9  }
0xab: {  	v2 =	vld [tilespmem:s3+$0x6400];
	s7 =	sshra.s32 s28, $0x2  }
0xac: {  	s0 =	simm.s32 $0x10800;
	v3 =	vld [tilespmem:s7+$0x6400]  }
0xad: {  	[tilespmem:s0+$0x180] =	vst.add.f32.msk $0xffff, v0  }
0xae: {  	v0 =	vld [tilespmem:s8+$0x6410]  }
0xaf: {  	[tilespmem:s0+$0x0] =	vst.add.f32.msk $0xffff, v1  }
0xb0: {  	[tilespmem:s0+$0x80] =	vst.add.f32.msk $0xffff, v2  }
0xb1: {  	v1 =	vld [tilespmem:s2+$0x6410]  }
0xb2: {  	v2 =	vld [tilespmem:s3+$0x6410]  }
0xb3: {  	[tilespmem:s0+$0x190] =	vst.add.f32.msk $0xffff, v0  }
0xb4: {  	v0 =	vld [tilespmem:s8+$0x6420]  }
0xb5: {  	[tilespmem:s0+$0x100] =	vst.add.f32.msk $0xffff, v3  }
0xb6: {  	v3 =	vld [tilespmem:s7+$0x6410]  }
0xb7: {  	[tilespmem:s0+$0x10] =	vst.add.f32.msk $0xffff, v1  }
0xb8: {  	[tilespmem:s0+$0x90] =	vst.add.f32.msk $0xffff, v2  }
0xb9: {  	[tilespmem:s0+$0x1A0] =	vst.add.f32.msk $0xffff, v0  }
0xba: {  	v0 =	vld [tilespmem:s8+$0x6430]  }
0xbb: {  	v1 =	vld [tilespmem:s2+$0x6420]  }
0xbc: {  	v2 =	vld [tilespmem:s3+$0x6420]  }
0xbd: {  	[tilespmem:s0+$0x110] =	vst.add.f32.msk $0xffff, v3  }
0xbe: {  	v3 =	vld [tilespmem:s7+$0x6420]  }
0xbf: {  	[tilespmem:s0+$0x1B0] =	vst.add.f32.msk $0xffff, v0  }
0xc0: {  	v0 =	vld [tilespmem:s8+$0x6440]  }
0xc1: {  	[tilespmem:s0+$0x20] =	vst.add.f32.msk $0xffff, v1  }
0xc2: {  	[tilespmem:s0+$0xA0] =	vst.add.f32.msk $0xffff, v2  }
0xc3: {  	v1 =	vld [tilespmem:s2+$0x6430]  }
0xc4: {  	v2 =	vld [tilespmem:s3+$0x6430]  }
0xc5: {  	[tilespmem:s0+$0x1C0] =	vst.add.f32.msk $0xffff, v0  }
0xc6: {  	v0 =	vld [tilespmem:s8+$0x6450]  }
0xc7: {  	[tilespmem:s0+$0x120] =	vst.add.f32.msk $0xffff, v3  }
0xc8: {  	v3 =	vld [tilespmem:s7+$0x6430]  }
0xc9: {  	[tilespmem:s0+$0x30] =	vst.add.f32.msk $0xffff, v1  }
0xca: {  	[tilespmem:s0+$0xB0] =	vst.add.f32.msk $0xffff, v2  }
0xcb: {  	[tilespmem:s0+$0x1D0] =	vst.add.f32.msk $0xffff, v0  }
0xcc: {  	v0 =	vld [tilespmem:s8+$0x6460]  }
0xcd: {  	v4 =	vld [tilespmem:s2+$0x6440]  }
0xce: {  	v2 =	vld [tilespmem:s3+$0x6440]  }
0xcf: {  	[tilespmem:s0+$0x130] =	vst.add.f32.msk $0xffff, v3  }
0xd0: {  	v1 =	vld [tilespmem:s7+$0x6440]  }
0xd1: {  	[tilespmem:s0+$0x1E0] =	vst.add.f32.msk $0xffff, v0  }
0xd2: {  	v0 =	vld [tilespmem:s8+$0x6470]  }
0xd3: {  	[tilespmem:s0+$0x40] =	vst.add.f32.msk $0xffff, v4  }
0xd4: {  	[tilespmem:s0+$0xC0] =	vst.add.f32.msk $0xffff, v2;
	s8 =	simm.s32 $0x0  }
.LBB2_4:
0xd5: {  	s9 =	sadd.s32 $0x84, s8;
	[tilespmem:s0+$0x140] =	vst.add.f32.msk $0xffff, v1;
	s10 =	smov.u32 s8  }
0xd6: {  	s11 =	sadd.s32 $0x7FFFBC, s8;
	p0 =	slt.u32 s9, $0xC8;
	v1 =	vld [tilespmem:s2+$0x6450]  }
0xd7: {  	s11 =	smov.u32 @p0 s9;
	[tilespmem:s0+$0x1F0] =	vst.add.f32.msk $0xffff, v0  }
0xd8: {  	s9 =	sshll.u32 s11, $0x9;
	v0 =	vld [tilespmem:s3+$0x6450]  }
0xd9: {  	s9 =	sshra.s32 s9, $0x2;
	v2 =	vld [tilespmem:s7+$0x6450]  }
0xda: {  	v3 =	vld [tilespmem:s9+$0x6400]  }
0xdb: {  	[tilespmem:s0+$0x50] =	vst.add.f32.msk $0xffff, v1  }
0xdc: {  	v1 =	vld [tilespmem:s2+$0x6460]  }
0xdd: {  	[tilespmem:s0+$0xD0] =	vst.add.f32.msk $0xffff, v0  }
0xde: {  	s11 =	sadd.s32 $0x85, s8;
	[tilespmem:s0+$0x150] =	vst.add.f32.msk $0xffff, v2  }
0xdf: {  	s12 =	sadd.s32 $0x7FFFBD, s8;
	p0 =	slt.u32 s11, $0xC8;
	v0 =	vld [tilespmem:s3+$0x6460]  }
0xe0: {  	s12 =	smov.u32 @p0 s11;
	v2 =	vld [tilespmem:s7+$0x6460]  }
0xe1: {  	s11 =	sshll.u32 s12, $0x9;
	[tilespmem:s0+$0x60] =	vst.add.f32.msk $0xffff, v1  }
0xe2: {  	s11 =	sshra.s32 s11, $0x2;
	v1 =	vld [tilespmem:s2+$0x6470];
	s2 =	smov.u32 s9  }
0xe3: {  	s8 =	sadd.s32 $0x4, s8;
	s9 =	sadd.s32 $0x87, s10;
	v4 =	vld [tilespmem:s11+$0x6400]  }
0xe4: {  	p0 =	slt.u32 s8, $0x7C;
	s12 =	sadd.s32 $0x7FFFBF, s10;
	p1 =	slt.u32 s9, $0xC8;
	[tilespmem:s0+$0xE0] =	vst.add.f32.msk $0xffff, v0  }
0xe5: {  	s13 =	sadd.s32 $0x86, s10;
	s12 =	smov.u32 @p1 s9;
	[tilespmem:s0+$0x160] =	vst.add.f32.msk $0xffff, v2  }
0xe6: {  	s10 =	sadd.s32 $0x7FFFBE, s10;
	p1 =	slt.u32 s13, $0xC8;
	s9 =	sshll.u32 s12, $0x9;
	v0 =	vld [tilespmem:s3+$0x6470]  }
0xe7: {  	s10 =	smov.u32 @p1 s13;
	s9 =	sshra.s32 s9, $0x2;
	s3 =	smov.u32 s11;
	v2 =	vld [tilespmem:s7+$0x6470]  }
0xe8: {  	s7 =	sshll.u32 s10, $0x9;
	v5 =	vld [tilespmem:s9+$0x6400]  }
0xe9: {  	s7 =	sshra.s32 s7, $0x2;
	[tilespmem:s0+$0x70] =	vst.add.f32.msk $0xffff, v1  }
0xea: {  	v1 =	vld [tilespmem:s7+$0x6400]  }
0xeb: {  	[tilespmem:s0+$0xF0] =	vst.add.f32.msk $0xffff, v0  }
0xec: {  	[tilespmem:s0+$0x170] =	vst.add.f32.msk $0xffff, v2;
	s0 =	sadd.s32 $0x200, s0  }
0xed: {  	[tilespmem:s0+$0x180] =	vst.add.f32.msk $0xffff, v5  }
0xee: {  	v0 =	vld [tilespmem:s9+$0x6410]  }
0xef: {  	[tilespmem:s0+$0x0] =	vst.add.f32.msk $0xffff, v3  }
0xf0: {  	[tilespmem:s0+$0x80] =	vst.add.f32.msk $0xffff, v4  }
0xf1: {  	[tilespmem:s0+$0x100] =	vst.add.f32.msk $0xffff, v1  }
0xf2: {  	v1 =	vld [tilespmem:s2+$0x6410]  }
0xf3: {  	[tilespmem:s0+$0x190] =	vst.add.f32.msk $0xffff, v0  }
0xf4: {  	v0 =	vld [tilespmem:s9+$0x6420]  }
0xf5: {  	v2 =	vld [tilespmem:s3+$0x6410]  }
0xf6: {  	v3 =	vld [tilespmem:s7+$0x6410]  }
0xf7: {  	[tilespmem:s0+$0x10] =	vst.add.f32.msk $0xffff, v1  }
0xf8: {  	v1 =	vld [tilespmem:s2+$0x6420]  }
0xf9: {  	[tilespmem:s0+$0x1A0] =	vst.add.f32.msk $0xffff, v0  }
0xfa: {  	v0 =	vld [tilespmem:s9+$0x6430]  }
0xfb: {  	[tilespmem:s0+$0x90] =	vst.add.f32.msk $0xffff, v2  }
0xfc: {  	[tilespmem:s0+$0x110] =	vst.add.f32.msk $0xffff, v3  }
0xfd: {  	v2 =	vld [tilespmem:s3+$0x6420]  }
0xfe: {  	v3 =	vld [tilespmem:s7+$0x6420]  }
0xff: {  	[tilespmem:s0+$0x1B0] =	vst.add.f32.msk $0xffff, v0  }
0x100: {  	v0 =	vld [tilespmem:s9+$0x6440]  }
0x101: {  	[tilespmem:s0+$0x20] =	vst.add.f32.msk $0xffff, v1  }
0x102: {  	[tilespmem:s0+$0xA0] =	vst.add.f32.msk $0xffff, v2  }
0x103: {  	[tilespmem:s0+$0x120] =	vst.add.f32.msk $0xffff, v3  }
0x104: {  	v1 =	vld [tilespmem:s2+$0x6430]  }
0x105: {  	[tilespmem:s0+$0x1C0] =	vst.add.f32.msk $0xffff, v0  }
0x106: {  	v0 =	vld [tilespmem:s9+$0x6450]  }
0x107: {  	v2 =	vld [tilespmem:s3+$0x6430]  }
0x108: {  	v3 =	vld [tilespmem:s7+$0x6430]  }
0x109: {  	[tilespmem:s0+$0x30] =	vst.add.f32.msk $0xffff, v1  }
0x10a: {  	v4 =	vld [tilespmem:s2+$0x6440]  }
0x10b: {  	[tilespmem:s0+$0x1D0] =	vst.add.f32.msk $0xffff, v0  }
0x10c: {  	v0 =	vld [tilespmem:s9+$0x6460]  }
0x10d: {  	[tilespmem:s0+$0xB0] =	vst.add.f32.msk $0xffff, v2  }
0x10e: {  	[tilespmem:s0+$0x130] =	vst.add.f32.msk $0xffff, v3  }
0x10f: {  	v2 =	vld [tilespmem:s3+$0x6440]  }
.Ltmp1:
0x110: {  	v1 =	vld [tilespmem:s7+$0x6440];
	(pc) =	sbr.rel @p0 .LBB2_4-.Ltmp1, $4  }
0x111: {  	[tilespmem:s0+$0x1E0] =	vst.add.f32.msk $0xffff, v0  }
0x112: {  	v0 =	vld [tilespmem:s9+$0x6470]  }
0x113: {  	[tilespmem:s0+$0x40] =	vst.add.f32.msk $0xffff, v4  }
0x114: {  	[tilespmem:s0+$0xC0] =	vst.add.f32.msk $0xffff, v2  }
0x115: {  	v2 =	vld [tilespmem:s2+$0x6450]  }
0x116: {  	[tilespmem:s0+$0x140] =	vst.add.f32.msk $0xffff, v1  }
0x117: {  	v1 =	vld [tilespmem:s3+$0x6450];
	_ =	sdelay $0x2  }
0x118: {  	v3 =	vld [tilespmem:s7+$0x6450]  }
0x119: {  	[tilespmem:s0+$0x50] =	vst.add.f32.msk $0xffff, v2  }
0x11a: {  	[tilespmem:s0+$0xD0] =	vst.add.f32.msk $0xffff, v1  }
0x11b: {  	v2 =	vld [tilespmem:s2+$0x6460]  }
0x11c: {  	v1 =	vld [tilespmem:s3+$0x6460]  }
0x11d: {  	[tilespmem:s0+$0x150] =	vst.add.f32.msk $0xffff, v3  }
0x11e: {  	v3 =	vld [tilespmem:s7+$0x6460];
	_ =	sdelay $0x1  }
0x11f: {  	[tilespmem:s0+$0x60] =	vst.add.f32.msk $0xffff, v2  }
0x120: {  	[tilespmem:s0+$0xE0] =	vst.add.f32.msk $0xffff, v1  }
0x121: {  	v2 =	vld [tilespmem:s2+$0x6470]  }
0x122: {  	[tilespmem:s0+$0x160] =	vst.add.f32.msk $0xffff, v3  }
0x123: {  	v1 =	vld [tilespmem:s3+$0x6470]  }
0x124: {  	v3 =	vld [tilespmem:s7+$0x6470];
	_ =	sdelay $0x1  }
0x125: {  	[tilespmem:s0+$0x1F0] =	vst.add.f32.msk $0xffff, v0  }
0x126: {  	[tilespmem:s0+$0x70] =	vst.add.f32.msk $0xffff, v2  }
0x127: {  	[tilespmem:s0+$0xF0] =	vst.add.f32.msk $0xffff, v1  }
0x128: {  	[tilespmem:s0+$0x170] =	vst.add.f32.msk $0xffff, v3  }
0x129: {  	s24 =	simm.s32 $0x0;
	s1 =	rddreg [dreg:$0x7]  }
0x12a: {  	[hbm4b:s1+s24] =	stream.linear.scatter [tilespmem:s6], [sflag:$0x6], $0x4000, $0x38;
	[tilespmem:$0x1C800] =	vst v63  }
0x12b: {  	s25 =	simm.s32 $0x180;
	s26 =	simm.s32 $0x18800;
	s28 =	simm.s32 $0x3  }
0x12c: {  	[tilespmem:s26], [sflag:$0x4] =	stream.indirect.gather [hbm4b:s30+s15], $0x80, s25, s15, $0xb8;
	[tilespmem:$0x1C800] =	vst v63  }
0x12d: {  	_ =	swait.ge [sflag:s28], $0x4000  }
0x12e: {  	[sflag:s28] =	ssyncset.done $0x0  }
0x12f: {  	s0 =	simm.s32 $0x0;
	[sflag:s28] =	ssyncadd.s32 $0xFFFFC000  }
0x130: {  	v0 =	vld [tilespmem:s0+$0x81F0]  }
0x131: {  	v1 =	vld [tilespmem:s0+$0x8000]  }
0x132: {  	v2 =	vld [tilespmem:s0+$0x8010]  }
0x133: {  	v3 =	vld [tilespmem:s0+$0x8020]  }
0x134: {  	v4 =	vld [tilespmem:s0+$0x8030]  }
0x135: {  	v5 =	vld [tilespmem:s0+$0x8040]  }
0x136: {  	v6 =	vld [tilespmem:s0+$0x8050]  }
0x137: {  	v7 =	vld [tilespmem:s0+$0x8060]  }
0x138: {  	v8 =	vld [tilespmem:s0+$0x8070]  }
0x139: {  	v9 =	vld [tilespmem:s0+$0x8080]  }
0x13a: {  	v10 =	vld [tilespmem:s0+$0x8090]  }
0x13b: {  	v11 =	vld [tilespmem:s0+$0x80A0]  }
0x13c: {  	v12 =	vld [tilespmem:s0+$0x80B0]  }
0x13d: {  	v13 =	vld [tilespmem:s0+$0x80C0]  }
0x13e: {  	v14 =	vld [tilespmem:s0+$0x80D0]  }
0x13f: {  	v15 =	vld [tilespmem:s0+$0x80E0]  }
0x140: {  	v16 =	vld [tilespmem:s0+$0x80F0]  }
0x141: {  	v17 =	vld [tilespmem:s0+$0x8100]  }
0x142: {  	v18 =	vld [tilespmem:s0+$0x8110]  }
0x143: {  	v19 =	vld [tilespmem:s0+$0x8120]  }
0x144: {  	v20 =	vld [tilespmem:s0+$0x8130]  }
0x145: {  	v21 =	vld [tilespmem:s0+$0x8140]  }
0x146: {  	v22 =	vld [tilespmem:s0+$0x8150]  }
0x147: {  	v23 =	vld [tilespmem:s0+$0x8160]  }
0x148: {  	v24 =	vld [tilespmem:s0+$0x8170]  }
0x149: {  	v25 =	vld [tilespmem:s0+$0x8180]  }
0x14a: {  	v26 =	vld [tilespmem:s0+$0x8190]  }
0x14b: {  	v27 =	vld [tilespmem:s0+$0x81A0]  }
0x14c: {  	v28 =	vld [tilespmem:s0+$0x81B0]  }
0x14d: {  	v29 =	vld [tilespmem:s0+$0x81C0]  }
0x14e: {  	v30 =	vld [tilespmem:s0+$0x81D0]  }
0x14f: {  	[tilespmem:s0+$0x149F0] =	vst.add.f32.msk $0xffff, v0  }
0x150: {  	v0 =	vld [tilespmem:s0+$0x81E0]  }
0x151: {  	[tilespmem:s0+$0x14800] =	vst.add.f32.msk $0xffff, v1  }
0x152: {  	[tilespmem:s0+$0x14810] =	vst.add.f32.msk $0xffff, v2  }
0x153: {  	[tilespmem:s0+$0x14820] =	vst.add.f32.msk $0xffff, v3  }
0x154: {  	[tilespmem:s0+$0x14830] =	vst.add.f32.msk $0xffff, v4  }
0x155: {  	[tilespmem:s0+$0x14840] =	vst.add.f32.msk $0xffff, v5  }
0x156: {  	[tilespmem:s0+$0x14850] =	vst.add.f32.msk $0xffff, v6  }
0x157: {  	[tilespmem:s0+$0x14860] =	vst.add.f32.msk $0xffff, v7  }
0x158: {  	[tilespmem:s0+$0x14870] =	vst.add.f32.msk $0xffff, v8  }
0x159: {  	[tilespmem:s0+$0x14880] =	vst.add.f32.msk $0xffff, v9  }
0x15a: {  	[tilespmem:s0+$0x14890] =	vst.add.f32.msk $0xffff, v10  }
0x15b: {  	[tilespmem:s0+$0x148A0] =	vst.add.f32.msk $0xffff, v11  }
0x15c: {  	[tilespmem:s0+$0x148B0] =	vst.add.f32.msk $0xffff, v12  }
0x15d: {  	[tilespmem:s0+$0x148C0] =	vst.add.f32.msk $0xffff, v13  }
0x15e: {  	[tilespmem:s0+$0x148D0] =	vst.add.f32.msk $0xffff, v14  }
0x15f: {  	[tilespmem:s0+$0x148E0] =	vst.add.f32.msk $0xffff, v15  }
0x160: {  	[tilespmem:s0+$0x148F0] =	vst.add.f32.msk $0xffff, v16  }
0x161: {  	[tilespmem:s0+$0x14900] =	vst.add.f32.msk $0xffff, v17  }
0x162: {  	[tilespmem:s0+$0x14910] =	vst.add.f32.msk $0xffff, v18  }
0x163: {  	[tilespmem:s0+$0x14920] =	vst.add.f32.msk $0xffff, v19  }
0x164: {  	[tilespmem:s0+$0x14930] =	vst.add.f32.msk $0xffff, v20  }
0x165: {  	[tilespmem:s0+$0x14940] =	vst.add.f32.msk $0xffff, v21  }
0x166: {  	[tilespmem:s0+$0x14950] =	vst.add.f32.msk $0xffff, v22  }
0x167: {  	[tilespmem:s0+$0x14960] =	vst.add.f32.msk $0xffff, v23  }
0x168: {  	[tilespmem:s0+$0x14970] =	vst.add.f32.msk $0xffff, v24  }
0x169: {  	[tilespmem:s0+$0x14980] =	vst.add.f32.msk $0xffff, v25  }
0x16a: {  	[tilespmem:s0+$0x14990] =	vst.add.f32.msk $0xffff, v26  }
0x16b: {  	[tilespmem:s0+$0x149A0] =	vst.add.f32.msk $0xffff, v27  }
0x16c: {  	[tilespmem:s0+$0x149B0] =	vst.add.f32.msk $0xffff, v28  }
0x16d: {  	[tilespmem:s0+$0x149C0] =	vst.add.f32.msk $0xffff, v29  }
0x16e: {  	s2 =	simm.s32 $0x0;
	s3 =	simm.s32 $0x800;
	[tilespmem:s0+$0x149D0] =	vst.add.f32.msk $0xffff, v30  }
.LBB2_6:
0x16f: {  	s2 =	sadd.s32 $0x4, s2;
	[tilespmem:s0+$0x149E0] =	vst.add.f32.msk $0xffff, v0;
	s0 =	sshra.s32 s3, $0x2  }
0x170: {  	v0 =	vld [tilespmem:s0+$0x81F0];
	p0 =	slt.u32 s2, $0x7C  }
0x171: {  	v1 =	vld [tilespmem:s0+$0x8000]  }
0x172: {  	v2 =	vld [tilespmem:s0+$0x8010]  }
0x173: {  	v3 =	vld [tilespmem:s0+$0x8020]  }
0x174: {  	v4 =	vld [tilespmem:s0+$0x8030]  }
0x175: {  	[tilespmem:s0+$0x149F0] =	vst.add.f32.msk $0xffff, v0  }
0x176: {  	v5 =	vld [tilespmem:s0+$0x8040]  }
0x177: {  	v6 =	vld [tilespmem:s0+$0x8050]  }
0x178: {  	v7 =	vld [tilespmem:s0+$0x8060]  }
0x179: {  	v8 =	vld [tilespmem:s0+$0x8070]  }
0x17a: {  	v9 =	vld [tilespmem:s0+$0x8080]  }
0x17b: {  	v10 =	vld [tilespmem:s0+$0x8090]  }
0x17c: {  	v11 =	vld [tilespmem:s0+$0x80A0]  }
0x17d: {  	v12 =	vld [tilespmem:s0+$0x80B0]  }
0x17e: {  	v13 =	vld [tilespmem:s0+$0x80C0]  }
0x17f: {  	v14 =	vld [tilespmem:s0+$0x80D0]  }
0x180: {  	v15 =	vld [tilespmem:s0+$0x80E0]  }
0x181: {  	v16 =	vld [tilespmem:s0+$0x80F0]  }
0x182: {  	v17 =	vld [tilespmem:s0+$0x8100]  }
0x183: {  	v18 =	vld [tilespmem:s0+$0x8110]  }
0x184: {  	v19 =	vld [tilespmem:s0+$0x8120]  }
0x185: {  	v20 =	vld [tilespmem:s0+$0x8130]  }
0x186: {  	v21 =	vld [tilespmem:s0+$0x8140]  }
0x187: {  	v22 =	vld [tilespmem:s0+$0x8150]  }
0x188: {  	v23 =	vld [tilespmem:s0+$0x8160]  }
0x189: {  	v24 =	vld [tilespmem:s0+$0x8170]  }
0x18a: {  	v25 =	vld [tilespmem:s0+$0x8180]  }
0x18b: {  	v26 =	vld [tilespmem:s0+$0x8190]  }
0x18c: {  	v27 =	vld [tilespmem:s0+$0x81A0]  }
0x18d: {  	v28 =	vld [tilespmem:s0+$0x81B0]  }
0x18e: {  	v29 =	vld [tilespmem:s0+$0x81C0]  }
0x18f: {  	v30 =	vld [tilespmem:s0+$0x81D0]  }
0x190: {  	v0 =	vld [tilespmem:s0+$0x81E0]  }
0x191: {  	[tilespmem:s0+$0x14800] =	vst.add.f32.msk $0xffff, v1  }
0x192: {  	[tilespmem:s0+$0x14810] =	vst.add.f32.msk $0xffff, v2  }
0x193: {  	[tilespmem:s0+$0x14820] =	vst.add.f32.msk $0xffff, v3  }
0x194: {  	[tilespmem:s0+$0x14830] =	vst.add.f32.msk $0xffff, v4  }
0x195: {  	[tilespmem:s0+$0x14840] =	vst.add.f32.msk $0xffff, v5  }
0x196: {  	[tilespmem:s0+$0x14850] =	vst.add.f32.msk $0xffff, v6  }
0x197: {  	[tilespmem:s0+$0x14860] =	vst.add.f32.msk $0xffff, v7  }
0x198: {  	[tilespmem:s0+$0x14870] =	vst.add.f32.msk $0xffff, v8  }
0x199: {  	[tilespmem:s0+$0x14880] =	vst.add.f32.msk $0xffff, v9  }
0x19a: {  	[tilespmem:s0+$0x14890] =	vst.add.f32.msk $0xffff, v10  }
0x19b: {  	[tilespmem:s0+$0x148A0] =	vst.add.f32.msk $0xffff, v11  }
0x19c: {  	[tilespmem:s0+$0x148B0] =	vst.add.f32.msk $0xffff, v12  }
0x19d: {  	[tilespmem:s0+$0x148C0] =	vst.add.f32.msk $0xffff, v13  }
0x19e: {  	[tilespmem:s0+$0x148D0] =	vst.add.f32.msk $0xffff, v14  }
0x19f: {  	[tilespmem:s0+$0x148E0] =	vst.add.f32.msk $0xffff, v15  }
0x1a0: {  	[tilespmem:s0+$0x148F0] =	vst.add.f32.msk $0xffff, v16  }
0x1a1: {  	[tilespmem:s0+$0x14900] =	vst.add.f32.msk $0xffff, v17  }
0x1a2: {  	[tilespmem:s0+$0x14910] =	vst.add.f32.msk $0xffff, v18  }
0x1a3: {  	[tilespmem:s0+$0x14920] =	vst.add.f32.msk $0xffff, v19  }
0x1a4: {  	[tilespmem:s0+$0x14930] =	vst.add.f32.msk $0xffff, v20  }
0x1a5: {  	[tilespmem:s0+$0x14940] =	vst.add.f32.msk $0xffff, v21  }
0x1a6: {  	[tilespmem:s0+$0x14950] =	vst.add.f32.msk $0xffff, v22  }
0x1a7: {  	[tilespmem:s0+$0x14960] =	vst.add.f32.msk $0xffff, v23  }
0x1a8: {  	[tilespmem:s0+$0x14970] =	vst.add.f32.msk $0xffff, v24  }
0x1a9: {  	[tilespmem:s0+$0x14980] =	vst.add.f32.msk $0xffff, v25  }
.Ltmp2:
0x1aa: {  	[tilespmem:s0+$0x14990] =	vst.add.f32.msk $0xffff, v26;
	(pc) =	sbr.rel @p0 .LBB2_6-.Ltmp2, $4  }
0x1ab: {  	[tilespmem:s0+$0x149A0] =	vst.add.f32.msk $0xffff, v27  }
0x1ac: {  	[tilespmem:s0+$0x149B0] =	vst.add.f32.msk $0xffff, v28  }
0x1ad: {  	[tilespmem:s0+$0x149C0] =	vst.add.f32.msk $0xffff, v29  }
0x1ae: {  	s3 =	sadd.s32 $0x800, s3;
	[tilespmem:s0+$0x149D0] =	vst.add.f32.msk $0xffff, v30  }
0x1af: {  	[tilespmem:s0+$0x149E0] =	vst.add.f32.msk $0xffff, v0;
	s2 =	simm.s32 $0x0;
	s1 =	simm.s32 $0x14800  }
0x1b0: {  	s3 =	simm.s32 $0x200;
	s14 =	simm.s32 $0x280;
	s0 =	rddreg [dreg:$0x8]  }
0x1b1: {  	[hbm4b:s0+s2] =	stream.linear.scatter [tilespmem:s1], [sflag:$0x7], $0x4000, $0x38;
	[tilespmem:$0x1C800] =	vst v63  }
0x1b2: {  	s19 =	simm.s32 $0x300;
	s22 =	simm.s32 $0x0;
	s0 =	simm.s32 $0x180  }
.LBB2_8:
0x1b3: {  	s7 =	smulhi.u32 $0x51EB851F, s0;
	s4 =	simm.s32 $0x5  }
0x1b4: {  	_ =	swait.ge [sflag:s4], $0x4000  }
0x1b5: {  	s9 =	sshll.u32 s22, $0x9;
	s7 =	sshrl.u32 s7, $0x6;
	[sflag:s4] =	ssyncset.done $0x0  }
0x1b6: {  	s11 =	sadd.s32 $0x200, s9;
	s7 =	smul.u32 $0xC8, s7;
	[sflag:s4] =	ssyncadd.s32 $0xFFFFC000  }
0x1b7: {  	[tilespmem:s31], [sflag:$0x1] =	stream.indirect.gather [hbm4b:s30+s15], $0x80, s11, s15, $0xb8;
	[tilespmem:$0x1C800] =	vst v63  }
0x1b8: {  	s1 =	smov.u32 s29;
	s21 =	simm.s32 $0x4;
	s12 =	ssub.s32 s2, s7  }
0x1b9: {  	s6 =	smov.u32 s30;
	_ =	swait.ge [sflag:s21], $0x4000;
	s7 =	sadd.s32 $0xFFFFFFFC, s12  }
0x1ba: {  	[sflag:s21] =	ssyncset.done $0x0;
	s28 =	sadd.s32 $0x0, s12;
	s8 =	sadd.s32 $0x187, s7  }
0x1bb: {  	[sflag:s21] =	ssyncadd.s32 $0xFFFFC000;
	s13 =	sadd.s32 $0x184, s7;
	s23 =	sadd.s32 $0x185, s7  }
0x1bc: {  	s24 =	sadd.s32 $0x186, s7;
	s29 =	sadd.s32 $0x187, s28;
	s10 =	sshll.u32 s8, $0x9  }
0x1bd: {  	s30 =	sadd.s32 $0x184, s28;
	p0 =	slt.u32 s8, $0xC8;
	s8 =	sadd.s32 $0xFFFE7000, s10  }
0x1be: {  	s4 =	sadd.s32 $0x185, s28;
	s17 =	sshll.u32 s13, $0x9;
	s8 =	smov.u32 @p0 s10  }
0x1bf: {  	p1 =	slt.u32 s23, $0xC8;
	s20 =	sshll.u32 s30, $0x9;
	s16 =	sshra.s32 s8, $0x2  }
0x1c0: {  	s18 =	sadd.s32 $0xFFFE7000, s17;
	p0 =	slt.u32 s13, $0xC8;
	s8 =	sshll.u32 s23, $0x9;
	v0 =	vld [tilespmem:s16+$0x6400]  }
0x1c1: {  	s7 =	sshll.u32 s4, $0x9;
	s18 =	smov.u32 @p0 s17;
	s13 =	sadd.s32 $0xFFFE7000, s8  }
0x1c2: {  	s25 =	sshra.s32 s18, $0x2;
	s13 =	smov.u32 @p1 s8;
	s8 =	sshll.u32 s24, $0x9  }
0x1c3: {  	p0 =	slt.u32 s24, $0xC8;
	v1 =	vld [tilespmem:s25+$0x6400];
	s26 =	sshra.s32 s13, $0x2;
	s18 =	sadd.s32 $0xFFFE7000, s8  }
0x1c4: {  	s10 =	sshll.u32 s29, $0x9;
	s13 =	simm.s32 $0x189F0;
	v2 =	vld [tilespmem:s26+$0x6400];
	s18 =	smov.u32 @p0 s8  }
0x1c5: {  	s17 =	sadd.s32 $0xFFFE7000, s10;
	p0 =	slt.u32 s29, $0xC8;
	s8 =	sshra.s32 s18, $0x2;
	[tilespmem:s13+$0xFFFFFF90] =	vst.add.f32.msk $0xffff, v0  }
0x1c6: {  	s23 =	sadd.s32 $0x186, s28;
	p1 =	slt.u32 s4, $0xC8;
	s17 =	smov.u32 @p0 s10;
	v3 =	vld [tilespmem:s8+$0x6400]  }
0x1c7: {  	p0 =	slt.u32 s30, $0xC8;
	s18 =	sadd.s32 $0xFFFE7000, s7;
	s21 =	sshra.s32 s17, $0x2;
	v0 =	vld [tilespmem:s16+$0x6410]  }
0x1c8: {  	s17 =	sadd.s32 $0xFFFE7000, s20;
	s18 =	smov.u32 @p1 s7;
	s7 =	sshll.u32 s23, $0x9;
	[tilespmem:s13+$0xFFFFFE10] =	vst.add.f32.msk $0xffff, v1  }
0x1c9: {  	s17 =	smov.u32 @p0 s20;
	s10 =	sadd.s32 $0xFFFE7000, s7;
	p0 =	slt.u32 s23, $0xC8;
	v1 =	vld [tilespmem:s25+$0x6410]  }
0x1ca: {  	s10 =	smov.u32 @p0 s7;
	[tilespmem:s13+$0xFFFFFE90] =	vst.add.f32.msk $0xffff, v2  }
0x1cb: {  	s20 =	sshra.s32 s17, $0x2;
	s17 =	sshra.s32 s10, $0x2;
	v2 =	vld [tilespmem:s26+$0x6410]  }
0x1cc: {  	v5 =	vld [tilespmem:s17+$0x6400]  }
0x1cd: {  	[tilespmem:s13+$0xFFFFFF10] =	vst.add.f32.msk $0xffff, v3  }
0x1ce: {  	[tilespmem:s13+$0xFFFFFFA0] =	vst.add.f32.msk $0xffff, v0  }
0x1cf: {  	v3 =	vld [tilespmem:s8+$0x6410]  }
0x1d0: {  	v0 =	vld [tilespmem:s16+$0x6420]  }
0x1d1: {  	[tilespmem:s13+$0xFFFFFE20] =	vst.add.f32.msk $0xffff, v1  }
0x1d2: {  	v1 =	vld [tilespmem:s25+$0x6420]  }
0x1d3: {  	s31 =	simm.s32 $0x18BF0;
	[tilespmem:s13+$0xFFFFFEA0] =	vst.add.f32.msk $0xffff, v2  }
0x1d4: {  	[tilespmem:s31+$0xFFFFFF10] =	vst.add.f32.msk $0xffff, v5  }
0x1d5: {  	v2 =	vld [tilespmem:s26+$0x6420]  }
0x1d6: {  	v5 =	vld [tilespmem:s17+$0x6410]  }
0x1d7: {  	[tilespmem:s13+$0xFFFFFF20] =	vst.add.f32.msk $0xffff, v3  }
0x1d8: {  	[tilespmem:s13+$0xFFFFFFB0] =	vst.add.f32.msk $0xffff, v0  }
0x1d9: {  	v3 =	vld [tilespmem:s8+$0x6420]  }
0x1da: {  	v0 =	vld [tilespmem:s16+$0x6430]  }
0x1db: {  	[tilespmem:s13+$0xFFFFFE30] =	vst.add.f32.msk $0xffff, v1  }
0x1dc: {  	v1 =	vld [tilespmem:s25+$0x6430]  }
0x1dd: {  	[tilespmem:s13+$0xFFFFFEB0] =	vst.add.f32.msk $0xffff, v2  }
0x1de: {  	[tilespmem:s31+$0xFFFFFF20] =	vst.add.f32.msk $0xffff, v5  }
0x1df: {  	v2 =	vld [tilespmem:s26+$0x6430]  }
0x1e0: {  	v5 =	vld [tilespmem:s17+$0x6420]  }
0x1e1: {  	[tilespmem:s13+$0xFFFFFF30] =	vst.add.f32.msk $0xffff, v3  }
0x1e2: {  	[tilespmem:s13+$0xFFFFFFC0] =	vst.add.f32.msk $0xffff, v0  }
0x1e3: {  	v3 =	vld [tilespmem:s8+$0x6430]  }
0x1e4: {  	v0 =	vld [tilespmem:s16+$0x6440]  }
0x1e5: {  	[tilespmem:s13+$0xFFFFFE40] =	vst.add.f32.msk $0xffff, v1  }
0x1e6: {  	v1 =	vld [tilespmem:s25+$0x6440]  }
0x1e7: {  	[tilespmem:s13+$0xFFFFFEC0] =	vst.add.f32.msk $0xffff, v2  }
0x1e8: {  	[tilespmem:s31+$0xFFFFFF30] =	vst.add.f32.msk $0xffff, v5  }
0x1e9: {  	v2 =	vld [tilespmem:s26+$0x6440]  }
0x1ea: {  	v5 =	vld [tilespmem:s17+$0x6430]  }
0x1eb: {  	[tilespmem:s13+$0xFFFFFF40] =	vst.add.f32.msk $0xffff, v3  }
0x1ec: {  	[tilespmem:s13+$0xFFFFFFD0] =	vst.add.f32.msk $0xffff, v0  }
0x1ed: {  	v3 =	vld [tilespmem:s8+$0x6440]  }
0x1ee: {  	v0 =	vld [tilespmem:s16+$0x6450]  }
0x1ef: {  	[tilespmem:s13+$0xFFFFFE50] =	vst.add.f32.msk $0xffff, v1  }
0x1f0: {  	[tilespmem:s13+$0xFFFFFED0] =	vst.add.f32.msk $0xffff, v2  }
0x1f1: {  	[tilespmem:s31+$0xFFFFFF40] =	vst.add.f32.msk $0xffff, v5  }
0x1f2: {  	v1 =	vld [tilespmem:s26+$0x6450]  }
0x1f3: {  	v5 =	vld [tilespmem:s17+$0x6440]  }
0x1f4: {  	[tilespmem:s13+$0xFFFFFF50] =	vst.add.f32.msk $0xffff, v3  }
0x1f5: {  	[tilespmem:s13+$0xFFFFFFE0] =	vst.add.f32.msk $0xffff, v0  }
0x1f6: {  	v2 =	vld [tilespmem:s8+$0x6450]  }
0x1f7: {  	v0 =	vld [tilespmem:s16+$0x6460]  }
0x1f8: {  	[tilespmem:s13+$0xFFFFFEE0] =	vst.add.f32.msk $0xffff, v1  }
0x1f9: {  	[tilespmem:s31+$0xFFFFFF50] =	vst.add.f32.msk $0xffff, v5  }
0x1fa: {  	v1 =	vld [tilespmem:s26+$0x6460]  }
0x1fb: {  	v5 =	vld [tilespmem:s17+$0x6450]  }
0x1fc: {  	[tilespmem:s13+$0xFFFFFFF0] =	vst.add.f32.msk $0xffff, v0  }
0x1fd: {  	v0 =	vld [tilespmem:s25+$0x6450]  }
0x1fe: {  	[tilespmem:s13+$0xFFFFFF60] =	vst.add.f32.msk $0xffff, v2  }
0x1ff: {  	v3 =	vld [tilespmem:s16+$0x6470]  }
0x200: {  	[tilespmem:s13+$0xFFFFFEF0] =	vst.add.f32.msk $0xffff, v1  }
0x201: {  	v1 =	vld [tilespmem:s21+$0x6400]  }
0x202: {  	[tilespmem:s13+$0xFFFFFE60] =	vst.add.f32.msk $0xffff, v0  }
0x203: {  	v0 =	vld [tilespmem:s25+$0x6460]  }
0x204: {  	v2 =	vld [tilespmem:s8+$0x6460]  }
0x205: {  	[tilespmem:s13+$0x0] =	vst.add.f32.msk $0xffff, v3  }
0x206: {  	[tilespmem:s31+$0xFFFFFF90] =	vst.add.f32.msk $0xffff, v1  }
0x207: {  	v1 =	vld [tilespmem:s21+$0x6410]  }
0x208: {  	[tilespmem:s13+$0xFFFFFE70] =	vst.add.f32.msk $0xffff, v0  }
0x209: {  	s16 =	sshra.s32 s18, $0x2;
	v3 =	vld [tilespmem:s25+$0x6470]  }
0x20a: {  	v4 =	vld [tilespmem:s16+$0x6400]  }
0x20b: {  	[tilespmem:s31+$0xFFFFFF60] =	vst.add.f32.msk $0xffff, v5  }
0x20c: {  	[tilespmem:s31+$0xFFFFFFA0] =	vst.add.f32.msk $0xffff, v1  }
0x20d: {  	v1 =	vld [tilespmem:s21+$0x6420]  }
0x20e: {  	[tilespmem:s13+$0xFFFFFE80] =	vst.add.f32.msk $0xffff, v3  }
0x20f: {  	v3 =	vld [tilespmem:s20+$0x6400]  }
0x210: {  	[tilespmem:s13+$0xFFFFFF70] =	vst.add.f32.msk $0xffff, v2  }
0x211: {  	v2 =	vld [tilespmem:s26+$0x6470]  }
0x212: {  	[tilespmem:s31+$0xFFFFFFB0] =	vst.add.f32.msk $0xffff, v1  }
0x213: {  	v1 =	vld [tilespmem:s21+$0x6430]  }
0x214: {  	[tilespmem:s31+$0xFFFFFE10] =	vst.add.f32.msk $0xffff, v3  }
0x215: {  	v3 =	vld [tilespmem:s20+$0x6410]  }
0x216: {  	[tilespmem:s31+$0xFFFFFE90] =	vst.add.f32.msk $0xffff, v4  }
0x217: {  	v4 =	vld [tilespmem:s16+$0x6410]  }
0x218: {  	[tilespmem:s31+$0xFFFFFFC0] =	vst.add.f32.msk $0xffff, v1  }
0x219: {  	v1 =	vld [tilespmem:s21+$0x6440]  }
0x21a: {  	[tilespmem:s31+$0xFFFFFE20] =	vst.add.f32.msk $0xffff, v3  }
0x21b: {  	v3 =	vld [tilespmem:s20+$0x6420]  }
0x21c: {  	[tilespmem:s31+$0xFFFFFEA0] =	vst.add.f32.msk $0xffff, v4  }
0x21d: {  	v4 =	vld [tilespmem:s16+$0x6420]  }
0x21e: {  	[tilespmem:s31+$0xFFFFFFD0] =	vst.add.f32.msk $0xffff, v1  }
0x21f: {  	v1 =	vld [tilespmem:s21+$0x6450]  }
0x220: {  	[tilespmem:s31+$0xFFFFFE30] =	vst.add.f32.msk $0xffff, v3  }
0x221: {  	v3 =	vld [tilespmem:s20+$0x6430]  }
0x222: {  	[tilespmem:s31+$0xFFFFFEB0] =	vst.add.f32.msk $0xffff, v4  }
0x223: {  	v4 =	vld [tilespmem:s16+$0x6430]  }
0x224: {  	[tilespmem:s31+$0xFFFFFFE0] =	vst.add.f32.msk $0xffff, v1  }
0x225: {  	v1 =	vld [tilespmem:s21+$0x6460]  }
0x226: {  	[tilespmem:s31+$0xFFFFFE40] =	vst.add.f32.msk $0xffff, v3  }
0x227: {  	v3 =	vld [tilespmem:s20+$0x6440]  }
0x228: {  	[tilespmem:s31+$0xFFFFFEC0] =	vst.add.f32.msk $0xffff, v4  }
0x229: {  	v4 =	vld [tilespmem:s16+$0x6440]  }
0x22a: {  	[tilespmem:s31+$0xFFFFFFF0] =	vst.add.f32.msk $0xffff, v1  }
0x22b: {  	v1 =	vld [tilespmem:s21+$0x6470]  }
0x22c: {  	[tilespmem:s31+$0xFFFFFE50] =	vst.add.f32.msk $0xffff, v3  }
0x22d: {  	v3 =	vld [tilespmem:s20+$0x6450]  }
0x22e: {  	[tilespmem:s13+$0xFFFFFF00] =	vst.add.f32.msk $0xffff, v2  }
0x22f: {  	[tilespmem:s31+$0xFFFFFED0] =	vst.add.f32.msk $0xffff, v4  }
0x230: {  	s24 =	smulhi.u32 $0x51EB851F, s19;
	v4 =	vld [tilespmem:s16+$0x6450]  }
0x231: {  	s26 =	smulhi.u32 $0x51EB851F, s3;
	[tilespmem:s31+$0x0] =	vst.add.f32.msk $0xffff, v1  }
0x232: {  	s7 =	sshrl.u32 s24, $0x6;
	s25 =	smulhi.u32 $0x51EB851F, s14;
	[tilespmem:s31+$0xFFFFFE60] =	vst.add.f32.msk $0xffff, v3  }
0x233: {  	s7 =	smul.u32 $0xC8, s7;
	s29 =	sshrl.u32 s26, $0x6;
	v1 =	vld [tilespmem:s20+$0x6460]  }
0x234: {  	s30 =	smul.u32 $0xC8, s29;
	v0 =	vld [tilespmem:s8+$0x6470];
	s8 =	sshrl.u32 s25, $0x6  }
0x235: {  	s28 =	smul.u32 $0xC8, s8;
	[tilespmem:s31+$0xFFFFFEE0] =	vst.add.f32.msk $0xffff, v4  }
0x236: {  	s23 =	sor.u32 $0x180, s9;
	s18 =	simm.s32 $0x4;
	v2 =	vld [tilespmem:s16+$0x6460]  }
0x237: {  	s8 =	ssub.s32 s2, s7;
	s7 =	ssub.s32 s2, s30;
	s10 =	ssub.s32 s2, s28;
	v3 =	vld [tilespmem:s17+$0x6460]  }
.LBB2_9:
0x238: {  	s21 =	sadd.s32 s18, s12;
	s18 =	sadd.s32 $0x4, s18;
	[tilespmem:s31+$0xFFFFFE70] =	vst.add.f32.msk $0xffff, v1  }
0x239: {  	s24 =	sadd.s32 $0x184, s21;
	s25 =	sadd.s32 $0x187, s21;
	p0 =	slt.u32 s18, $0x7C;
	v1 =	vld [tilespmem:s20+$0x6470]  }
0x23a: {  	s20 =	sadd.s32 $0x185, s21;
	s26 =	sadd.s32 $0x186, s21;
	s21 =	sshll.u32 s25, $0x9;
	[tilespmem:s13+$0xFFFFFF80] =	vst.add.f32.msk $0xffff, v0  }
0x23b: {  	s13 =	sshll.u32 s24, $0x9;
	p1 =	slt.u32 s25, $0xC8;
	s25 =	sadd.s32 $0xFFFE7000, s21;
	[tilespmem:s31+$0xFFFFFEF0] =	vst.add.f32.msk $0xffff, v2  }
0x23c: {  	s28 =	sshll.u32 s20, $0x9;
	s29 =	sshll.u32 s26, $0x9;
	s25 =	smov.u32 @p1 s21;
	[tilespmem:s31+$0xFFFFFF70] =	vst.add.f32.msk $0xffff, v3  }
0x23d: {  	s30 =	sadd.s32 $0xFFFE7000, s13;
	s4 =	sadd.s32 $0xFFFE7000, s28;
	s21 =	sshra.s32 s25, $0x2;
	v2 =	vld [tilespmem:s16+$0x6470]  }
0x23e: {  	p2 =	slt.u32 s20, $0xC8;
	p1 =	slt.u32 s24, $0xC8;
	s24 =	sadd.s32 $0xFFFE7000, s29;
	v3 =	vld [tilespmem:s21+$0x6400]  }
0x23f: {  	s4 =	smov.u32 @p2 s28;
	s30 =	smov.u32 @p1 s13;
	p1 =	slt.u32 s26, $0xC8;
	v0 =	vld [tilespmem:s17+$0x6470]  }
0x240: {  	s16 =	sshra.s32 s4, $0x2;
	s20 =	sshra.s32 s30, $0x2;
	s24 =	smov.u32 @p1 s29;
	[tilespmem:s31+$0xFFFFFE80] =	vst.add.f32.msk $0xffff, v1  }
0x241: {  	s13 =	smov.u32 s31;
	s17 =	sshra.s32 s24, $0x2;
	v1 =	vld [tilespmem:s20+$0x6400]  }
0x242: {  	s31 =	sadd.s32 $0x200, s31;
	v4 =	vld [tilespmem:s16+$0x6400]  }
0x243: {  	[tilespmem:s31+$0xFFFFFF90] =	vst.add.f32.msk $0xffff, v3  }
0x244: {  	v3 =	vld [tilespmem:s21+$0x6410]  }
0x245: {  	v5 =	vld [tilespmem:s17+$0x6400]  }
0x246: {  	[tilespmem:s31+$0xFFFFFE10] =	vst.add.f32.msk $0xffff, v1  }
0x247: {  	[tilespmem:s31+$0xFFFFFE90] =	vst.add.f32.msk $0xffff, v4  }
0x248: {  	v1 =	vld [tilespmem:s20+$0x6410]  }
0x249: {  	[tilespmem:s31+$0xFFFFFFA0] =	vst.add.f32.msk $0xffff, v3  }
0x24a: {  	v3 =	vld [tilespmem:s21+$0x6420]  }
0x24b: {  	[tilespmem:s31+$0xFFFFFF10] =	vst.add.f32.msk $0xffff, v5  }
0x24c: {  	v4 =	vld [tilespmem:s16+$0x6410]  }
0x24d: {  	v5 =	vld [tilespmem:s17+$0x6410]  }
0x24e: {  	[tilespmem:s31+$0xFFFFFE20] =	vst.add.f32.msk $0xffff, v1  }
0x24f: {  	[tilespmem:s31+$0xFFFFFFB0] =	vst.add.f32.msk $0xffff, v3  }
0x250: {  	v1 =	vld [tilespmem:s21+$0x6430]  }
0x251: {  	[tilespmem:s31+$0xFFFFFEA0] =	vst.add.f32.msk $0xffff, v4  }
0x252: {  	[tilespmem:s31+$0xFFFFFF20] =	vst.add.f32.msk $0xffff, v5  }
0x253: {  	v3 =	vld [tilespmem:s20+$0x6420]  }
0x254: {  	v4 =	vld [tilespmem:s16+$0x6420]  }
0x255: {  	[tilespmem:s31+$0xFFFFFFC0] =	vst.add.f32.msk $0xffff, v1  }
0x256: {  	v1 =	vld [tilespmem:s21+$0x6440]  }
0x257: {  	v5 =	vld [tilespmem:s17+$0x6420]  }
0x258: {  	[tilespmem:s31+$0xFFFFFE30] =	vst.add.f32.msk $0xffff, v3  }
0x259: {  	[tilespmem:s31+$0xFFFFFEB0] =	vst.add.f32.msk $0xffff, v4  }
0x25a: {  	v3 =	vld [tilespmem:s20+$0x6430]  }
0x25b: {  	[tilespmem:s31+$0xFFFFFFD0] =	vst.add.f32.msk $0xffff, v1  }
0x25c: {  	v1 =	vld [tilespmem:s21+$0x6450]  }
0x25d: {  	[tilespmem:s31+$0xFFFFFF30] =	vst.add.f32.msk $0xffff, v5  }
0x25e: {  	v4 =	vld [tilespmem:s16+$0x6430]  }
0x25f: {  	v5 =	vld [tilespmem:s17+$0x6430]  }
0x260: {  	[tilespmem:s31+$0xFFFFFE40] =	vst.add.f32.msk $0xffff, v3  }
0x261: {  	[tilespmem:s31+$0xFFFFFFE0] =	vst.add.f32.msk $0xffff, v1  }
0x262: {  	v1 =	vld [tilespmem:s21+$0x6460]  }
0x263: {  	[tilespmem:s31+$0xFFFFFEC0] =	vst.add.f32.msk $0xffff, v4  }
0x264: {  	[tilespmem:s31+$0xFFFFFF40] =	vst.add.f32.msk $0xffff, v5  }
0x265: {  	v3 =	vld [tilespmem:s20+$0x6440]  }
0x266: {  	v4 =	vld [tilespmem:s16+$0x6440]  }
0x267: {  	[tilespmem:s31+$0xFFFFFFF0] =	vst.add.f32.msk $0xffff, v1  }
0x268: {  	v1 =	vld [tilespmem:s21+$0x6470]  }
0x269: {  	v5 =	vld [tilespmem:s17+$0x6440]  }
0x26a: {  	[tilespmem:s31+$0xFFFFFE50] =	vst.add.f32.msk $0xffff, v3  }
0x26b: {  	[tilespmem:s31+$0xFFFFFED0] =	vst.add.f32.msk $0xffff, v4  }
0x26c: {  	v3 =	vld [tilespmem:s20+$0x6450]  }
0x26d: {  	[tilespmem:s31+$0x0] =	vst.add.f32.msk $0xffff, v1  }
0x26e: {  	[tilespmem:s31+$0xFFFFFF50] =	vst.add.f32.msk $0xffff, v5  }
0x26f: {  	v4 =	vld [tilespmem:s16+$0x6450]  }
0x270: {  	v5 =	vld [tilespmem:s17+$0x6450]  }
0x271: {  	[tilespmem:s31+$0xFFFFFE60] =	vst.add.f32.msk $0xffff, v3  }
0x272: {  	v1 =	vld [tilespmem:s20+$0x6460]  }
.Ltmp3:
0x273: {  	[tilespmem:s13+$0xFFFFFF00] =	vst.add.f32.msk $0xffff, v2;
	(pc) =	sbr.rel @p0 .LBB2_9-.Ltmp3, $4  }
0x274: {  	[tilespmem:s31+$0xFFFFFEE0] =	vst.add.f32.msk $0xffff, v4  }
0x275: {  	[tilespmem:s31+$0xFFFFFF60] =	vst.add.f32.msk $0xffff, v5  }
0x276: {  	v2 =	vld [tilespmem:s16+$0x6460]  }
0x277: {  	v3 =	vld [tilespmem:s17+$0x6460]  }
0x278: {  	_ = 	snop  }
0x279: {  	[tilespmem:s31+$0xFFFFFE70] =	vst.add.f32.msk $0xffff, v1  }
0x27a: {  	v1 =	vld [tilespmem:s20+$0x6470]  }
0x27b: {  	[tilespmem:s31+$0xFFFFFEF0] =	vst.add.f32.msk $0xffff, v2  }
0x27c: {  	[tilespmem:s31+$0xFFFFFF70] =	vst.add.f32.msk $0xffff, v3  }
0x27d: {  	v2 =	vld [tilespmem:s16+$0x6470]  }
0x27e: {  	v3 =	vld [tilespmem:s17+$0x6470];
	_ =	sdelay $0x1  }
0x27f: {  	[tilespmem:s13+$0xFFFFFF80] =	vst.add.f32.msk $0xffff, v0;
	s4 =	sadd.s32 s5, s23;
	s29 =	smov.u32 s1;
	s12 =	simm.s32 $0x18800  }
0x280: {  	s26 =	simm.s32 $0x6;
	s30 =	smov.u32 s6;
	s6 =	simm.s32 $0x10800;
	[tilespmem:s31+$0xFFFFFE80] =	vst.add.f32.msk $0xffff, v1  }
0x281: {  	s28 =	sadd.s32 $0xFFFFFFFC, s7;
	s18 =	simm.s32 $0x1;
	s4 =	sshll.u32 s4, $0x4;
	[tilespmem:s31+$0xFFFFFF00] =	vst.add.f32.msk $0xffff, v2  }
0x282: {  	s4 =	sadd.s32 s1, s4;
	s1 =	simm.s32 $0x0;
	s17 =	sadd.s32 $0x207, s28;
	[tilespmem:s31+$0xFFFFFF80] =	vst.add.f32.msk $0xffff, v3  }
0x283: {  	[hbm4b:s4+s1] =	stream.linear.scatter [tilespmem:s12], [sflag:$0x8], $0x4000, $0x38;
	[tilespmem:$0x1C800] =	vst v63  }
0x284: {  	s23 =	sadd.s32 $0x205, s28;
	s16 =	sshll.u32 s17, $0x9;
	_ =	swait.ge [sflag:s26], $0x4000  }
0x285: {  	p0 =	slt.u32 s17, $0xC8;
	s13 =	sadd.s32 $0xFFFE7000, s16;
	[sflag:s26] =	ssyncset.done $0x0  }
0x286: {  	s13 =	smov.u32 @p0 s16;
	s12 =	sadd.s32 $0x280, s9;
	[sflag:s26] =	ssyncadd.s32 $0xFFFFC000  }
0x287: {  	[tilespmem:s6], [sflag:$0x2] =	stream.indirect.gather [hbm4b:s30+s15], $0x80, s12, s15, $0xb8;
	[tilespmem:$0x1C800] =	vst v63  }
0x288: {  	s24 =	sshra.s32 s13, $0x2;
	s13 =	sshll.u32 s23, $0x9;
	_ =	swait.ge [sflag:s18], $0x4000  }
0x289: {  	p1 =	slt.u32 s23, $0xC8;
	s17 =	sadd.s32 $0xFFFE7000, s13;
	[sflag:s18] =	ssyncset.done $0x0  }
0x28a: {  	s20 =	sadd.s32 $0x204, s28;
	s17 =	smov.u32 @p1 s13;
	[sflag:s18] =	ssyncadd.s32 $0xFFFFC000  }
0x28b: {  	s16 =	sshra.s32 s17, $0x2;
	s18 =	sshll.u32 s20, $0x9;
	v0 =	vld [tilespmem:s24+$0x6400]  }
0x28c: {  	p0 =	slt.u32 s20, $0xC8;
	s21 =	sadd.s32 $0xFFFE7000, s18;
	v2 =	vld [tilespmem:s16+$0x6400]  }
0x28d: {  	s21 =	smov.u32 @p0 s18  }
0x28e: {  	s4 =	sadd.s32 $0x206, s28;
	s18 =	sshra.s32 s21, $0x2  }
0x28f: {  	s13 =	simm.s32 $0xC9F0;
	s21 =	sshll.u32 s4, $0x9;
	v1 =	vld [tilespmem:s18+$0x6400]  }
0x290: {  	p0 =	slt.u32 s4, $0xC8;
	s17 =	sadd.s32 $0xFFFE7000, s21;
	[tilespmem:s13+$0xFFFFFF90] =	vst.add.f32.msk $0xffff, v0  }
0x291: {  	s17 =	smov.u32 @p0 s21;
	[tilespmem:s13+$0xFFFFFE90] =	vst.add.f32.msk $0xffff, v2  }
0x292: {  	s17 =	sshra.s32 s17, $0x2;
	v0 =	vld [tilespmem:s24+$0x6410]  }
0x293: {  	v3 =	vld [tilespmem:s17+$0x6400]  }
0x294: {  	v2 =	vld [tilespmem:s16+$0x6410]  }
0x295: {  	[tilespmem:s13+$0xFFFFFE10] =	vst.add.f32.msk $0xffff, v1  }
0x296: {  	v1 =	vld [tilespmem:s18+$0x6410]  }
0x297: {  	[tilespmem:s13+$0xFFFFFFA0] =	vst.add.f32.msk $0xffff, v0  }
0x298: {  	[tilespmem:s13+$0xFFFFFF10] =	vst.add.f32.msk $0xffff, v3  }
0x299: {  	[tilespmem:s13+$0xFFFFFEA0] =	vst.add.f32.msk $0xffff, v2  }
0x29a: {  	v0 =	vld [tilespmem:s24+$0x6420]  }
0x29b: {  	v3 =	vld [tilespmem:s17+$0x6410]  }
0x29c: {  	v2 =	vld [tilespmem:s16+$0x6420]  }
0x29d: {  	[tilespmem:s13+$0xFFFFFE20] =	vst.add.f32.msk $0xffff, v1  }
0x29e: {  	v1 =	vld [tilespmem:s18+$0x6420]  }
0x29f: {  	[tilespmem:s13+$0xFFFFFFB0] =	vst.add.f32.msk $0xffff, v0  }
0x2a0: {  	[tilespmem:s13+$0xFFFFFF20] =	vst.add.f32.msk $0xffff, v3  }
0x2a1: {  	[tilespmem:s13+$0xFFFFFEB0] =	vst.add.f32.msk $0xffff, v2  }
0x2a2: {  	v0 =	vld [tilespmem:s24+$0x6430]  }
0x2a3: {  	v3 =	vld [tilespmem:s17+$0x6420]  }
0x2a4: {  	v2 =	vld [tilespmem:s16+$0x6430]  }
0x2a5: {  	[tilespmem:s13+$0xFFFFFE30] =	vst.add.f32.msk $0xffff, v1  }
0x2a6: {  	v1 =	vld [tilespmem:s18+$0x6430]  }
0x2a7: {  	[tilespmem:s13+$0xFFFFFFC0] =	vst.add.f32.msk $0xffff, v0  }
0x2a8: {  	[tilespmem:s13+$0xFFFFFF30] =	vst.add.f32.msk $0xffff, v3  }
0x2a9: {  	[tilespmem:s13+$0xFFFFFEC0] =	vst.add.f32.msk $0xffff, v2  }
0x2aa: {  	v0 =	vld [tilespmem:s24+$0x6440]  }
0x2ab: {  	v3 =	vld [tilespmem:s17+$0x6430]  }
0x2ac: {  	v2 =	vld [tilespmem:s16+$0x6440]  }
0x2ad: {  	[tilespmem:s13+$0xFFFFFE40] =	vst.add.f32.msk $0xffff, v1  }
0x2ae: {  	v1 =	vld [tilespmem:s18+$0x6440]  }
0x2af: {  	[tilespmem:s13+$0xFFFFFFD0] =	vst.add.f32.msk $0xffff, v0  }
0x2b0: {  	[tilespmem:s13+$0xFFFFFF40] =	vst.add.f32.msk $0xffff, v3  }
0x2b1: {  	v0 =	vld [tilespmem:s24+$0x6450]  }
0x2b2: {  	[tilespmem:s13+$0xFFFFFED0] =	vst.add.f32.msk $0xffff, v2  }
0x2b3: {  	v3 =	vld [tilespmem:s17+$0x6440]  }
0x2b4: {  	[tilespmem:s13+$0xFFFFFE50] =	vst.add.f32.msk $0xffff, v1  }
0x2b5: {  	v1 =	vld [tilespmem:s16+$0x6450]  }
0x2b6: {  	[tilespmem:s13+$0xFFFFFFE0] =	vst.add.f32.msk $0xffff, v0  }
0x2b7: {  	v0 =	vld [tilespmem:s24+$0x6460];
	_ =	sdelay $0x1  }
0x2b8: {  	[tilespmem:s13+$0xFFFFFF50] =	vst.add.f32.msk $0xffff, v3  }
0x2b9: {  	[tilespmem:s13+$0xFFFFFEE0] =	vst.add.f32.msk $0xffff, v1  }
0x2ba: {  	v1 =	vld [tilespmem:s16+$0x6460]  }
0x2bb: {  	[tilespmem:s13+$0xFFFFFFF0] =	vst.add.f32.msk $0xffff, v0  }
0x2bc: {  	v0 =	vld [tilespmem:s18+$0x6450]  }
0x2bd: {  	v2 =	vld [tilespmem:s17+$0x6450]  }
0x2be: {  	v3 =	vld [tilespmem:s24+$0x6470]  }
0x2bf: {  	[tilespmem:s13+$0xFFFFFEF0] =	vst.add.f32.msk $0xffff, v1  }
0x2c0: {  	s4 =	sadd.s32 $0x0, s7;
	v1 =	vld [tilespmem:s16+$0x6470]  }
0x2c1: {  	s28 =	sadd.s32 $0x205, s4;
	[tilespmem:s13+$0xFFFFFE60] =	vst.add.f32.msk $0xffff, v0  }
0x2c2: {  	s16 =	sshll.u32 s28, $0x9;
	v0 =	vld [tilespmem:s18+$0x6460]  }
0x2c3: {  	p1 =	slt.u32 s28, $0xC8;
	[tilespmem:s13+$0xFFFFFF60] =	vst.add.f32.msk $0xffff, v2;
	s21 =	sadd.s32 $0xFFFE7000, s16  }
0x2c4: {  	v2 =	vld [tilespmem:s17+$0x6460];
	s21 =	smov.u32 @p1 s16  }
0x2c5: {  	[tilespmem:s13+$0x0] =	vst.add.f32.msk $0xffff, v3;
	s16 =	sshra.s32 s21, $0x2  }
0x2c6: {  	v4 =	vld [tilespmem:s16+$0x6400]  }
0x2c7: {  	s25 =	sadd.s32 $0x207, s4;
	[tilespmem:s13+$0xFFFFFE70] =	vst.add.f32.msk $0xffff, v0  }
0x2c8: {  	v3 =	vld [tilespmem:s18+$0x6470];
	s18 =	sshll.u32 s25, $0x9  }
0x2c9: {  	p0 =	slt.u32 s25, $0xC8;
	s20 =	sadd.s32 $0xFFFE7000, s18  }
0x2ca: {  	[tilespmem:s13+$0xFFFFFF70] =	vst.add.f32.msk $0xffff, v2;
	s20 =	smov.u32 @p0 s18  }
0x2cb: {  	s26 =	sadd.s32 $0x204, s4;
	v0 =	vld [tilespmem:s17+$0x6470];
	s24 =	sshra.s32 s20, $0x2  }
0x2cc: {  	s31 =	simm.s32 $0xCBF0;
	s23 =	sshll.u32 s26, $0x9;
	v2 =	vld [tilespmem:s24+$0x6400]  }
0x2cd: {  	[tilespmem:s31+$0xFFFFFE90] =	vst.add.f32.msk $0xffff, v4;
	p0 =	slt.u32 s26, $0xC8;
	s20 =	sadd.s32 $0xFFFE7000, s23  }
0x2ce: {  	v4 =	vld [tilespmem:s16+$0x6410];
	s20 =	smov.u32 @p0 s23  }
0x2cf: {  	s4 =	sadd.s32 $0x206, s4;
	s20 =	sshra.s32 s20, $0x2;
	[tilespmem:s13+$0xFFFFFE80] =	vst.add.f32.msk $0xffff, v3  }
0x2d0: {  	s17 =	sshll.u32 s4, $0x9;
	v3 =	vld [tilespmem:s20+$0x6400]  }
0x2d1: {  	s18 =	sadd.s32 $0xFFFE7000, s17;
	p0 =	slt.u32 s4, $0xC8;
	[tilespmem:s31+$0xFFFFFF90] =	vst.add.f32.msk $0xffff, v2  }
0x2d2: {  	s18 =	smov.u32 @p0 s17;
	v2 =	vld [tilespmem:s24+$0x6410]  }
0x2d3: {  	s17 =	sshra.s32 s18, $0x2;
	[tilespmem:s31+$0xFFFFFEA0] =	vst.add.f32.msk $0xffff, v4  }
0x2d4: {  	v5 =	vld [tilespmem:s17+$0x6400]  }
0x2d5: {  	v4 =	vld [tilespmem:s16+$0x6420]  }
0x2d6: {  	[tilespmem:s31+$0xFFFFFE10] =	vst.add.f32.msk $0xffff, v3  }
0x2d7: {  	[tilespmem:s31+$0xFFFFFFA0] =	vst.add.f32.msk $0xffff, v2  }
0x2d8: {  	v2 =	vld [tilespmem:s24+$0x6420]  }
0x2d9: {  	v3 =	vld [tilespmem:s20+$0x6410]  }
0x2da: {  	[tilespmem:s31+$0xFFFFFF10] =	vst.add.f32.msk $0xffff, v5  }
0x2db: {  	[tilespmem:s31+$0xFFFFFEB0] =	vst.add.f32.msk $0xffff, v4  }
0x2dc: {  	v5 =	vld [tilespmem:s17+$0x6410]  }
0x2dd: {  	[tilespmem:s31+$0xFFFFFFB0] =	vst.add.f32.msk $0xffff, v2  }
0x2de: {  	v2 =	vld [tilespmem:s24+$0x6430]  }
0x2df: {  	v4 =	vld [tilespmem:s16+$0x6430]  }
0x2e0: {  	[tilespmem:s31+$0xFFFFFE20] =	vst.add.f32.msk $0xffff, v3  }
0x2e1: {  	[tilespmem:s31+$0xFFFFFF20] =	vst.add.f32.msk $0xffff, v5  }
0x2e2: {  	v3 =	vld [tilespmem:s20+$0x6420]  }
0x2e3: {  	[tilespmem:s31+$0xFFFFFFC0] =	vst.add.f32.msk $0xffff, v2  }
0x2e4: {  	v2 =	vld [tilespmem:s24+$0x6440]  }
0x2e5: {  	[tilespmem:s31+$0xFFFFFEC0] =	vst.add.f32.msk $0xffff, v4  }
0x2e6: {  	v5 =	vld [tilespmem:s17+$0x6420]  }
0x2e7: {  	v4 =	vld [tilespmem:s16+$0x6440]  }
0x2e8: {  	[tilespmem:s31+$0xFFFFFE30] =	vst.add.f32.msk $0xffff, v3  }
0x2e9: {  	[tilespmem:s31+$0xFFFFFFD0] =	vst.add.f32.msk $0xffff, v2  }
0x2ea: {  	v2 =	vld [tilespmem:s24+$0x6450]  }
0x2eb: {  	v3 =	vld [tilespmem:s20+$0x6430]  }
0x2ec: {  	[tilespmem:s31+$0xFFFFFF30] =	vst.add.f32.msk $0xffff, v5  }
0x2ed: {  	[tilespmem:s31+$0xFFFFFED0] =	vst.add.f32.msk $0xffff, v4  }
0x2ee: {  	v5 =	vld [tilespmem:s17+$0x6430]  }
0x2ef: {  	[tilespmem:s31+$0xFFFFFFE0] =	vst.add.f32.msk $0xffff, v2  }
0x2f0: {  	v2 =	vld [tilespmem:s24+$0x6460]  }
0x2f1: {  	[tilespmem:s31+$0xFFFFFE40] =	vst.add.f32.msk $0xffff, v3  }
0x2f2: {  	v3 =	vld [tilespmem:s20+$0x6440]  }
0x2f3: {  	[tilespmem:s31+$0xFFFFFF40] =	vst.add.f32.msk $0xffff, v5  }
0x2f4: {  	v5 =	vld [tilespmem:s17+$0x6440]  }
0x2f5: {  	[tilespmem:s31+$0xFFFFFFF0] =	vst.add.f32.msk $0xffff, v2  }
0x2f6: {  	v2 =	vld [tilespmem:s24+$0x6470]  }
0x2f7: {  	[tilespmem:s31+$0xFFFFFE50] =	vst.add.f32.msk $0xffff, v3  }
0x2f8: {  	v3 =	vld [tilespmem:s20+$0x6450]  }
0x2f9: {  	[tilespmem:s31+$0xFFFFFF50] =	vst.add.f32.msk $0xffff, v5  }
0x2fa: {  	v4 =	vld [tilespmem:s17+$0x6450]  }
0x2fb: {  	[tilespmem:s31+$0x0] =	vst.add.f32.msk $0xffff, v2  }
0x2fc: {  	v2 =	vld [tilespmem:s16+$0x6450]  }
0x2fd: {  	[tilespmem:s13+$0xFFFFFF00] =	vst.add.f32.msk $0xffff, v1  }
0x2fe: {  	[tilespmem:s31+$0xFFFFFE60] =	vst.add.f32.msk $0xffff, v3  }
0x2ff: {  	v3 =	vld [tilespmem:s20+$0x6460]  }
0x300: {  	[tilespmem:s31+$0xFFFFFF60] =	vst.add.f32.msk $0xffff, v4  }
0x301: {  	[tilespmem:s31+$0xFFFFFEE0] =	vst.add.f32.msk $0xffff, v2  }
0x302: {  	v2 =	vld [tilespmem:s16+$0x6460]  }
0x303: {  	s18 =	simm.s32 $0x4;
	v1 =	vld [tilespmem:s17+$0x6460]  }
.LBB2_11:
0x304: {  	s4 =	sadd.s32 s18, s7;
	s18 =	sadd.s32 $0x4, s18;
	[tilespmem:s31+$0xFFFFFE70] =	vst.add.f32.msk $0xffff, v3  }
0x305: {  	s23 =	sadd.s32 $0x204, s4;
	s21 =	sadd.s32 $0x207, s4;
	p0 =	slt.u32 s18, $0x7C;
	v3 =	vld [tilespmem:s20+$0x6470]  }
0x306: {  	s20 =	sadd.s32 $0x205, s4;
	s4 =	sadd.s32 $0x206, s4;
	s24 =	sshll.u32 s21, $0x9;
	[tilespmem:s13+$0xFFFFFF80] =	vst.add.f32.msk $0xffff, v0  }
0x307: {  	s13 =	sshll.u32 s23, $0x9;
	p1 =	slt.u32 s21, $0xC8;
	s21 =	sadd.s32 $0xFFFE7000, s24;
	[tilespmem:s31+$0xFFFFFEF0] =	vst.add.f32.msk $0xffff, v2  }
0x308: {  	s25 =	sshll.u32 s20, $0x9;
	s26 =	sshll.u32 s4, $0x9;
	s21 =	smov.u32 @p1 s24;
	[tilespmem:s31+$0xFFFFFF70] =	vst.add.f32.msk $0xffff, v1  }
0x309: {  	s28 =	sadd.s32 $0xFFFE7000, s25;
	s24 =	sadd.s32 $0xFFFE7000, s13;
	s21 =	sshra.s32 s21, $0x2;
	v1 =	vld [tilespmem:s16+$0x6470]  }
0x30a: {  	p2 =	slt.u32 s20, $0xC8;
	p1 =	slt.u32 s23, $0xC8;
	s23 =	sadd.s32 $0xFFFE7000, s26;
	v2 =	vld [tilespmem:s21+$0x6400]  }
0x30b: {  	s28 =	smov.u32 @p2 s25;
	s24 =	smov.u32 @p1 s13;
	p1 =	slt.u32 s4, $0xC8;
	v0 =	vld [tilespmem:s17+$0x6470]  }
0x30c: {  	s16 =	sshra.s32 s28, $0x2;
	s20 =	sshra.s32 s24, $0x2;
	s23 =	smov.u32 @p1 s26;
	[tilespmem:s31+$0xFFFFFE80] =	vst.add.f32.msk $0xffff, v3  }
0x30d: {  	s13 =	smov.u32 s31;
	s17 =	sshra.s32 s23, $0x2;
	v3 =	vld [tilespmem:s20+$0x6400]  }
0x30e: {  	s31 =	sadd.s32 $0x200, s31;
	v4 =	vld [tilespmem:s16+$0x6400]  }
0x30f: {  	[tilespmem:s31+$0xFFFFFF90] =	vst.add.f32.msk $0xffff, v2  }
0x310: {  	v2 =	vld [tilespmem:s21+$0x6410]  }
0x311: {  	v5 =	vld [tilespmem:s17+$0x6400]  }
0x312: {  	[tilespmem:s31+$0xFFFFFE10] =	vst.add.f32.msk $0xffff, v3  }
0x313: {  	[tilespmem:s31+$0xFFFFFE90] =	vst.add.f32.msk $0xffff, v4  }
0x314: {  	v3 =	vld [tilespmem:s20+$0x6410]  }
0x315: {  	[tilespmem:s31+$0xFFFFFFA0] =	vst.add.f32.msk $0xffff, v2  }
0x316: {  	v2 =	vld [tilespmem:s21+$0x6420]  }
0x317: {  	[tilespmem:s31+$0xFFFFFF10] =	vst.add.f32.msk $0xffff, v5  }
0x318: {  	v4 =	vld [tilespmem:s16+$0x6410]  }
0x319: {  	v5 =	vld [tilespmem:s17+$0x6410]  }
0x31a: {  	[tilespmem:s31+$0xFFFFFE20] =	vst.add.f32.msk $0xffff, v3  }
0x31b: {  	[tilespmem:s31+$0xFFFFFFB0] =	vst.add.f32.msk $0xffff, v2  }
0x31c: {  	v2 =	vld [tilespmem:s21+$0x6430]  }
0x31d: {  	[tilespmem:s31+$0xFFFFFEA0] =	vst.add.f32.msk $0xffff, v4  }
0x31e: {  	[tilespmem:s31+$0xFFFFFF20] =	vst.add.f32.msk $0xffff, v5  }
0x31f: {  	v3 =	vld [tilespmem:s20+$0x6420]  }
0x320: {  	v4 =	vld [tilespmem:s16+$0x6420]  }
0x321: {  	[tilespmem:s31+$0xFFFFFFC0] =	vst.add.f32.msk $0xffff, v2  }
0x322: {  	v2 =	vld [tilespmem:s21+$0x6440]  }
0x323: {  	v5 =	vld [tilespmem:s17+$0x6420]  }
0x324: {  	[tilespmem:s31+$0xFFFFFE30] =	vst.add.f32.msk $0xffff, v3  }
0x325: {  	[tilespmem:s31+$0xFFFFFEB0] =	vst.add.f32.msk $0xffff, v4  }
0x326: {  	v3 =	vld [tilespmem:s20+$0x6430]  }
0x327: {  	[tilespmem:s31+$0xFFFFFFD0] =	vst.add.f32.msk $0xffff, v2  }
0x328: {  	v2 =	vld [tilespmem:s21+$0x6450]  }
0x329: {  	[tilespmem:s31+$0xFFFFFF30] =	vst.add.f32.msk $0xffff, v5  }
0x32a: {  	v4 =	vld [tilespmem:s16+$0x6430]  }
0x32b: {  	v5 =	vld [tilespmem:s17+$0x6430]  }
0x32c: {  	[tilespmem:s31+$0xFFFFFE40] =	vst.add.f32.msk $0xffff, v3  }
0x32d: {  	[tilespmem:s31+$0xFFFFFFE0] =	vst.add.f32.msk $0xffff, v2  }
0x32e: {  	v2 =	vld [tilespmem:s21+$0x6460]  }
0x32f: {  	[tilespmem:s31+$0xFFFFFEC0] =	vst.add.f32.msk $0xffff, v4  }
0x330: {  	[tilespmem:s31+$0xFFFFFF40] =	vst.add.f32.msk $0xffff, v5  }
0x331: {  	v3 =	vld [tilespmem:s20+$0x6440]  }
0x332: {  	v4 =	vld [tilespmem:s16+$0x6440]  }
0x333: {  	[tilespmem:s31+$0xFFFFFFF0] =	vst.add.f32.msk $0xffff, v2  }
0x334: {  	v2 =	vld [tilespmem:s21+$0x6470]  }
0x335: {  	v5 =	vld [tilespmem:s17+$0x6440]  }
0x336: {  	[tilespmem:s31+$0xFFFFFE50] =	vst.add.f32.msk $0xffff, v3  }
0x337: {  	[tilespmem:s31+$0xFFFFFED0] =	vst.add.f32.msk $0xffff, v4  }
0x338: {  	v3 =	vld [tilespmem:s20+$0x6450]  }
0x339: {  	[tilespmem:s31+$0x0] =	vst.add.f32.msk $0xffff, v2  }
0x33a: {  	[tilespmem:s31+$0xFFFFFF50] =	vst.add.f32.msk $0xffff, v5  }
0x33b: {  	v2 =	vld [tilespmem:s16+$0x6450]  }
0x33c: {  	v4 =	vld [tilespmem:s17+$0x6450]  }
0x33d: {  	[tilespmem:s31+$0xFFFFFE60] =	vst.add.f32.msk $0xffff, v3  }
0x33e: {  	v3 =	vld [tilespmem:s20+$0x6460]  }
.Ltmp4:
0x33f: {  	[tilespmem:s13+$0xFFFFFF00] =	vst.add.f32.msk $0xffff, v1;
	(pc) =	sbr.rel @p0 .LBB2_11-.Ltmp4, $4  }
0x340: {  	[tilespmem:s31+$0xFFFFFEE0] =	vst.add.f32.msk $0xffff, v2  }
0x341: {  	[tilespmem:s31+$0xFFFFFF60] =	vst.add.f32.msk $0xffff, v4  }
0x342: {  	v2 =	vld [tilespmem:s16+$0x6460]  }
0x343: {  	v1 =	vld [tilespmem:s17+$0x6460]  }
0x344: {  	_ = 	snop  }
0x345: {  	[tilespmem:s31+$0xFFFFFE70] =	vst.add.f32.msk $0xffff, v3  }
0x346: {  	v3 =	vld [tilespmem:s20+$0x6470]  }
0x347: {  	[tilespmem:s31+$0xFFFFFEF0] =	vst.add.f32.msk $0xffff, v2  }
0x348: {  	[tilespmem:s31+$0xFFFFFF70] =	vst.add.f32.msk $0xffff, v1  }
0x349: {  	v1 =	vld [tilespmem:s16+$0x6470]  }
0x34a: {  	v2 =	vld [tilespmem:s17+$0x6470];
	_ =	sdelay $0x1  }
0x34b: {  	[tilespmem:s13+$0xFFFFFF80] =	vst.add.f32.msk $0xffff, v0  }
0x34c: {  	s4 =	sadd.s32 s5, s11;
	s25 =	simm.s32 $0x7;
	s11 =	sadd.s32 $0x300, s9;
	[tilespmem:s31+$0xFFFFFE80] =	vst.add.f32.msk $0xffff, v3  }
0x34d: {  	s26 =	simm.s32 $0x14800;
	s28 =	sadd.s32 $0xFFFFFFFC, s10;
	s4 =	sshll.u32 s4, $0x4;
	[tilespmem:s31+$0xFFFFFF00] =	vst.add.f32.msk $0xffff, v1  }
0x34e: {  	s7 =	sadd.s32 $0x287, s28;
	s4 =	sadd.s32 s29, s4;
	[tilespmem:s31+$0xFFFFFF80] =	vst.add.f32.msk $0xffff, v2;
	s31 =	simm.s32 $0xC800  }
0x34f: {  	[hbm4b:s4+s1] =	stream.linear.scatter [tilespmem:s31], [sflag:$0x5], $0x4000, $0x38;
	[tilespmem:$0x1C800] =	vst v63  }
0x350: {  	s20 =	simm.s32 $0x2;
	s21 =	sadd.s32 $0x284, s28;
	_ =	swait.ge [sflag:s25], $0x4000  }
0x351: {  	s23 =	sadd.s32 $0x285, s28;
	s13 =	sshll.u32 s7, $0x9;
	[sflag:s25] =	ssyncset.done $0x0  }
0x352: {  	p0 =	slt.u32 s7, $0xC8;
	s7 =	sadd.s32 $0xFFFE7000, s13;
	[sflag:s25] =	ssyncadd.s32 $0xFFFFC000  }
0x353: {  	[tilespmem:s26], [sflag:$0x3] =	stream.indirect.gather [hbm4b:s30+s15], $0x80, s11, s15, $0xb8;
	[tilespmem:$0x1C800] =	vst v63  }
0x354: {  	p1 =	slt.u32 s23, $0xC8;
	s7 =	smov.u32 @p0 s13;
	_ =	swait.ge [sflag:s20], $0x4000  }
0x355: {  	s18 =	sshra.s32 s7, $0x2;
	s7 =	sshll.u32 s23, $0x9;
	[sflag:s20] =	ssyncset.done $0x0  }
0x356: {  	s17 =	sshll.u32 s21, $0x9;
	s16 =	sadd.s32 $0xFFFE7000, s7;
	[sflag:s20] =	ssyncadd.s32 $0xFFFFC000  }
0x357: {  	p0 =	slt.u32 s21, $0xC8;
	s16 =	smov.u32 @p1 s7;
	s20 =	sadd.s32 $0xFFFE7000, s17;
	v0 =	vld [tilespmem:s18+$0x6400]  }
0x358: {  	s24 =	sshra.s32 s16, $0x2;
	s4 =	sadd.s32 $0x286, s28;
	s20 =	smov.u32 @p0 s17  }
0x359: {  	v2 =	vld [tilespmem:s24+$0x6400];
	s17 =	sshra.s32 s20, $0x2;
	s20 =	sshll.u32 s4, $0x9  }
0x35a: {  	p0 =	slt.u32 s4, $0xC8;
	s16 =	sadd.s32 $0xFFFE7000, s20  }
0x35b: {  	s7 =	simm.s32 $0x109F0;
	v1 =	vld [tilespmem:s17+$0x6400];
	s16 =	smov.u32 @p0 s20  }
0x35c: {  	s16 =	sshra.s32 s16, $0x2;
	[tilespmem:s7+$0xFFFFFF90] =	vst.add.f32.msk $0xffff, v0  }
0x35d: {  	v3 =	vld [tilespmem:s16+$0x6400]  }
0x35e: {  	[tilespmem:s7+$0xFFFFFE90] =	vst.add.f32.msk $0xffff, v2  }
0x35f: {  	v0 =	vld [tilespmem:s18+$0x6410]  }
0x360: {  	v2 =	vld [tilespmem:s24+$0x6410]  }
0x361: {  	[tilespmem:s7+$0xFFFFFE10] =	vst.add.f32.msk $0xffff, v1  }
0x362: {  	v1 =	vld [tilespmem:s17+$0x6410]  }
0x363: {  	[tilespmem:s7+$0xFFFFFF10] =	vst.add.f32.msk $0xffff, v3  }
0x364: {  	[tilespmem:s7+$0xFFFFFFA0] =	vst.add.f32.msk $0xffff, v0  }
0x365: {  	v3 =	vld [tilespmem:s16+$0x6410]  }
0x366: {  	[tilespmem:s7+$0xFFFFFEA0] =	vst.add.f32.msk $0xffff, v2  }
0x367: {  	v0 =	vld [tilespmem:s18+$0x6420]  }
0x368: {  	v2 =	vld [tilespmem:s24+$0x6420]  }
0x369: {  	[tilespmem:s7+$0xFFFFFE20] =	vst.add.f32.msk $0xffff, v1  }
0x36a: {  	v1 =	vld [tilespmem:s17+$0x6420]  }
0x36b: {  	[tilespmem:s7+$0xFFFFFF20] =	vst.add.f32.msk $0xffff, v3  }
0x36c: {  	[tilespmem:s7+$0xFFFFFFB0] =	vst.add.f32.msk $0xffff, v0  }
0x36d: {  	v3 =	vld [tilespmem:s16+$0x6420]  }
0x36e: {  	[tilespmem:s7+$0xFFFFFEB0] =	vst.add.f32.msk $0xffff, v2  }
0x36f: {  	v0 =	vld [tilespmem:s18+$0x6430]  }
0x370: {  	v2 =	vld [tilespmem:s24+$0x6430]  }
0x371: {  	[tilespmem:s7+$0xFFFFFE30] =	vst.add.f32.msk $0xffff, v1  }
0x372: {  	v1 =	vld [tilespmem:s17+$0x6430]  }
0x373: {  	[tilespmem:s7+$0xFFFFFF30] =	vst.add.f32.msk $0xffff, v3  }
0x374: {  	[tilespmem:s7+$0xFFFFFFC0] =	vst.add.f32.msk $0xffff, v0  }
0x375: {  	v3 =	vld [tilespmem:s16+$0x6430]  }
0x376: {  	[tilespmem:s7+$0xFFFFFEC0] =	vst.add.f32.msk $0xffff, v2  }
0x377: {  	v0 =	vld [tilespmem:s18+$0x6440]  }
0x378: {  	v2 =	vld [tilespmem:s24+$0x6440]  }
0x379: {  	[tilespmem:s7+$0xFFFFFE40] =	vst.add.f32.msk $0xffff, v1  }
0x37a: {  	v1 =	vld [tilespmem:s17+$0x6440]  }
0x37b: {  	[tilespmem:s7+$0xFFFFFF40] =	vst.add.f32.msk $0xffff, v3  }
0x37c: {  	[tilespmem:s7+$0xFFFFFFD0] =	vst.add.f32.msk $0xffff, v0  }
0x37d: {  	v0 =	vld [tilespmem:s18+$0x6450]  }
0x37e: {  	v3 =	vld [tilespmem:s16+$0x6440]  }
0x37f: {  	[tilespmem:s7+$0xFFFFFED0] =	vst.add.f32.msk $0xffff, v2  }
0x380: {  	[tilespmem:s7+$0xFFFFFE50] =	vst.add.f32.msk $0xffff, v1  }
0x381: {  	v1 =	vld [tilespmem:s24+$0x6450]  }
0x382: {  	[tilespmem:s7+$0xFFFFFFE0] =	vst.add.f32.msk $0xffff, v0  }
0x383: {  	v0 =	vld [tilespmem:s18+$0x6460];
	_ =	sdelay $0x1  }
0x384: {  	[tilespmem:s7+$0xFFFFFF50] =	vst.add.f32.msk $0xffff, v3  }
0x385: {  	v2 =	vld [tilespmem:s16+$0x6450]  }
0x386: {  	[tilespmem:s7+$0xFFFFFEE0] =	vst.add.f32.msk $0xffff, v1  }
0x387: {  	[tilespmem:s7+$0xFFFFFFF0] =	vst.add.f32.msk $0xffff, v0  }
0x388: {  	v0 =	vld [tilespmem:s17+$0x6450]  }
0x389: {  	v1 =	vld [tilespmem:s24+$0x6460]  }
0x38a: {  	[tilespmem:s7+$0xFFFFFF60] =	vst.add.f32.msk $0xffff, v2  }
0x38b: {  	v2 =	vld [tilespmem:s16+$0x6460]  }
0x38c: {  	v3 =	vld [tilespmem:s18+$0x6470]  }
0x38d: {  	[tilespmem:s7+$0xFFFFFE60] =	vst.add.f32.msk $0xffff, v0  }
0x38e: {  	v0 =	vld [tilespmem:s17+$0x6460]  }
0x38f: {  	[tilespmem:s7+$0xFFFFFEF0] =	vst.add.f32.msk $0xffff, v1  }
0x390: {  	s4 =	sadd.s32 $0x0, s10;
	v1 =	vld [tilespmem:s24+$0x6470]  }
0x391: {  	s28 =	sadd.s32 $0x285, s4;
	[tilespmem:s7+$0xFFFFFF70] =	vst.add.f32.msk $0xffff, v2  }
0x392: {  	s13 =	sshll.u32 s28, $0x9;
	[tilespmem:s7+$0x0] =	vst.add.f32.msk $0xffff, v3  }
0x393: {  	s25 =	sadd.s32 $0x287, s4;
	p1 =	slt.u32 s28, $0xC8;
	s24 =	sadd.s32 $0xFFFE7000, s13;
	[tilespmem:s7+$0xFFFFFE70] =	vst.add.f32.msk $0xffff, v0  }
0x394: {  	s26 =	sadd.s32 $0x284, s4;
	s24 =	smov.u32 @p1 s13;
	v3 =	vld [tilespmem:s17+$0x6470];
	s17 =	sshll.u32 s25, $0x9  }
0x395: {  	p0 =	slt.u32 s25, $0xC8;
	v0 =	vld [tilespmem:s16+$0x6470];
	s16 =	sshra.s32 s24, $0x2;
	s18 =	sadd.s32 $0xFFFE7000, s17  }
0x396: {  	s4 =	sadd.s32 $0x286, s4;
	s21 =	sshll.u32 s26, $0x9;
	v4 =	vld [tilespmem:s16+$0x6400];
	s18 =	smov.u32 @p0 s17  }
0x397: {  	s23 =	sadd.s32 $0xFFFE7000, s21;
	p0 =	slt.u32 s26, $0xC8;
	s18 =	sshra.s32 s18, $0x2  }
0x398: {  	s17 =	sshll.u32 s4, $0x9;
	s23 =	smov.u32 @p0 s21;
	v2 =	vld [tilespmem:s18+$0x6400]  }
0x399: {  	s21 =	sadd.s32 $0xFFFE7000, s17;
	p0 =	slt.u32 s4, $0xC8;
	s20 =	sshra.s32 s23, $0x2;
	[tilespmem:s7+$0xFFFFFE80] =	vst.add.f32.msk $0xffff, v3  }
0x39a: {  	s13 =	simm.s32 $0x10BF0;
	s21 =	smov.u32 @p0 s17;
	v3 =	vld [tilespmem:s20+$0x6400]  }
0x39b: {  	s17 =	sshra.s32 s21, $0x2;
	[tilespmem:s13+$0xFFFFFE90] =	vst.add.f32.msk $0xffff, v4  }
0x39c: {  	v5 =	vld [tilespmem:s17+$0x6400]  }
0x39d: {  	[tilespmem:s13+$0xFFFFFF90] =	vst.add.f32.msk $0xffff, v2  }
0x39e: {  	v2 =	vld [tilespmem:s18+$0x6410]  }
0x39f: {  	v4 =	vld [tilespmem:s16+$0x6410]  }
0x3a0: {  	[tilespmem:s13+$0xFFFFFE10] =	vst.add.f32.msk $0xffff, v3  }
0x3a1: {  	v3 =	vld [tilespmem:s20+$0x6410]  }
0x3a2: {  	[tilespmem:s13+$0xFFFFFF10] =	vst.add.f32.msk $0xffff, v5  }
0x3a3: {  	[tilespmem:s13+$0xFFFFFFA0] =	vst.add.f32.msk $0xffff, v2  }
0x3a4: {  	v2 =	vld [tilespmem:s18+$0x6420]  }
0x3a5: {  	[tilespmem:s13+$0xFFFFFEA0] =	vst.add.f32.msk $0xffff, v4  }
0x3a6: {  	v5 =	vld [tilespmem:s17+$0x6410]  }
0x3a7: {  	v4 =	vld [tilespmem:s16+$0x6420]  }
0x3a8: {  	[tilespmem:s13+$0xFFFFFE20] =	vst.add.f32.msk $0xffff, v3  }
0x3a9: {  	[tilespmem:s13+$0xFFFFFFB0] =	vst.add.f32.msk $0xffff, v2  }
0x3aa: {  	v2 =	vld [tilespmem:s18+$0x6430]  }
0x3ab: {  	[tilespmem:s13+$0xFFFFFF20] =	vst.add.f32.msk $0xffff, v5  }
0x3ac: {  	v3 =	vld [tilespmem:s20+$0x6420]  }
0x3ad: {  	[tilespmem:s13+$0xFFFFFEB0] =	vst.add.f32.msk $0xffff, v4  }
0x3ae: {  	v5 =	vld [tilespmem:s17+$0x6420]  }
0x3af: {  	[tilespmem:s13+$0xFFFFFFC0] =	vst.add.f32.msk $0xffff, v2  }
0x3b0: {  	v2 =	vld [tilespmem:s18+$0x6440]  }
0x3b1: {  	v4 =	vld [tilespmem:s16+$0x6430]  }
0x3b2: {  	[tilespmem:s13+$0xFFFFFE30] =	vst.add.f32.msk $0xffff, v3  }
0x3b3: {  	v3 =	vld [tilespmem:s20+$0x6430]  }
0x3b4: {  	[tilespmem:s13+$0xFFFFFF30] =	vst.add.f32.msk $0xffff, v5  }
0x3b5: {  	[tilespmem:s13+$0xFFFFFFD0] =	vst.add.f32.msk $0xffff, v2  }
0x3b6: {  	v2 =	vld [tilespmem:s18+$0x6450]  }
0x3b7: {  	[tilespmem:s13+$0xFFFFFEC0] =	vst.add.f32.msk $0xffff, v4  }
0x3b8: {  	v5 =	vld [tilespmem:s17+$0x6430]  }
0x3b9: {  	v4 =	vld [tilespmem:s16+$0x6440]  }
0x3ba: {  	[tilespmem:s13+$0xFFFFFE40] =	vst.add.f32.msk $0xffff, v3  }
0x3bb: {  	[tilespmem:s13+$0xFFFFFFE0] =	vst.add.f32.msk $0xffff, v2  }
0x3bc: {  	v2 =	vld [tilespmem:s18+$0x6460]  }
0x3bd: {  	[tilespmem:s13+$0xFFFFFF40] =	vst.add.f32.msk $0xffff, v5  }
0x3be: {  	v3 =	vld [tilespmem:s20+$0x6440]  }
0x3bf: {  	[tilespmem:s13+$0xFFFFFED0] =	vst.add.f32.msk $0xffff, v4  }
0x3c0: {  	v5 =	vld [tilespmem:s17+$0x6440]  }
0x3c1: {  	[tilespmem:s13+$0xFFFFFFF0] =	vst.add.f32.msk $0xffff, v2  }
0x3c2: {  	v2 =	vld [tilespmem:s18+$0x6470]  }
0x3c3: {  	[tilespmem:s13+$0xFFFFFE50] =	vst.add.f32.msk $0xffff, v3  }
0x3c4: {  	v3 =	vld [tilespmem:s20+$0x6450]  }
0x3c5: {  	[tilespmem:s13+$0xFFFFFF50] =	vst.add.f32.msk $0xffff, v5  }
0x3c6: {  	v4 =	vld [tilespmem:s17+$0x6450]  }
0x3c7: {  	[tilespmem:s13+$0x0] =	vst.add.f32.msk $0xffff, v2  }
0x3c8: {  	v2 =	vld [tilespmem:s16+$0x6450]  }
0x3c9: {  	[tilespmem:s7+$0xFFFFFF00] =	vst.add.f32.msk $0xffff, v1  }
0x3ca: {  	[tilespmem:s13+$0xFFFFFE60] =	vst.add.f32.msk $0xffff, v3  }
0x3cb: {  	v3 =	vld [tilespmem:s20+$0x6460]  }
0x3cc: {  	[tilespmem:s13+$0xFFFFFF60] =	vst.add.f32.msk $0xffff, v4  }
0x3cd: {  	[tilespmem:s13+$0xFFFFFEE0] =	vst.add.f32.msk $0xffff, v2  }
0x3ce: {  	v2 =	vld [tilespmem:s16+$0x6460]  }
0x3cf: {  	v1 =	vld [tilespmem:s17+$0x6460];
	s18 =	simm.s32 $0x4  }
.LBB2_13:
0x3d0: {  	s4 =	sadd.s32 s18, s10;
	s18 =	sadd.s32 $0x4, s18;
	[tilespmem:s13+$0xFFFFFE70] =	vst.add.f32.msk $0xffff, v3  }
0x3d1: {  	s23 =	sadd.s32 $0x284, s4;
	s21 =	sadd.s32 $0x287, s4;
	p0 =	slt.u32 s18, $0x7C;
	v3 =	vld [tilespmem:s20+$0x6470]  }
0x3d2: {  	s20 =	sadd.s32 $0x285, s4;
	s4 =	sadd.s32 $0x286, s4;
	s24 =	sshll.u32 s21, $0x9;
	[tilespmem:s7+$0xFFFFFF80] =	vst.add.f32.msk $0xffff, v0  }
0x3d3: {  	s7 =	sshll.u32 s23, $0x9;
	p1 =	slt.u32 s21, $0xC8;
	s21 =	sadd.s32 $0xFFFE7000, s24;
	[tilespmem:s13+$0xFFFFFEF0] =	vst.add.f32.msk $0xffff, v2  }
0x3d4: {  	s25 =	sshll.u32 s20, $0x9;
	s26 =	sshll.u32 s4, $0x9;
	s21 =	smov.u32 @p1 s24;
	[tilespmem:s13+$0xFFFFFF70] =	vst.add.f32.msk $0xffff, v1  }
0x3d5: {  	s28 =	sadd.s32 $0xFFFE7000, s25;
	s24 =	sadd.s32 $0xFFFE7000, s7;
	s21 =	sshra.s32 s21, $0x2;
	v1 =	vld [tilespmem:s16+$0x6470]  }
0x3d6: {  	p2 =	slt.u32 s20, $0xC8;
	p1 =	slt.u32 s23, $0xC8;
	s23 =	sadd.s32 $0xFFFE7000, s26;
	v2 =	vld [tilespmem:s21+$0x6400]  }
0x3d7: {  	s28 =	smov.u32 @p2 s25;
	s24 =	smov.u32 @p1 s7;
	p1 =	slt.u32 s4, $0xC8;
	v0 =	vld [tilespmem:s17+$0x6470]  }
0x3d8: {  	s16 =	sshra.s32 s28, $0x2;
	s20 =	sshra.s32 s24, $0x2;
	s23 =	smov.u32 @p1 s26;
	[tilespmem:s13+$0xFFFFFE80] =	vst.add.f32.msk $0xffff, v3  }
0x3d9: {  	s7 =	smov.u32 s13;
	s17 =	sshra.s32 s23, $0x2;
	v3 =	vld [tilespmem:s20+$0x6400]  }
0x3da: {  	s13 =	sadd.s32 $0x200, s13;
	v4 =	vld [tilespmem:s16+$0x6400]  }
0x3db: {  	[tilespmem:s13+$0xFFFFFF90] =	vst.add.f32.msk $0xffff, v2  }
0x3dc: {  	v2 =	vld [tilespmem:s21+$0x6410]  }
0x3dd: {  	v5 =	vld [tilespmem:s17+$0x6400]  }
0x3de: {  	[tilespmem:s13+$0xFFFFFE10] =	vst.add.f32.msk $0xffff, v3  }
0x3df: {  	[tilespmem:s13+$0xFFFFFE90] =	vst.add.f32.msk $0xffff, v4  }
0x3e0: {  	v3 =	vld [tilespmem:s20+$0x6410]  }
0x3e1: {  	[tilespmem:s13+$0xFFFFFFA0] =	vst.add.f32.msk $0xffff, v2  }
0x3e2: {  	v2 =	vld [tilespmem:s21+$0x6420]  }
0x3e3: {  	[tilespmem:s13+$0xFFFFFF10] =	vst.add.f32.msk $0xffff, v5  }
0x3e4: {  	v4 =	vld [tilespmem:s16+$0x6410]  }
0x3e5: {  	v5 =	vld [tilespmem:s17+$0x6410]  }
0x3e6: {  	[tilespmem:s13+$0xFFFFFE20] =	vst.add.f32.msk $0xffff, v3  }
0x3e7: {  	[tilespmem:s13+$0xFFFFFFB0] =	vst.add.f32.msk $0xffff, v2  }
0x3e8: {  	v2 =	vld [tilespmem:s21+$0x6430]  }
0x3e9: {  	[tilespmem:s13+$0xFFFFFEA0] =	vst.add.f32.msk $0xffff, v4  }
0x3ea: {  	[tilespmem:s13+$0xFFFFFF20] =	vst.add.f32.msk $0xffff, v5  }
0x3eb: {  	v3 =	vld [tilespmem:s20+$0x6420]  }
0x3ec: {  	v4 =	vld [tilespmem:s16+$0x6420]  }
0x3ed: {  	[tilespmem:s13+$0xFFFFFFC0] =	vst.add.f32.msk $0xffff, v2  }
0x3ee: {  	v2 =	vld [tilespmem:s21+$0x6440]  }
0x3ef: {  	v5 =	vld [tilespmem:s17+$0x6420]  }
0x3f0: {  	[tilespmem:s13+$0xFFFFFE30] =	vst.add.f32.msk $0xffff, v3  }
0x3f1: {  	[tilespmem:s13+$0xFFFFFEB0] =	vst.add.f32.msk $0xffff, v4  }
0x3f2: {  	v3 =	vld [tilespmem:s20+$0x6430]  }
0x3f3: {  	[tilespmem:s13+$0xFFFFFFD0] =	vst.add.f32.msk $0xffff, v2  }
0x3f4: {  	v2 =	vld [tilespmem:s21+$0x6450]  }
0x3f5: {  	[tilespmem:s13+$0xFFFFFF30] =	vst.add.f32.msk $0xffff, v5  }
0x3f6: {  	v4 =	vld [tilespmem:s16+$0x6430]  }
0x3f7: {  	v5 =	vld [tilespmem:s17+$0x6430]  }
0x3f8: {  	[tilespmem:s13+$0xFFFFFE40] =	vst.add.f32.msk $0xffff, v3  }
0x3f9: {  	[tilespmem:s13+$0xFFFFFFE0] =	vst.add.f32.msk $0xffff, v2  }
0x3fa: {  	v2 =	vld [tilespmem:s21+$0x6460]  }
0x3fb: {  	[tilespmem:s13+$0xFFFFFEC0] =	vst.add.f32.msk $0xffff, v4  }
0x3fc: {  	[tilespmem:s13+$0xFFFFFF40] =	vst.add.f32.msk $0xffff, v5  }
0x3fd: {  	v3 =	vld [tilespmem:s20+$0x6440]  }
0x3fe: {  	v4 =	vld [tilespmem:s16+$0x6440]  }
0x3ff: {  	[tilespmem:s13+$0xFFFFFFF0] =	vst.add.f32.msk $0xffff, v2  }
0x400: {  	v2 =	vld [tilespmem:s21+$0x6470]  }
0x401: {  	v5 =	vld [tilespmem:s17+$0x6440]  }
0x402: {  	[tilespmem:s13+$0xFFFFFE50] =	vst.add.f32.msk $0xffff, v3  }
0x403: {  	[tilespmem:s13+$0xFFFFFED0] =	vst.add.f32.msk $0xffff, v4  }
0x404: {  	v3 =	vld [tilespmem:s20+$0x6450]  }
0x405: {  	[tilespmem:s13+$0x0] =	vst.add.f32.msk $0xffff, v2  }
0x406: {  	[tilespmem:s13+$0xFFFFFF50] =	vst.add.f32.msk $0xffff, v5  }
0x407: {  	v2 =	vld [tilespmem:s16+$0x6450]  }
0x408: {  	v4 =	vld [tilespmem:s17+$0x6450]  }
0x409: {  	[tilespmem:s13+$0xFFFFFE60] =	vst.add.f32.msk $0xffff, v3  }
0x40a: {  	v3 =	vld [tilespmem:s20+$0x6460]  }
.Ltmp5:
0x40b: {  	[tilespmem:s7+$0xFFFFFF00] =	vst.add.f32.msk $0xffff, v1;
	(pc) =	sbr.rel @p0 .LBB2_13-.Ltmp5, $4  }
0x40c: {  	[tilespmem:s13+$0xFFFFFEE0] =	vst.add.f32.msk $0xffff, v2  }
0x40d: {  	[tilespmem:s13+$0xFFFFFF60] =	vst.add.f32.msk $0xffff, v4  }
0x40e: {  	v2 =	vld [tilespmem:s16+$0x6460]  }
0x40f: {  	v1 =	vld [tilespmem:s17+$0x6460]  }
0x410: {  	_ = 	snop  }
0x411: {  	[tilespmem:s13+$0xFFFFFE70] =	vst.add.f32.msk $0xffff, v3  }
0x412: {  	v3 =	vld [tilespmem:s20+$0x6470]  }
0x413: {  	[tilespmem:s13+$0xFFFFFEF0] =	vst.add.f32.msk $0xffff, v2  }
0x414: {  	[tilespmem:s13+$0xFFFFFF70] =	vst.add.f32.msk $0xffff, v1  }
0x415: {  	v1 =	vld [tilespmem:s16+$0x6470]  }
0x416: {  	v2 =	vld [tilespmem:s17+$0x6470];
	_ =	sdelay $0x1  }
0x417: {  	[tilespmem:s7+$0xFFFFFF80] =	vst.add.f32.msk $0xffff, v0  }
0x418: {  	s4 =	sadd.s32 s5, s12;
	[tilespmem:s13+$0xFFFFFE80] =	vst.add.f32.msk $0xffff, v3  }
0x419: {  	s4 =	sshll.u32 s4, $0x4;
	[tilespmem:s13+$0xFFFFFF00] =	vst.add.f32.msk $0xffff, v1  }
0x41a: {  	s10 =	sand.u32 $0x3FFFFE00, s9;
	s4 =	sadd.s32 s29, s4;
	[tilespmem:s13+$0xFFFFFF80] =	vst.add.f32.msk $0xffff, v2  }
0x41b: {  	[hbm4b:s4+s1] =	stream.linear.scatter [tilespmem:s6], [sflag:$0x6], $0x4000, $0x38;
	[tilespmem:$0x1C800] =	vst v63  }
0x41c: {  	s12 =	simm.s32 $0x18800;
	s13 =	sadd.s32 $0xFFFFFFFC, s8;
	s4 =	simm.s32 $0x8  }
0x41d: {  	s17 =	sadd.s32 $0x307, s13;
	s18 =	sadd.s32 $0x304, s13;
	s20 =	sadd.s32 $0x305, s13  }
0x41e: {  	_ =	swait.ge [sflag:s4], $0x4000;
	s9 =	sshll.u32 s17, $0x9;
	p0 =	slt.u32 s17, $0xC8  }
0x41f: {  	p1 =	slt.u32 s20, $0xC8;
	[sflag:s4] =	ssyncset.done $0x0;
	s7 =	sadd.s32 $0xFFFE7000, s9  }
0x420: {  	[sflag:s4] =	ssyncadd.s32 $0xFFFFC000;
	s4 =	sadd.s32 $0x380, s10;
	s10 =	simm.s32 $0x3  }
0x421: {  	[tilespmem:s12], [sflag:$0x4] =	stream.indirect.gather [hbm4b:s30+s15], $0x80, s4, s15, $0xb8;
	[tilespmem:$0x1C800] =	vst v63  }
0x422: {  	s7 =	smov.u32 @p0 s9;
	p0 =	slt.u32 s18, $0xC8;
	s12 =	sshll.u32 s18, $0x9  }
0x423: {  	s21 =	sshra.s32 s7, $0x2;
	s7 =	sshll.u32 s20, $0x9;
	_ =	swait.ge [sflag:s10], $0x4000  }
0x424: {  	s4 =	sadd.s32 $0x306, s13;
	s16 =	sadd.s32 $0xFFFE7000, s12;
	[sflag:s10] =	ssyncset.done $0x0  }
0x425: {  	s16 =	smov.u32 @p0 s12;
	[sflag:s10] =	ssyncadd.s32 $0xFFFFC000;
	s10 =	sadd.s32 $0xFFFE7000, s7  }
0x426: {  	s12 =	sshra.s32 s16, $0x2;
	s16 =	sshll.u32 s4, $0x9;
	v0 =	vld [tilespmem:s21+$0x6400];
	s10 =	smov.u32 @p1 s7  }
0x427: {  	p0 =	slt.u32 s4, $0xC8;
	v1 =	vld [tilespmem:s12+$0x6400];
	s23 =	sshra.s32 s10, $0x2;
	s10 =	sadd.s32 $0xFFFE7000, s16  }
0x428: {  	s10 =	smov.u32 @p0 s16  }
0x429: {  	v2 =	vld [tilespmem:s23+$0x6400];
	s10 =	sshra.s32 s10, $0x2  }
0x42a: {  	s7 =	simm.s32 $0x149F0;
	v3 =	vld [tilespmem:s10+$0x6400]  }
0x42b: {  	[tilespmem:s7+$0xFFFFFF90] =	vst.add.f32.msk $0xffff, v0  }
0x42c: {  	[tilespmem:s7+$0xFFFFFE10] =	vst.add.f32.msk $0xffff, v1  }
0x42d: {  	v0 =	vld [tilespmem:s21+$0x6410]  }
0x42e: {  	v1 =	vld [tilespmem:s12+$0x6410]  }
0x42f: {  	[tilespmem:s7+$0xFFFFFE90] =	vst.add.f32.msk $0xffff, v2  }
0x430: {  	v2 =	vld [tilespmem:s23+$0x6410]  }
0x431: {  	[tilespmem:s7+$0xFFFFFF10] =	vst.add.f32.msk $0xffff, v3  }
0x432: {  	v3 =	vld [tilespmem:s10+$0x6410]  }
0x433: {  	[tilespmem:s7+$0xFFFFFFA0] =	vst.add.f32.msk $0xffff, v0  }
0x434: {  	[tilespmem:s7+$0xFFFFFE20] =	vst.add.f32.msk $0xffff, v1  }
0x435: {  	v0 =	vld [tilespmem:s21+$0x6420]  }
0x436: {  	v1 =	vld [tilespmem:s12+$0x6420]  }
0x437: {  	[tilespmem:s7+$0xFFFFFEA0] =	vst.add.f32.msk $0xffff, v2  }
0x438: {  	v2 =	vld [tilespmem:s23+$0x6420]  }
0x439: {  	[tilespmem:s7+$0xFFFFFF20] =	vst.add.f32.msk $0xffff, v3  }
0x43a: {  	v3 =	vld [tilespmem:s10+$0x6420]  }
0x43b: {  	[tilespmem:s7+$0xFFFFFFB0] =	vst.add.f32.msk $0xffff, v0  }
0x43c: {  	v0 =	vld [tilespmem:s21+$0x6430]  }
0x43d: {  	[tilespmem:s7+$0xFFFFFE30] =	vst.add.f32.msk $0xffff, v1  }
0x43e: {  	v1 =	vld [tilespmem:s12+$0x6430]  }
0x43f: {  	[tilespmem:s7+$0xFFFFFEB0] =	vst.add.f32.msk $0xffff, v2  }
0x440: {  	v2 =	vld [tilespmem:s23+$0x6430]  }
0x441: {  	[tilespmem:s7+$0xFFFFFFC0] =	vst.add.f32.msk $0xffff, v0  }
0x442: {  	v0 =	vld [tilespmem:s21+$0x6440]  }
0x443: {  	[tilespmem:s7+$0xFFFFFF30] =	vst.add.f32.msk $0xffff, v3  }
0x444: {  	v3 =	vld [tilespmem:s10+$0x6430]  }
0x445: {  	[tilespmem:s7+$0xFFFFFE40] =	vst.add.f32.msk $0xffff, v1  }
0x446: {  	[tilespmem:s7+$0xFFFFFEC0] =	vst.add.f32.msk $0xffff, v2  }
0x447: {  	[tilespmem:s7+$0xFFFFFFD0] =	vst.add.f32.msk $0xffff, v0  }
0x448: {  	v0 =	vld [tilespmem:s21+$0x6450]  }
0x449: {  	v2 =	vld [tilespmem:s23+$0x6440]  }
0x44a: {  	[tilespmem:s7+$0xFFFFFF40] =	vst.add.f32.msk $0xffff, v3  }
0x44b: {  	v3 =	vld [tilespmem:s10+$0x6440]  }
0x44c: {  	v1 =	vld [tilespmem:s12+$0x6440]  }
0x44d: {  	[tilespmem:s7+$0xFFFFFFE0] =	vst.add.f32.msk $0xffff, v0  }
0x44e: {  	v0 =	vld [tilespmem:s21+$0x6460]  }
0x44f: {  	[tilespmem:s7+$0xFFFFFED0] =	vst.add.f32.msk $0xffff, v2  }
0x450: {  	[tilespmem:s7+$0xFFFFFF50] =	vst.add.f32.msk $0xffff, v3  }
0x451: {  	v2 =	vld [tilespmem:s10+$0x6450]  }
0x452: {  	[tilespmem:s7+$0xFFFFFE50] =	vst.add.f32.msk $0xffff, v1  }
0x453: {  	[tilespmem:s7+$0xFFFFFFF0] =	vst.add.f32.msk $0xffff, v0  }
0x454: {  	v0 =	vld [tilespmem:s12+$0x6450]  }
0x455: {  	v1 =	vld [tilespmem:s23+$0x6450]  }
0x456: {  	[tilespmem:s7+$0xFFFFFF60] =	vst.add.f32.msk $0xffff, v2  }
0x457: {  	v2 =	vld [tilespmem:s10+$0x6460]  }
0x458: {  	v3 =	vld [tilespmem:s21+$0x6470]  }
0x459: {  	[tilespmem:s7+$0xFFFFFE60] =	vst.add.f32.msk $0xffff, v0  }
0x45a: {  	v0 =	vld [tilespmem:s12+$0x6460]  }
0x45b: {  	[tilespmem:s7+$0xFFFFFEE0] =	vst.add.f32.msk $0xffff, v1  }
0x45c: {  	s24 =	sadd.s32 $0x0, s8;
	v1 =	vld [tilespmem:s23+$0x6460]  }
0x45d: {  	s28 =	sadd.s32 $0x305, s24;
	[tilespmem:s7+$0xFFFFFF70] =	vst.add.f32.msk $0xffff, v2  }
0x45e: {  	s9 =	sshll.u32 s28, $0x9;
	[tilespmem:s7+$0x0] =	vst.add.f32.msk $0xffff, v3  }
0x45f: {  	p1 =	slt.u32 s28, $0xC8;
	s16 =	sadd.s32 $0xFFFE7000, s9;
	[tilespmem:s7+$0xFFFFFE70] =	vst.add.f32.msk $0xffff, v0  }
0x460: {  	s25 =	sadd.s32 $0x307, s24;
	s16 =	smov.u32 @p1 s9;
	v0 =	vld [tilespmem:s10+$0x6470]  }
0x461: {  	s10 =	sshra.s32 s16, $0x2;
	v3 =	vld [tilespmem:s12+$0x6470];
	s12 =	sshll.u32 s25, $0x9  }
0x462: {  	p0 =	slt.u32 s25, $0xC8;
	v4 =	vld [tilespmem:s10+$0x6400];
	s13 =	sadd.s32 $0xFFFE7000, s12  }
0x463: {  	s26 =	sadd.s32 $0x304, s24;
	[tilespmem:s7+$0xFFFFFEF0] =	vst.add.f32.msk $0xffff, v1;
	s13 =	smov.u32 @p0 s12  }
0x464: {  	s17 =	sshll.u32 s26, $0x9;
	v1 =	vld [tilespmem:s23+$0x6470];
	s18 =	sshra.s32 s13, $0x2  }
0x465: {  	p0 =	slt.u32 s26, $0xC8;
	s13 =	sadd.s32 $0xFFFE7000, s17;
	v2 =	vld [tilespmem:s18+$0x6400]  }
0x466: {  	s9 =	simm.s32 $0x14BF0;
	s13 =	smov.u32 @p0 s17;
	[tilespmem:s7+$0xFFFFFE80] =	vst.add.f32.msk $0xffff, v3  }
0x467: {  	s4 =	sadd.s32 $0x306, s24;
	s13 =	sshra.s32 s13, $0x2;
	[tilespmem:s9+$0xFFFFFE90] =	vst.add.f32.msk $0xffff, v4  }
0x468: {  	s12 =	sshll.u32 s4, $0x9;
	v3 =	vld [tilespmem:s13+$0x6400]  }
0x469: {  	s16 =	sadd.s32 $0xFFFE7000, s12;
	p0 =	slt.u32 s4, $0xC8;
	v4 =	vld [tilespmem:s10+$0x6410]  }
0x46a: {  	s16 =	smov.u32 @p0 s12;
	[tilespmem:s9+$0xFFFFFF90] =	vst.add.f32.msk $0xffff, v2  }
0x46b: {  	s12 =	sshra.s32 s16, $0x2;
	v2 =	vld [tilespmem:s18+$0x6410]  }
0x46c: {  	v5 =	vld [tilespmem:s12+$0x6400]  }
0x46d: {  	[tilespmem:s9+$0xFFFFFE10] =	vst.add.f32.msk $0xffff, v3  }
0x46e: {  	[tilespmem:s9+$0xFFFFFEA0] =	vst.add.f32.msk $0xffff, v4  }
0x46f: {  	v3 =	vld [tilespmem:s13+$0x6410]  }
0x470: {  	[tilespmem:s9+$0xFFFFFFA0] =	vst.add.f32.msk $0xffff, v2  }
0x471: {  	v2 =	vld [tilespmem:s18+$0x6420]  }
0x472: {  	[tilespmem:s9+$0xFFFFFF10] =	vst.add.f32.msk $0xffff, v5  }
0x473: {  	v4 =	vld [tilespmem:s10+$0x6420]  }
0x474: {  	v5 =	vld [tilespmem:s12+$0x6410]  }
0x475: {  	[tilespmem:s9+$0xFFFFFE20] =	vst.add.f32.msk $0xffff, v3  }
0x476: {  	[tilespmem:s9+$0xFFFFFFB0] =	vst.add.f32.msk $0xffff, v2  }
0x477: {  	v2 =	vld [tilespmem:s18+$0x6430]  }
0x478: {  	[tilespmem:s9+$0xFFFFFEB0] =	vst.add.f32.msk $0xffff, v4  }
0x479: {  	[tilespmem:s9+$0xFFFFFF20] =	vst.add.f32.msk $0xffff, v5  }
0x47a: {  	v3 =	vld [tilespmem:s13+$0x6420]  }
0x47b: {  	v4 =	vld [tilespmem:s10+$0x6430]  }
0x47c: {  	[tilespmem:s9+$0xFFFFFFC0] =	vst.add.f32.msk $0xffff, v2  }
0x47d: {  	v2 =	vld [tilespmem:s18+$0x6440]  }
0x47e: {  	v5 =	vld [tilespmem:s12+$0x6420]  }
0x47f: {  	[tilespmem:s9+$0xFFFFFE30] =	vst.add.f32.msk $0xffff, v3  }
0x480: {  	[tilespmem:s9+$0xFFFFFEC0] =	vst.add.f32.msk $0xffff, v4  }
0x481: {  	v3 =	vld [tilespmem:s13+$0x6430]  }
0x482: {  	[tilespmem:s9+$0xFFFFFFD0] =	vst.add.f32.msk $0xffff, v2  }
0x483: {  	v2 =	vld [tilespmem:s18+$0x6450]  }
0x484: {  	[tilespmem:s9+$0xFFFFFF30] =	vst.add.f32.msk $0xffff, v5  }
0x485: {  	v4 =	vld [tilespmem:s10+$0x6440]  }
0x486: {  	v5 =	vld [tilespmem:s12+$0x6430]  }
0x487: {  	[tilespmem:s9+$0xFFFFFE40] =	vst.add.f32.msk $0xffff, v3  }
0x488: {  	[tilespmem:s9+$0xFFFFFFE0] =	vst.add.f32.msk $0xffff, v2  }
0x489: {  	v2 =	vld [tilespmem:s18+$0x6460]  }
0x48a: {  	[tilespmem:s9+$0xFFFFFED0] =	vst.add.f32.msk $0xffff, v4  }
0x48b: {  	v3 =	vld [tilespmem:s13+$0x6440]  }
0x48c: {  	[tilespmem:s9+$0xFFFFFF40] =	vst.add.f32.msk $0xffff, v5  }
0x48d: {  	v5 =	vld [tilespmem:s12+$0x6440]  }
0x48e: {  	[tilespmem:s9+$0xFFFFFFF0] =	vst.add.f32.msk $0xffff, v2  }
0x48f: {  	v2 =	vld [tilespmem:s18+$0x6470]  }
0x490: {  	[tilespmem:s9+$0xFFFFFE50] =	vst.add.f32.msk $0xffff, v3  }
0x491: {  	v3 =	vld [tilespmem:s13+$0x6450]  }
0x492: {  	[tilespmem:s9+$0xFFFFFF50] =	vst.add.f32.msk $0xffff, v5  }
0x493: {  	v4 =	vld [tilespmem:s12+$0x6450]  }
0x494: {  	[tilespmem:s9+$0x0] =	vst.add.f32.msk $0xffff, v2  }
0x495: {  	v2 =	vld [tilespmem:s10+$0x6450]  }
0x496: {  	[tilespmem:s7+$0xFFFFFF00] =	vst.add.f32.msk $0xffff, v1  }
0x497: {  	[tilespmem:s9+$0xFFFFFE60] =	vst.add.f32.msk $0xffff, v3  }
0x498: {  	v3 =	vld [tilespmem:s13+$0x6460]  }
0x499: {  	[tilespmem:s9+$0xFFFFFF60] =	vst.add.f32.msk $0xffff, v4  }
0x49a: {  	[tilespmem:s9+$0xFFFFFEE0] =	vst.add.f32.msk $0xffff, v2  }
0x49b: {  	v2 =	vld [tilespmem:s10+$0x6460]  }
0x49c: {  	s16 =	simm.s32 $0x4;
	v1 =	vld [tilespmem:s12+$0x6460]  }
.LBB2_15:
0x49d: {  	s4 =	sadd.s32 s16, s8;
	s16 =	sadd.s32 $0x4, s16;
	[tilespmem:s9+$0xFFFFFE70] =	vst.add.f32.msk $0xffff, v3  }
0x49e: {  	s18 =	sadd.s32 $0x304, s4;
	s17 =	sadd.s32 $0x307, s4;
	p0 =	slt.u32 s16, $0x7C;
	v3 =	vld [tilespmem:s13+$0x6470]  }
0x49f: {  	s13 =	sadd.s32 $0x305, s4;
	s4 =	sadd.s32 $0x306, s4;
	s20 =	sshll.u32 s17, $0x9;
	[tilespmem:s7+$0xFFFFFF80] =	vst.add.f32.msk $0xffff, v0  }
0x4a0: {  	s7 =	sshll.u32 s18, $0x9;
	p1 =	slt.u32 s17, $0xC8;
	s17 =	sadd.s32 $0xFFFE7000, s20;
	[tilespmem:s9+$0xFFFFFEF0] =	vst.add.f32.msk $0xffff, v2  }
0x4a1: {  	s21 =	sshll.u32 s13, $0x9;
	s23 =	sshll.u32 s4, $0x9;
	s17 =	smov.u32 @p1 s20;
	[tilespmem:s9+$0xFFFFFF70] =	vst.add.f32.msk $0xffff, v1  }
0x4a2: {  	s24 =	sadd.s32 $0xFFFE7000, s21;
	s20 =	sadd.s32 $0xFFFE7000, s7;
	s17 =	sshra.s32 s17, $0x2;
	v1 =	vld [tilespmem:s10+$0x6470]  }
0x4a3: {  	p2 =	slt.u32 s13, $0xC8;
	p1 =	slt.u32 s18, $0xC8;
	s18 =	sadd.s32 $0xFFFE7000, s23;
	v2 =	vld [tilespmem:s17+$0x6400]  }
0x4a4: {  	s24 =	smov.u32 @p2 s21;
	s20 =	smov.u32 @p1 s7;
	p1 =	slt.u32 s4, $0xC8;
	v0 =	vld [tilespmem:s12+$0x6470]  }
0x4a5: {  	s10 =	sshra.s32 s24, $0x2;
	s13 =	sshra.s32 s20, $0x2;
	s18 =	smov.u32 @p1 s23;
	[tilespmem:s9+$0xFFFFFE80] =	vst.add.f32.msk $0xffff, v3  }
0x4a6: {  	s7 =	smov.u32 s9;
	s12 =	sshra.s32 s18, $0x2;
	v3 =	vld [tilespmem:s13+$0x6400]  }
0x4a7: {  	s9 =	sadd.s32 $0x200, s9;
	v4 =	vld [tilespmem:s10+$0x6400]  }
0x4a8: {  	[tilespmem:s9+$0xFFFFFF90] =	vst.add.f32.msk $0xffff, v2  }
0x4a9: {  	v2 =	vld [tilespmem:s17+$0x6410]  }
0x4aa: {  	v5 =	vld [tilespmem:s12+$0x6400]  }
0x4ab: {  	[tilespmem:s9+$0xFFFFFE10] =	vst.add.f32.msk $0xffff, v3  }
0x4ac: {  	[tilespmem:s9+$0xFFFFFE90] =	vst.add.f32.msk $0xffff, v4  }
0x4ad: {  	v3 =	vld [tilespmem:s13+$0x6410]  }
0x4ae: {  	[tilespmem:s9+$0xFFFFFFA0] =	vst.add.f32.msk $0xffff, v2  }
0x4af: {  	v2 =	vld [tilespmem:s17+$0x6420]  }
0x4b0: {  	[tilespmem:s9+$0xFFFFFF10] =	vst.add.f32.msk $0xffff, v5  }
0x4b1: {  	v4 =	vld [tilespmem:s10+$0x6410]  }
0x4b2: {  	v5 =	vld [tilespmem:s12+$0x6410]  }
0x4b3: {  	[tilespmem:s9+$0xFFFFFE20] =	vst.add.f32.msk $0xffff, v3  }
0x4b4: {  	[tilespmem:s9+$0xFFFFFFB0] =	vst.add.f32.msk $0xffff, v2  }
0x4b5: {  	v2 =	vld [tilespmem:s17+$0x6430]  }
0x4b6: {  	[tilespmem:s9+$0xFFFFFEA0] =	vst.add.f32.msk $0xffff, v4  }
0x4b7: {  	[tilespmem:s9+$0xFFFFFF20] =	vst.add.f32.msk $0xffff, v5  }
0x4b8: {  	v3 =	vld [tilespmem:s13+$0x6420]  }
0x4b9: {  	v4 =	vld [tilespmem:s10+$0x6420]  }
0x4ba: {  	[tilespmem:s9+$0xFFFFFFC0] =	vst.add.f32.msk $0xffff, v2  }
0x4bb: {  	v2 =	vld [tilespmem:s17+$0x6440]  }
0x4bc: {  	v5 =	vld [tilespmem:s12+$0x6420]  }
0x4bd: {  	[tilespmem:s9+$0xFFFFFE30] =	vst.add.f32.msk $0xffff, v3  }
0x4be: {  	[tilespmem:s9+$0xFFFFFEB0] =	vst.add.f32.msk $0xffff, v4  }
0x4bf: {  	v3 =	vld [tilespmem:s13+$0x6430]  }
0x4c0: {  	[tilespmem:s9+$0xFFFFFFD0] =	vst.add.f32.msk $0xffff, v2  }
0x4c1: {  	v2 =	vld [tilespmem:s17+$0x6450]  }
0x4c2: {  	[tilespmem:s9+$0xFFFFFF30] =	vst.add.f32.msk $0xffff, v5  }
0x4c3: {  	v4 =	vld [tilespmem:s10+$0x6430]  }
0x4c4: {  	v5 =	vld [tilespmem:s12+$0x6430]  }
0x4c5: {  	[tilespmem:s9+$0xFFFFFE40] =	vst.add.f32.msk $0xffff, v3  }
0x4c6: {  	[tilespmem:s9+$0xFFFFFFE0] =	vst.add.f32.msk $0xffff, v2  }
0x4c7: {  	v2 =	vld [tilespmem:s17+$0x6460]  }
0x4c8: {  	[tilespmem:s9+$0xFFFFFEC0] =	vst.add.f32.msk $0xffff, v4  }
0x4c9: {  	[tilespmem:s9+$0xFFFFFF40] =	vst.add.f32.msk $0xffff, v5  }
0x4ca: {  	v3 =	vld [tilespmem:s13+$0x6440]  }
0x4cb: {  	v4 =	vld [tilespmem:s10+$0x6440]  }
0x4cc: {  	[tilespmem:s9+$0xFFFFFFF0] =	vst.add.f32.msk $0xffff, v2  }
0x4cd: {  	v2 =	vld [tilespmem:s17+$0x6470]  }
0x4ce: {  	v5 =	vld [tilespmem:s12+$0x6440]  }
0x4cf: {  	[tilespmem:s9+$0xFFFFFE50] =	vst.add.f32.msk $0xffff, v3  }
0x4d0: {  	[tilespmem:s9+$0xFFFFFED0] =	vst.add.f32.msk $0xffff, v4  }
0x4d1: {  	v3 =	vld [tilespmem:s13+$0x6450]  }
0x4d2: {  	[tilespmem:s9+$0x0] =	vst.add.f32.msk $0xffff, v2  }
0x4d3: {  	[tilespmem:s9+$0xFFFFFF50] =	vst.add.f32.msk $0xffff, v5  }
0x4d4: {  	v2 =	vld [tilespmem:s10+$0x6450]  }
0x4d5: {  	v4 =	vld [tilespmem:s12+$0x6450]  }
0x4d6: {  	[tilespmem:s9+$0xFFFFFE60] =	vst.add.f32.msk $0xffff, v3  }
0x4d7: {  	v3 =	vld [tilespmem:s13+$0x6460]  }
.Ltmp6:
0x4d8: {  	[tilespmem:s7+$0xFFFFFF00] =	vst.add.f32.msk $0xffff, v1;
	(pc) =	sbr.rel @p0 .LBB2_15-.Ltmp6, $4  }
0x4d9: {  	[tilespmem:s9+$0xFFFFFEE0] =	vst.add.f32.msk $0xffff, v2  }
0x4da: {  	[tilespmem:s9+$0xFFFFFF60] =	vst.add.f32.msk $0xffff, v4  }
0x4db: {  	v2 =	vld [tilespmem:s10+$0x6460]  }
0x4dc: {  	v1 =	vld [tilespmem:s12+$0x6460]  }
0x4dd: {  	_ = 	snop  }
0x4de: {  	[tilespmem:s9+$0xFFFFFE70] =	vst.add.f32.msk $0xffff, v3  }
0x4df: {  	v3 =	vld [tilespmem:s13+$0x6470]  }
0x4e0: {  	[tilespmem:s9+$0xFFFFFEF0] =	vst.add.f32.msk $0xffff, v2  }
0x4e1: {  	[tilespmem:s9+$0xFFFFFF70] =	vst.add.f32.msk $0xffff, v1  }
0x4e2: {  	v62 =	vld [tilespmem:s10+$0x6470]  }
0x4e3: {  	s22 =	sadd.s32 $0x1, s22;
	v63 =	vld [tilespmem:s12+$0x6470]  }
0x4e4: {  	p0 =	sne.s32 s22, $0x31  }
.Ltmp7:
0x4e5: {  	[tilespmem:s7+$0xFFFFFF80] =	vst.add.f32.msk $0xffff, v0;
	(pc) =	sbr.rel @p0 .LBB2_8-.Ltmp7, $4  }
0x4e6: {  	s4 =	sadd.s32 s5, s11;
	s28 =	simm.s32 $0x14800;
	s2 =	sadd.s32 $0x200, s2;
	[tilespmem:s9+$0xFFFFFE80] =	vst.add.f32.msk $0xffff, v3  }
0x4e7: {  	s0 =	sadd.s32 $0x200, s0;
	s3 =	sadd.s32 $0x200, s3;
	s4 =	sshll.u32 s4, $0x4;
	[tilespmem:s9+$0xFFFFFF00] =	vst.add.f32.msk $0xffff, v62  }
0x4e8: {  	s14 =	sadd.s32 $0x200, s14;
	s19 =	sadd.s32 $0x200, s19;
	s4 =	sadd.s32 s29, s4;
	[tilespmem:s9+$0xFFFFFF80] =	vst.add.f32.msk $0xffff, v63  }
0x4e9: {  	[hbm4b:s4+s1] =	stream.linear.scatter [tilespmem:s28], [sflag:$0x7], $0x4000, $0x38;
	[tilespmem:$0x1C800] =	vst v63  }
0x4ea: {  	s0 =	simm.s32 $0x4  }
0x4eb: {  	_ =	swait.ge [sflag:s0], $0x4000  }
0x4ec: {  	[sflag:s0] =	ssyncset.done $0x0  }
0x4ed: {  	[sflag:s0] =	ssyncadd.s32 $0xFFFFC000;
	s0 =	simm.s32 $0x0  }
0x4ee: {  	v0 =	vld [tilespmem:s0+$0x89F0]  }
0x4ef: {  	v1 =	vld [tilespmem:s0+$0x8800]  }
0x4f0: {  	v2 =	vld [tilespmem:s0+$0x8810]  }
0x4f1: {  	v3 =	vld [tilespmem:s0+$0x8820]  }
0x4f2: {  	v4 =	vld [tilespmem:s0+$0x8830]  }
0x4f3: {  	v5 =	vld [tilespmem:s0+$0x8840]  }
0x4f4: {  	v6 =	vld [tilespmem:s0+$0x8850]  }
0x4f5: {  	v7 =	vld [tilespmem:s0+$0x8860]  }
0x4f6: {  	v8 =	vld [tilespmem:s0+$0x8870]  }
0x4f7: {  	v9 =	vld [tilespmem:s0+$0x8880]  }
0x4f8: {  	v10 =	vld [tilespmem:s0+$0x8890]  }
0x4f9: {  	v11 =	vld [tilespmem:s0+$0x88A0]  }
0x4fa: {  	v12 =	vld [tilespmem:s0+$0x88B0]  }
0x4fb: {  	v13 =	vld [tilespmem:s0+$0x88C0]  }
0x4fc: {  	v14 =	vld [tilespmem:s0+$0x88D0]  }
0x4fd: {  	v15 =	vld [tilespmem:s0+$0x88E0]  }
0x4fe: {  	v16 =	vld [tilespmem:s0+$0x88F0]  }
0x4ff: {  	v17 =	vld [tilespmem:s0+$0x8900]  }
0x500: {  	v18 =	vld [tilespmem:s0+$0x8910]  }
0x501: {  	v19 =	vld [tilespmem:s0+$0x8920]  }
0x502: {  	v20 =	vld [tilespmem:s0+$0x8930]  }
0x503: {  	v21 =	vld [tilespmem:s0+$0x8940]  }
0x504: {  	v22 =	vld [tilespmem:s0+$0x8950]  }
0x505: {  	v23 =	vld [tilespmem:s0+$0x8960]  }
0x506: {  	v24 =	vld [tilespmem:s0+$0x8970]  }
0x507: {  	v25 =	vld [tilespmem:s0+$0x8980]  }
0x508: {  	v26 =	vld [tilespmem:s0+$0x8990]  }
0x509: {  	v27 =	vld [tilespmem:s0+$0x89A0]  }
0x50a: {  	v28 =	vld [tilespmem:s0+$0x89B0]  }
0x50b: {  	v29 =	vld [tilespmem:s0+$0x89C0]  }
0x50c: {  	v30 =	vld [tilespmem:s0+$0x89D0]  }
0x50d: {  	[tilespmem:s0+$0x189F0] =	vst.add.f32.msk $0xffff, v0  }
0x50e: {  	v0 =	vld [tilespmem:s0+$0x89E0]  }
0x50f: {  	[tilespmem:s0+$0x18800] =	vst.add.f32.msk $0xffff, v1  }
0x510: {  	[tilespmem:s0+$0x18810] =	vst.add.f32.msk $0xffff, v2  }
0x511: {  	[tilespmem:s0+$0x18820] =	vst.add.f32.msk $0xffff, v3  }
0x512: {  	[tilespmem:s0+$0x18830] =	vst.add.f32.msk $0xffff, v4  }
0x513: {  	[tilespmem:s0+$0x18840] =	vst.add.f32.msk $0xffff, v5  }
0x514: {  	[tilespmem:s0+$0x18850] =	vst.add.f32.msk $0xffff, v6  }
0x515: {  	[tilespmem:s0+$0x18860] =	vst.add.f32.msk $0xffff, v7  }
0x516: {  	[tilespmem:s0+$0x18870] =	vst.add.f32.msk $0xffff, v8  }
0x517: {  	[tilespmem:s0+$0x18880] =	vst.add.f32.msk $0xffff, v9  }
0x518: {  	[tilespmem:s0+$0x18890] =	vst.add.f32.msk $0xffff, v10  }
0x519: {  	[tilespmem:s0+$0x188A0] =	vst.add.f32.msk $0xffff, v11  }
0x51a: {  	[tilespmem:s0+$0x188B0] =	vst.add.f32.msk $0xffff, v12  }
0x51b: {  	[tilespmem:s0+$0x188C0] =	vst.add.f32.msk $0xffff, v13  }
0x51c: {  	[tilespmem:s0+$0x188D0] =	vst.add.f32.msk $0xffff, v14  }
0x51d: {  	[tilespmem:s0+$0x188E0] =	vst.add.f32.msk $0xffff, v15  }
0x51e: {  	[tilespmem:s0+$0x188F0] =	vst.add.f32.msk $0xffff, v16  }
0x51f: {  	[tilespmem:s0+$0x18900] =	vst.add.f32.msk $0xffff, v17  }
0x520: {  	[tilespmem:s0+$0x18910] =	vst.add.f32.msk $0xffff, v18  }
0x521: {  	[tilespmem:s0+$0x18920] =	vst.add.f32.msk $0xffff, v19  }
0x522: {  	[tilespmem:s0+$0x18930] =	vst.add.f32.msk $0xffff, v20  }
0x523: {  	[tilespmem:s0+$0x18940] =	vst.add.f32.msk $0xffff, v21  }
0x524: {  	[tilespmem:s0+$0x18950] =	vst.add.f32.msk $0xffff, v22  }
0x525: {  	[tilespmem:s0+$0x18960] =	vst.add.f32.msk $0xffff, v23  }
0x526: {  	[tilespmem:s0+$0x18970] =	vst.add.f32.msk $0xffff, v24  }
0x527: {  	[tilespmem:s0+$0x18980] =	vst.add.f32.msk $0xffff, v25  }
0x528: {  	[tilespmem:s0+$0x18990] =	vst.add.f32.msk $0xffff, v26  }
0x529: {  	[tilespmem:s0+$0x189A0] =	vst.add.f32.msk $0xffff, v27  }
0x52a: {  	[tilespmem:s0+$0x189B0] =	vst.add.f32.msk $0xffff, v28  }
0x52b: {  	[tilespmem:s0+$0x189C0] =	vst.add.f32.msk $0xffff, v29  }
0x52c: {  	s2 =	simm.s32 $0x0;
	s3 =	simm.s32 $0x800;
	[tilespmem:s0+$0x189D0] =	vst.add.f32.msk $0xffff, v30  }
.LBB2_18:
0x52d: {  	s2 =	sadd.s32 $0x4, s2;
	[tilespmem:s0+$0x189E0] =	vst.add.f32.msk $0xffff, v0;
	s0 =	sshra.s32 s3, $0x2  }
0x52e: {  	v0 =	vld [tilespmem:s0+$0x89F0];
	p0 =	slt.u32 s2, $0x7C  }
0x52f: {  	v1 =	vld [tilespmem:s0+$0x8800]  }
0x530: {  	v2 =	vld [tilespmem:s0+$0x8810]  }
0x531: {  	v3 =	vld [tilespmem:s0+$0x8820]  }
0x532: {  	v4 =	vld [tilespmem:s0+$0x8830]  }
0x533: {  	[tilespmem:s0+$0x189F0] =	vst.add.f32.msk $0xffff, v0  }
0x534: {  	v5 =	vld [tilespmem:s0+$0x8840]  }
0x535: {  	v6 =	vld [tilespmem:s0+$0x8850]  }
0x536: {  	v7 =	vld [tilespmem:s0+$0x8860]  }
0x537: {  	v8 =	vld [tilespmem:s0+$0x8870]  }
0x538: {  	v9 =	vld [tilespmem:s0+$0x8880]  }
0x539: {  	v10 =	vld [tilespmem:s0+$0x8890]  }
0x53a: {  	v11 =	vld [tilespmem:s0+$0x88A0]  }
0x53b: {  	v12 =	vld [tilespmem:s0+$0x88B0]  }
0x53c: {  	v13 =	vld [tilespmem:s0+$0x88C0]  }
0x53d: {  	v14 =	vld [tilespmem:s0+$0x88D0]  }
0x53e: {  	v15 =	vld [tilespmem:s0+$0x88E0]  }
0x53f: {  	v16 =	vld [tilespmem:s0+$0x88F0]  }
0x540: {  	v17 =	vld [tilespmem:s0+$0x8900]  }
0x541: {  	v18 =	vld [tilespmem:s0+$0x8910]  }
0x542: {  	v19 =	vld [tilespmem:s0+$0x8920]  }
0x543: {  	v20 =	vld [tilespmem:s0+$0x8930]  }
0x544: {  	v21 =	vld [tilespmem:s0+$0x8940]  }
0x545: {  	v22 =	vld [tilespmem:s0+$0x8950]  }
0x546: {  	v23 =	vld [tilespmem:s0+$0x8960]  }
0x547: {  	v24 =	vld [tilespmem:s0+$0x8970]  }
0x548: {  	v25 =	vld [tilespmem:s0+$0x8980]  }
0x549: {  	v26 =	vld [tilespmem:s0+$0x8990]  }
0x54a: {  	v27 =	vld [tilespmem:s0+$0x89A0]  }
0x54b: {  	v28 =	vld [tilespmem:s0+$0x89B0]  }
0x54c: {  	v29 =	vld [tilespmem:s0+$0x89C0]  }
0x54d: {  	v30 =	vld [tilespmem:s0+$0x89D0]  }
0x54e: {  	v0 =	vld [tilespmem:s0+$0x89E0]  }
0x54f: {  	[tilespmem:s0+$0x18800] =	vst.add.f32.msk $0xffff, v1  }
0x550: {  	[tilespmem:s0+$0x18810] =	vst.add.f32.msk $0xffff, v2  }
0x551: {  	[tilespmem:s0+$0x18820] =	vst.add.f32.msk $0xffff, v3  }
0x552: {  	[tilespmem:s0+$0x18830] =	vst.add.f32.msk $0xffff, v4  }
0x553: {  	[tilespmem:s0+$0x18840] =	vst.add.f32.msk $0xffff, v5  }
0x554: {  	[tilespmem:s0+$0x18850] =	vst.add.f32.msk $0xffff, v6  }
0x555: {  	[tilespmem:s0+$0x18860] =	vst.add.f32.msk $0xffff, v7  }
0x556: {  	[tilespmem:s0+$0x18870] =	vst.add.f32.msk $0xffff, v8  }
0x557: {  	[tilespmem:s0+$0x18880] =	vst.add.f32.msk $0xffff, v9  }
0x558: {  	[tilespmem:s0+$0x18890] =	vst.add.f32.msk $0xffff, v10  }
0x559: {  	[tilespmem:s0+$0x188A0] =	vst.add.f32.msk $0xffff, v11  }
0x55a: {  	[tilespmem:s0+$0x188B0] =	vst.add.f32.msk $0xffff, v12  }
0x55b: {  	[tilespmem:s0+$0x188C0] =	vst.add.f32.msk $0xffff, v13  }
0x55c: {  	[tilespmem:s0+$0x188D0] =	vst.add.f32.msk $0xffff, v14  }
0x55d: {  	[tilespmem:s0+$0x188E0] =	vst.add.f32.msk $0xffff, v15  }
0x55e: {  	[tilespmem:s0+$0x188F0] =	vst.add.f32.msk $0xffff, v16  }
0x55f: {  	[tilespmem:s0+$0x18900] =	vst.add.f32.msk $0xffff, v17  }
0x560: {  	[tilespmem:s0+$0x18910] =	vst.add.f32.msk $0xffff, v18  }
0x561: {  	[tilespmem:s0+$0x18920] =	vst.add.f32.msk $0xffff, v19  }
0x562: {  	[tilespmem:s0+$0x18930] =	vst.add.f32.msk $0xffff, v20  }
0x563: {  	[tilespmem:s0+$0x18940] =	vst.add.f32.msk $0xffff, v21  }
0x564: {  	[tilespmem:s0+$0x18950] =	vst.add.f32.msk $0xffff, v22  }
0x565: {  	[tilespmem:s0+$0x18960] =	vst.add.f32.msk $0xffff, v23  }
0x566: {  	[tilespmem:s0+$0x18970] =	vst.add.f32.msk $0xffff, v24  }
0x567: {  	[tilespmem:s0+$0x18980] =	vst.add.f32.msk $0xffff, v25  }
.Ltmp8:
0x568: {  	[tilespmem:s0+$0x18990] =	vst.add.f32.msk $0xffff, v26;
	(pc) =	sbr.rel @p0 .LBB2_18-.Ltmp8, $4  }
0x569: {  	[tilespmem:s0+$0x189A0] =	vst.add.f32.msk $0xffff, v27  }
0x56a: {  	[tilespmem:s0+$0x189B0] =	vst.add.f32.msk $0xffff, v28  }
0x56b: {  	[tilespmem:s0+$0x189C0] =	vst.add.f32.msk $0xffff, v29  }
0x56c: {  	s3 =	sadd.s32 $0x800, s3;
	[tilespmem:s0+$0x189D0] =	vst.add.f32.msk $0xffff, v30  }
0x56d: {  	[tilespmem:s0+$0x189E0] =	vst.add.f32.msk $0xffff, v0  }
0x56e: {  	s2 =	simm.s32 $0x18800;
	s23 =	simm.s32 $0x5;
	s0 =	rddreg [dreg:$0x9]  }
0x56f: {  	[hbm4b:s0+s1] =	stream.linear.scatter [tilespmem:s2], [sflag:$0x8], $0x4000, $0x38;
	[tilespmem:$0x1C800] =	vst v63  }
0x570: {  	_ =	swait.ge [sflag:s23], $0x4000  }
0x571: {  	[sflag:s23] =	ssyncset.done $0x0  }
0x572: {  	s24 =	simm.s32 $0x6;
	[sflag:s23] =	ssyncadd.s32 $0xFFFFC000  }
0x573: {  	_ =	swait.ge [sflag:s24], $0x4000  }
0x574: {  	[sflag:s24] =	ssyncset.done $0x0  }
0x575: {  	s25 =	simm.s32 $0x7;
	[sflag:s24] =	ssyncadd.s32 $0xFFFFC000  }
0x576: {  	_ =	swait.ge [sflag:s25], $0x4000  }
0x577: {  	[sflag:s25] =	ssyncset.done $0x0  }
0x578: {  	s26 =	simm.s32 $0x8;
	[sflag:s25] =	ssyncadd.s32 $0xFFFFC000  }
0x579: {  	_ =	swait.ge [sflag:s26], $0x4000  }
0x57a: {  	s3 =	rddreg [dreg:$0xb]  }
0x57b: {  	s28 =	rddreg [dreg:$0xa];
	s3 =	sadd.s32 $0x1, s3  }
0x57c: {  	p0 =	sne.s32 s3, s28  }
.Ltmp9:
0x57d: {  	_ = 	snop;
	(pc) =	sbr.rel @p0 .LBB2_1-.Ltmp9, $3  }
0x57e: {  	_ =	sdelay $0x1  }
0x57f: {  	[sflag:s26] =	ssyncset.done $0x0  }
0x580: {  	[sflag:s26] =	ssyncadd.s32 $0xFFFFC000  }
0x581: {  	_ =	sfence.sel $0x180000  }
0x582: {  	[bflag:$0x0] =	sbarrier.arrive $0xFFFF  }
0x583: {  	_ =	strace $0x90000047  }
0x584: {  	s0 =	stileid.u32;
	[bflag:$0x2] =	sbarrier.arrive $0xFFFF  }
0x585: {  	p0 =	sne.s32 s0, $0x0;
	s0 =	rddreg [dreg:$0x4]  }
0x586: {  	s0 =	sadd.s32 @!p0 $0x100000, s0  }
0x587: {  	[sflag:s0] =	ssyncadd.tile.s32 @!p0 $0x1;
	_ =	shalt  }
.Lfunc_end2:
_tile_overlayer_lowered:
.L_overlay_start_2:
0x588: {  	(tag) =	ssettag $0x2  }
0x589: {  	s0 =	rddreg [dreg:$0x0];
	s2 =	stileid.u32  }
0x58a: {  	s1 =	rddreg [dreg:$0x1];
	p0 =	sne.s32 s2, $0x0  }
0x58b: {  	s3 =	rddreg [dreg:$0x2];
	[bflag:$0x3] =	sbarrier.arrive $0xFFFF;
	s2 =	simm.s32 @!p0 $0x1C09  }
0x58c: {  	[timem:s3], [sflag:s2] =	dma.local @!p0 [hbm:s0], s1  }
0x58d: {  	s0 =	simm.s32 @!p0 $0x9  }
0x58e: {  	_ =	swait.ge @!p0 [sflag:s0], s1  }
0x58f: {  	s1 =	ssub.s32 @!p0 $0x0, s1;
	[sflag:s0] =	ssyncset.done @!p0 $0x0  }
0x590: {  	[sflag:s0] =	ssyncadd.s32 @!p0 s1  }
0x591: {  	[bflag:$0x3] =	sbarrier.arrive $0xFFFF  }
0x592: {  	_ =	shalt  }

</sc_bundles>
